<compile_context>
chip_gen: v7x
topology: tpu7x:2x2x1
jax: 0.10.2.dev20260603
libtpu: 0.0.44.dev20260713+nightly
codegen_flags: <defaults>
</compile_context>

<pallas_src>
import functools

import jax
import jax.numpy as jnp
from jax import lax
from jax.experimental import pallas as pl
from jax.experimental.pallas import tpu as pltpu
from jax.experimental.pallas import tpu_sc as plsc

N = 100000
E = 1600000
NC, NS = 2, 16
NW = NC * NS
BLK = 128
NP = 100096
NCH = NP // NS
F = 8

EW = E // NW
NB_W = EW // BLK
TW_W = EW - NB_W * BLK
ET = E // NS
NB_T = ET // BLK
TW_T = ET - NB_T * BLK

RB = 2000
GRID = N // RB


def _mesh():
    return plsc.VectorSubcoreMesh(core_axis_name="c", subcore_axis_name="s")


_SC_PARAMS = pltpu.CompilerParams(use_tc_tiling_on_sc=False)


def _sc_degree(dst):

    @functools.partial(
        pl.kernel,
        out_type=jax.ShapeDtypeStruct((NC * NP, F), jnp.float32),
        mesh=_mesh(),
        compiler_params=_SC_PARAMS,
        scratch_types=[
            pltpu.VMEM_SHARED((NP, F), jnp.float32),
            pltpu.VMEM((NCH, F), jnp.float32),
            pltpu.VMEM((BLK, F), jnp.float32),
            pltpu.VMEM((TW_W, F), jnp.float32),
            pltpu.VMEM((BLK,), jnp.int32),
            pltpu.VMEM((TW_W,), jnp.int32),
        ],
    )
    def deg_kernel(dst_hbm, zeros_hbm, ones_hbm, deg2_hbm,
                   deg_sh, stage, ones_v, ones_t, didx, didx_t):
        c = lax.axis_index("c")
        s = lax.axis_index("s")
        wid = s * NC + c
        pltpu.sync_copy(zeros_hbm.at[pl.ds(s * NCH, NCH)], stage)
        pltpu.sync_copy(stage, deg_sh.at[pl.ds(s * NCH, NCH)])
        pltpu.sync_copy(ones_hbm, ones_v)
        pltpu.sync_copy(ones_hbm.at[pl.ds(0, TW_W)], ones_t)
        plsc.subcore_barrier()
        base = wid * EW

        @pl.loop(0, NB_W)
        def _(j):
            pltpu.sync_copy(dst_hbm.at[pl.ds(base + j * BLK, BLK)], didx)
            pltpu.sync_copy(ones_v, deg_sh.at[didx], add=True)

        pltpu.sync_copy(dst_hbm.at[pl.ds(base + NB_W * BLK, TW_W)], didx_t)
        pltpu.sync_copy(ones_t, deg_sh.at[didx_t], add=True)
        plsc.subcore_barrier()
        pltpu.sync_copy(deg_sh.at[pl.ds(s * NCH, NCH)], stage)
        pltpu.sync_copy(stage, deg2_hbm.at[pl.ds(c * NP + s * NCH, NCH)])

    zeros, ones = lax.optimization_barrier(
        (jnp.zeros((NP, F), jnp.float32), jnp.ones((BLK, F), jnp.float32)))
    return deg_kernel(dst, zeros, ones)


def _sc_agg8(src, dst, p1):

    @functools.partial(
        pl.kernel,
        out_type=jax.ShapeDtypeStruct((NC * NP, F), jnp.float32),
        mesh=_mesh(),
        compiler_params=_SC_PARAMS,
        scratch_types=[
            pltpu.VMEM_SHARED((NP, F), jnp.float32),
            pltpu.VMEM((NCH, F), jnp.float32),
            pltpu.VMEM((BLK,), jnp.int32),
            pltpu.VMEM((BLK,), jnp.int32),
            pltpu.VMEM((BLK, F), jnp.float32),
            pltpu.VMEM((TW_W,), jnp.int32),
            pltpu.VMEM((TW_W,), jnp.int32),
            pltpu.VMEM((TW_W, F), jnp.float32),
            pltpu.SemaphoreType.DMA,
        ],
    )
    def agg_kernel(src_hbm, dst_hbm, p1_hbm, zeros_hbm, u1_hbm,
                   agg_sh, stage, sidx, didx, rows, sidx_t, didx_t, rows_t,
                   sem):
        c = lax.axis_index("c")
        s = lax.axis_index("s")
        wid = s * NC + c
        pltpu.sync_copy(zeros_hbm.at[pl.ds(s * NCH, NCH)], stage)
        pltpu.sync_copy(stage, agg_sh.at[pl.ds(s * NCH, NCH)])
        plsc.subcore_barrier()
        base = wid * EW

        @pl.loop(0, NB_W)
        def _(j):
            off = base + j * BLK
            pltpu.sync_copy(src_hbm.at[pl.ds(off, BLK)], sidx)
            pltpu.async_copy(p1_hbm.at[sidx], rows, sem).wait()
            pltpu.sync_copy(dst_hbm.at[pl.ds(off, BLK)], didx)
            pltpu.sync_copy(rows, agg_sh.at[didx], add=True)

        off = base + NB_W * BLK
        pltpu.sync_copy(src_hbm.at[pl.ds(off, TW_W)], sidx_t)
        pltpu.async_copy(p1_hbm.at[sidx_t], rows_t, sem).wait()
        pltpu.sync_copy(dst_hbm.at[pl.ds(off, TW_W)], didx_t)
        pltpu.sync_copy(rows_t, agg_sh.at[didx_t], add=True)
        plsc.subcore_barrier()
        pltpu.sync_copy(agg_sh.at[pl.ds(s * NCH, NCH)], stage)
        pltpu.sync_copy(stage, u1_hbm.at[pl.ds(c * NP + s * NCH, NCH)])

    zeros = lax.optimization_barrier(jnp.zeros((NP, F), jnp.float32))
    return agg_kernel(src, dst, p1, zeros)


def _sc_agg8x4(src, dst, p2a, p2b, p2c, p2d):

    @functools.partial(
        pl.kernel,
        out_type=jax.ShapeDtypeStruct((4 * NP, F), jnp.float32),
        mesh=_mesh(),
        compiler_params=_SC_PARAMS,
        scratch_types=[
            pltpu.VMEM_SHARED((NP, F), jnp.float32),
            pltpu.VMEM((NCH, F), jnp.float32),
            pltpu.VMEM((BLK,), jnp.int32),
            pltpu.VMEM((BLK,), jnp.int32),
            pltpu.VMEM((BLK, F), jnp.float32),
            pltpu.VMEM((TW_T,), jnp.int32),
            pltpu.VMEM((TW_T,), jnp.int32),
            pltpu.VMEM((TW_T, F), jnp.float32),
            pltpu.SemaphoreType.DMA,
        ],
    )
    def agg_kernel(src_hbm, dst_hbm, p2a_hbm, p2b_hbm, p2c_hbm, p2d_hbm,
                   zeros_hbm, u2_hbm,
                   agg_sh, stage, sidx, didx, rows, sidx_t, didx_t, rows_t,
                   sem):
        c = lax.axis_index("c")
        s = lax.axis_index("s")
        base = s * ET

        def round_(tbl_hbm, r):
            q = 2 * c + r
            pltpu.sync_copy(zeros_hbm.at[pl.ds(s * NCH, NCH)], stage)
            pltpu.sync_copy(stage, agg_sh.at[pl.ds(s * NCH, NCH)])
            plsc.subcore_barrier()

            @pl.loop(0, NB_T)
            def _(j):
                off = base + j * BLK
                pltpu.sync_copy(src_hbm.at[pl.ds(off, BLK)], sidx)
                pltpu.async_copy(tbl_hbm.at[sidx], rows, sem).wait()
                pltpu.sync_copy(dst_hbm.at[pl.ds(off, BLK)], didx)
                pltpu.sync_copy(rows, agg_sh.at[didx], add=True)

            off = base + NB_T * BLK
            pltpu.sync_copy(src_hbm.at[pl.ds(off, TW_T)], sidx_t)
            pltpu.async_copy(tbl_hbm.at[sidx_t], rows_t, sem).wait()
            pltpu.sync_copy(dst_hbm.at[pl.ds(off, TW_T)], didx_t)
            pltpu.sync_copy(rows_t, agg_sh.at[didx_t], add=True)
            plsc.subcore_barrier()
            pltpu.sync_copy(agg_sh.at[pl.ds(s * NCH, NCH)], stage)
            pltpu.sync_copy(stage, u2_hbm.at[pl.ds(q * NP + s * NCH, NCH)])

        @pl.when(c == 0)
        def _():
            round_(p2a_hbm, 0)
            round_(p2b_hbm, 1)

        @pl.when(c == 1)
        def _():
            round_(p2c_hbm, 0)
            round_(p2d_hbm, 1)

    zeros = lax.optimization_barrier(jnp.zeros((NP, F), jnp.float32))
    return agg_kernel(src, dst, p2a, p2b, p2c, p2d, zeros)


def _tc_prep(deg2, x):

    def body(deg2_ref, x_ref, p1_ref):
        deg = deg2_ref[:, 0] + deg2_ref[:, 1] + 1.0
        dis = lax.rsqrt(deg)
        z = jnp.zeros((RB, 4), jnp.float32)
        p1_ref[...] = jnp.concatenate(
            [dis[:, None] * x_ref[...], dis[:, None], z], axis=1)

    return pl.pallas_call(
        body,
        grid=(GRID,),
        in_specs=[pl.BlockSpec((RB, 2), lambda i: (i, 0)),
                  pl.BlockSpec((RB, 3), lambda i: (i, 0))],
        out_specs=pl.BlockSpec((RB, F), lambda i: (i, 0)),
        out_shape=jax.ShapeDtypeStruct((N, F), jnp.float32),
    )(deg2, x)


def _tc_layer1(deg2, x, u1, W1, b1):

    def body(deg2_ref, x_ref, u1_ref, W1_ref, b1_ref,
             h_ref, p2a_ref, p2b_ref, p2c_ref, p2d_ref):
        deg = deg2_ref[:, 0] + deg2_ref[:, 1] + 1.0
        dis = lax.rsqrt(deg)
        dinv = 1.0 / deg
        u = u1_ref[0, :, 0:3] + u1_ref[1, :, 0:3]
        pre = dis[:, None] * u + dinv[:, None] * x_ref[...]
        h = jnp.dot(pre, W1_ref[...], preferred_element_type=jnp.float32)
        h = jnp.maximum(h + b1_ref[...], 0.0)
        h_ref[...] = h
        p2 = dis[:, None] * h
        p2a_ref[...] = p2[:, 0:8]
        p2b_ref[...] = p2[:, 8:16]
        p2c_ref[...] = p2[:, 16:24]
        p2d_ref[...] = p2[:, 24:32]

    return pl.pallas_call(
        body,
        grid=(GRID,),
        in_specs=[pl.BlockSpec((RB, 2), lambda i: (i, 0)),
                  pl.BlockSpec((RB, 3), lambda i: (i, 0)),
                  pl.BlockSpec((2, RB, F), lambda i: (0, i, 0)),
                  pl.BlockSpec((3, 32), lambda i: (0, 0)),
                  pl.BlockSpec((1, 32), lambda i: (0, 0))],
        out_specs=[pl.BlockSpec((RB, 32), lambda i: (i, 0)),
                   pl.BlockSpec((RB, F), lambda i: (i, 0)),
                   pl.BlockSpec((RB, F), lambda i: (i, 0)),
                   pl.BlockSpec((RB, F), lambda i: (i, 0)),
                   pl.BlockSpec((RB, F), lambda i: (i, 0))],
        out_shape=[jax.ShapeDtypeStruct((N, 32), jnp.float32),
                   jax.ShapeDtypeStruct((N, F), jnp.float32),
                   jax.ShapeDtypeStruct((N, F), jnp.float32),
                   jax.ShapeDtypeStruct((N, F), jnp.float32),
                   jax.ShapeDtypeStruct((N, F), jnp.float32)],
    )(deg2, x, u1, W1, b1)


def _tc_layer2(deg2, h, u2, W2, b2, Wfc, bfc):

    def body(deg2_ref, h_ref, u2_ref, W2_ref, b2_ref, Wfc_ref, bfc_ref,
             y_ref, acc_ref):
        i = pl.program_id(0)
        deg = deg2_ref[:, 0] + deg2_ref[:, 1] + 1.0
        dis = lax.rsqrt(deg)
        dinv = 1.0 / deg
        u2f = jnp.concatenate(
            [u2_ref[0], u2_ref[1], u2_ref[2], u2_ref[3]], axis=1)
        pre = dis[:, None] * u2f + dinv[:, None] * h_ref[...]
        hh = jnp.dot(pre, W2_ref[...], preferred_element_type=jnp.float32)
        hh = jnp.maximum(hh + b2_ref[...], 0.0)
        part = jnp.sum(hh, axis=0, keepdims=True)

        @pl.when(i == 0)
        def _():
            acc_ref[...] = jnp.zeros_like(acc_ref)

        acc_ref[...] += part

        @pl.when(i == GRID - 1)
        def _():
            g = acc_ref[...]
            z = jnp.sum(g[0, :] * Wfc_ref[:, 0]) + bfc_ref[0, 0]
            y_ref[...] = jnp.reshape(1.0 / (1.0 + jnp.exp(-z)), (1, 1))

    return pl.pallas_call(
        body,
        grid=(GRID,),
        in_specs=[pl.BlockSpec((RB, 2), lambda i: (i, 0)),
                  pl.BlockSpec((RB, 32), lambda i: (i, 0)),
                  pl.BlockSpec((4, RB, F), lambda i: (0, i, 0)),
                  pl.BlockSpec((32, 64), lambda i: (0, 0)),
                  pl.BlockSpec((1, 64), lambda i: (0, 0)),
                  pl.BlockSpec((64, 1), lambda i: (0, 0)),
                  pl.BlockSpec((1, 1), lambda i: (0, 0))],
        out_specs=pl.BlockSpec((1, 1), lambda i: (0, 0)),
        out_shape=jax.ShapeDtypeStruct((1, 1), jnp.float32),
        scratch_shapes=[pltpu.VMEM((1, 64), jnp.float32)],
    )(deg2, h, u2, W2, b2, Wfc, bfc)


def kernel(x, edge_index, W1, b1, W2, b2, Wfc, bfc):
    src = edge_index[0].astype(jnp.int32)
    dst = edge_index[1].astype(jnp.int32)
    deg2 = _sc_degree(dst).reshape(NC, NP, F)[:, :N, 0].T
    p1 = _tc_prep(deg2, x)
    u1 = _sc_agg8(src, dst, p1).reshape(NC, NP, F)[:, :N, :]
    h, p2a, p2b, p2c, p2d = _tc_layer1(deg2, x, u1, W1, b1.reshape(1, 32))
    u2 = _sc_agg8x4(src, dst, p2a, p2b, p2c, p2d).reshape(4, NP, F)[:, :N, :]
    yy = _tc_layer2(deg2, h, u2, W2, b2.reshape(1, 64), Wfc,
                    bfc.reshape(1, 1))
    return yy.reshape((1,))

# --- scband reference (transcript-rebuilt; emitter-appended) ---
"""Pipeline reference for scband-sparse-gcn-64716567216341 (READ-ONLY COPY).

The authoritative reference and input builder live on the scoring server;
editing this copy changes nothing except your own understanding.
"""

import jax, jax.numpy as jnp
import numpy as np

N_NODES = 100000
N_EDGES = 1600000

def setup_inputs(seed: int = 0) -> dict:
    key = jax.random.key(seed)
    ks = jax.random.split(key, 8)
    x = jax.random.normal(ks[0], (N_NODES, 3), dtype=jnp.float32)
    edge_index = jax.random.randint(ks[1], (2, N_EDGES), 0, N_NODES, dtype=jnp.int64)
    W1 = jax.random.normal(ks[2], (3, 32), dtype=jnp.float32) * 0.1
    b1 = jnp.zeros((32,), dtype=jnp.float32)
    W2 = jax.random.normal(ks[3], (32, 64), dtype=jnp.float32) * 0.1
    b2 = jnp.zeros((64,), dtype=jnp.float32)
    Wfc = jax.random.normal(ks[4], (64, 1), dtype=jnp.float32) * 0.1
    bfc = jnp.zeros((1,), dtype=jnp.float32)
    return {"x": x, "edge_index": edge_index, "W1": W1, "b1": b1, "W2": W2, "b2": b2, "Wfc": Wfc, "bfc": bfc}

def _gcn_conv(x, edge_index, W, b):
    # Faithful PyG GCNConv: add self-loops, symmetric normalization, scatter-add aggregation
    N = x.shape[0]
    h = x @ W
    src = edge_index[0]
    dst = edge_index[1]
    loop = jnp.arange(N, dtype=src.dtype)
    src = jnp.concatenate([src, loop])
    dst = jnp.concatenate([dst, loop])
    deg = jnp.zeros((N,), dtype=h.dtype).at[dst].add(1.0)
    deg_inv_sqrt = jnp.where(deg > 0, 1.0 / jnp.sqrt(deg), 0.0)
    norm = deg_inv_sqrt[src] * deg_inv_sqrt[dst]
    msg = h[src] * norm[:, None]
    out = jnp.zeros((N, h.shape[1]), dtype=h.dtype).at[dst].add(msg)
    return out + b

def reference(x, edge_index, W1, b1, W2, b2, Wfc, bfc):
    h = jax.nn.relu(_gcn_conv(x, edge_index, W1, b1))
    h = jax.nn.relu(_gcn_conv(h, edge_index, W2, b2))
    g = jnp.sum(h, axis=0)
    y = jax.nn.sigmoid(g @ Wfc + bfc)
    return y

if __name__ == "__main__":
    import jax
    _d = setup_inputs()
    print(jax.jit(kernel)(*tuple(_d.values())))

</pallas_src>

<mosaic_0001>
#map = affine_map<(d0, d1) -> (0)>
#map1 = affine_map<(d0, d1) -> (0, 0)>
module attributes {stable_mosaic.version = 14 : i64} {
  func.func @agg_kernel(%arg0: i32, %arg1: i32, %arg2: memref<1600000xi32, #tpu.memory_space<hbm>>, %arg3: memref<1600000xi32, #tpu.memory_space<hbm>>, %arg4: memref<100000x8xf32, #tpu.memory_space<hbm>>, %arg5: memref<100000x8xf32, #tpu.memory_space<hbm>>, %arg6: memref<100000x8xf32, #tpu.memory_space<hbm>>, %arg7: memref<100000x8xf32, #tpu.memory_space<hbm>>, %arg8: memref<100096x8xf32, #tpu.memory_space<hbm>>, %arg9: memref<400384x8xf32, #tpu.memory_space<hbm>>, %arg10: memref<100096x8xf32, #tpu.memory_space<vmem_shared>>, %arg11: memref<6256x8xf32, #tpu.memory_space<vmem>>, %arg12: memref<128xi32, #tpu.memory_space<vmem>>, %arg13: memref<128xi32, #tpu.memory_space<vmem>>, %arg14: memref<128x8xf32, #tpu.memory_space<vmem>>, %arg15: memref<32xi32, #tpu.memory_space<vmem>>, %arg16: memref<32xi32, #tpu.memory_space<vmem>>, %arg17: memref<32x8xf32, #tpu.memory_space<vmem>>, %arg18: memref<!tpu.dma_semaphore, #tpu.memory_space<semaphore_mem>>) attributes {dimension_semantics = [#tpu.dimension_semantics<core_parallel>, #tpu.dimension_semantics<subcore_parallel>], iteration_bounds = array<i64: 2, 16>, scalar_prefetch = 0 : i64, scratch_operands = 9 : i64, tpu.core_type = #tpu.core_type<sc_vector_subcore>, window_params = [{transform_indices = #map}, {transform_indices = #map}, {transform_indices = #map1}, {transform_indices = #map1}, {transform_indices = #map1}, {transform_indices = #map1}, {transform_indices = #map1}, {transform_indices = #map1}]} {
    %mul3A = arith.constant 100000 : i32
    %mul3A_0 = arith.muli %arg1, %mul3A : i32
    %eq3A = arith.constant 0 : i32
    %eq3A_1 = arith.cmpi eq, %arg0, %eq3A : i32
    %convert_element_type3A = arith.extui %eq3A_1 : i1 to i32
    %cond3A = arith.constant 0 : i32
    %cond3A_2 = arith.cmpi ne, %convert_element_type3A, %cond3A : i32
    scf.if %cond3A_2 {
      %mul3A_8 = arith.constant 2 : i32
      %mul3A_9 = arith.muli %mul3A_8, %arg0 : i32
      %add3A = arith.constant 0 : i32
      %add3A_10 = arith.addi %mul3A_9, %add3A : i32
      %mul3A_11 = arith.constant 6256 : i32
      %mul3A_12 = arith.muli %arg1, %mul3A_11 : i32
      "tpu.region"() ({
        %run_scoped3A = tpu.sem_alloc : memref<!tpu.dma_semaphore, #tpu.memory_space<semaphore_mem>>
        %dma_start3A_63 = arith.constant 0 : i32
        %dma_start3A_64 = tpu.memref_slice %arg8[%mul3A_12, %dma_start3A_63] : memref<100096x8xf32, #tpu.memory_space<hbm>> -> memref<6256x8xf32, #tpu.memory_space<hbm>>
        %dma_start3A_65 = arith.constant 0 : i32
        %dma_start3A_66 = tpu.memref_slice %arg8[%mul3A_12, %dma_start3A_65] : memref<100096x8xf32, #tpu.memory_space<hbm>> -> memref<6256x8xf32, #tpu.memory_space<hbm>>
        tpu.enqueue_dma source(%dma_start3A_66 : memref<6256x8xf32, #tpu.memory_space<hbm>>) target(%arg11 : memref<6256x8xf32, #tpu.memory_space<vmem>>) target_semaphore(%run_scoped3A : memref<!tpu.dma_semaphore, #tpu.memory_space<semaphore_mem>>)
        %dma_wait3A_67 = arith.constant 0 : i32
        %dma_wait3A_68 = tpu.memref_slice %arg8[%mul3A_12, %dma_wait3A_67] : memref<100096x8xf32, #tpu.memory_space<hbm>> -> memref<6256x8xf32, #tpu.memory_space<hbm>>
        %dma_wait3A_69 = arith.constant 0 : i32
        %dma_wait3A_70 = tpu.memref_slice %arg8[%mul3A_12, %dma_wait3A_69] : memref<100096x8xf32, #tpu.memory_space<hbm>> -> memref<6256x8xf32, #tpu.memory_space<hbm>>
        tpu.wait_dma2 semaphore(%run_scoped3A : memref<!tpu.dma_semaphore, #tpu.memory_space<semaphore_mem>>) src(%dma_wait3A_70 : memref<6256x8xf32, #tpu.memory_space<hbm>>) dst(%arg11 : memref<6256x8xf32, #tpu.memory_space<vmem>>)
        tpu.yield
      }) : () -> ()
      %mul3A_13 = arith.constant 6256 : i32
      %mul3A_14 = arith.muli %arg1, %mul3A_13 : i32
      "tpu.region"() ({
        %run_scoped3A = tpu.sem_alloc : memref<!tpu.dma_semaphore, #tpu.memory_space<semaphore_mem>>
        %dma_start3A_63 = arith.constant 0 : i32
        %dma_start3A_64 = tpu.memref_slice %arg10[%mul3A_14, %dma_start3A_63] : memref<100096x8xf32, #tpu.memory_space<vmem_shared>> -> memref<6256x8xf32, #tpu.memory_space<vmem_shared>>
        %dma_start3A_65 = arith.constant 0 : i32
        %dma_start3A_66 = tpu.memref_slice %arg10[%mul3A_14, %dma_start3A_65] : memref<100096x8xf32, #tpu.memory_space<vmem_shared>> -> memref<6256x8xf32, #tpu.memory_space<vmem_shared>>
        tpu.enqueue_dma source(%arg11 : memref<6256x8xf32, #tpu.memory_space<vmem>>) target(%dma_start3A_66 : memref<6256x8xf32, #tpu.memory_space<vmem_shared>>) target_semaphore(%run_scoped3A : memref<!tpu.dma_semaphore, #tpu.memory_space<semaphore_mem>>)
        %dma_wait3A_67 = arith.constant 0 : i32
        %dma_wait3A_68 = tpu.memref_slice %arg10[%mul3A_14, %dma_wait3A_67] : memref<100096x8xf32, #tpu.memory_space<vmem_shared>> -> memref<6256x8xf32, #tpu.memory_space<vmem_shared>>
        %dma_wait3A_69 = arith.constant 0 : i32
        %dma_wait3A_70 = tpu.memref_slice %arg10[%mul3A_14, %dma_wait3A_69] : memref<100096x8xf32, #tpu.memory_space<vmem_shared>> -> memref<6256x8xf32, #tpu.memory_space<vmem_shared>>
        tpu.wait_dma2 semaphore(%run_scoped3A : memref<!tpu.dma_semaphore, #tpu.memory_space<semaphore_mem>>) src(%arg11 : memref<6256x8xf32, #tpu.memory_space<vmem>>) dst(%dma_wait3A_70 : memref<6256x8xf32, #tpu.memory_space<vmem_shared>>)
        tpu.yield
      }) : () -> ()
      %barrier3A = arith.constant 0 : index
      tpu.barrier barrier_id(%barrier3A)
      %scan3A = arith.constant 0 : i32
      %scan3A_15 = arith.constant 781 : i32
      %scan3A_16 = arith.addi %scan3A, %scan3A_15 : i32
      %scan3A_17 = arith.constant 1 : i32
      scf.for %scan3A_63 = %scan3A to %scan3A_16 step %scan3A_17  : i32 {
        %mul3A_64 = arith.constant 1 : i32
        %mul3A_65 = arith.muli %scan3A_63, %mul3A_64 : i32
        %add3A_66 = arith.constant 0 : i32
        %add3A_67 = arith.addi %add3A_66, %mul3A_65 : i32
        %mul3A_68 = arith.constant 128 : i32
        %mul3A_69 = arith.muli %add3A_67, %mul3A_68 : i32
        %add3A_70 = arith.addi %mul3A_0, %mul3A_69 : i32
        "tpu.region"() ({
          %run_scoped3A = tpu.sem_alloc : memref<!tpu.dma_semaphore, #tpu.memory_space<semaphore_mem>>
          %dma_start3A_77 = tpu.memref_slice %arg2[%add3A_70] : memref<1600000xi32, #tpu.memory_space<hbm>> -> memref<128xi32, #tpu.memory_space<hbm>>
          %dma_start3A_78 = tpu.memref_slice %arg2[%add3A_70] : memref<1600000xi32, #tpu.memory_space<hbm>> -> memref<128xi32, #tpu.memory_space<hbm>>
          tpu.enqueue_dma source(%dma_start3A_78 : memref<128xi32, #tpu.memory_space<hbm>>) target(%arg12 : memref<128xi32, #tpu.memory_space<vmem>>) target_semaphore(%run_scoped3A : memref<!tpu.dma_semaphore, #tpu.memory_space<semaphore_mem>>)
          %dma_wait3A_79 = tpu.memref_slice %arg2[%add3A_70] : memref<1600000xi32, #tpu.memory_space<hbm>> -> memref<128xi32, #tpu.memory_space<hbm>>
          %dma_wait3A_80 = tpu.memref_slice %arg2[%add3A_70] : memref<1600000xi32, #tpu.memory_space<hbm>> -> memref<128xi32, #tpu.memory_space<hbm>>
          tpu.wait_dma2 semaphore(%run_scoped3A : memref<!tpu.dma_semaphore, #tpu.memory_space<semaphore_mem>>) src(%dma_wait3A_80 : memref<128xi32, #tpu.memory_space<hbm>>) dst(%arg12 : memref<128xi32, #tpu.memory_space<vmem>>)
          tpu.yield
        }) : () -> ()
        %dma_start3A_71 = arith.constant 0 : i32
        %dma_start3A_72 = arith.constant 0 : i32
        %dma_start3A_73 = tpu.memref_slice %arg4[%dma_start3A_71, %dma_start3A_72] : memref<100000x8xf32, #tpu.memory_space<hbm>> -> memref<100000x8xf32, #tpu.memory_space<hbm>>
        tpu.enqueue_indirect_dma source(%dma_start3A_73 : memref<100000x8xf32, #tpu.memory_space<hbm>>) target(%arg14 : memref<128x8xf32, #tpu.memory_space<vmem>>) offsets(%arg12 : memref<128xi32, #tpu.memory_space<vmem>>) semaphore(%arg18 : memref<!tpu.dma_semaphore, #tpu.memory_space<semaphore_mem>>)
        %dma_wait3A_74 = arith.constant 0 : i32
        %dma_wait3A_75 = arith.constant 0 : i32
        %dma_wait3A_76 = tpu.memref_slice %arg4[%dma_wait3A_74, %dma_wait3A_75] : memref<100000x8xf32, #tpu.memory_space<hbm>> -> memref<100000x8xf32, #tpu.memory_space<hbm>>
        tpu.wait_indirect_dma semaphore(%arg18 : memref<!tpu.dma_semaphore, #tpu.memory_space<semaphore_mem>>) src(%dma_wait3A_76 : memref<100000x8xf32, #tpu.memory_space<hbm>>) dst(%arg14 : memref<128x8xf32, #tpu.memory_space<vmem>>)
        "tpu.region"() ({
          %run_scoped3A = tpu.sem_alloc : memref<!tpu.dma_semaphore, #tpu.memory_space<semaphore_mem>>
          %dma_start3A_77 = tpu.memref_slice %arg3[%add3A_70] : memref<1600000xi32, #tpu.memory_space<hbm>> -> memref<128xi32, #tpu.memory_space<hbm>>
          %dma_start3A_78 = tpu.memref_slice %arg3[%add3A_70] : memref<1600000xi32, #tpu.memory_space<hbm>> -> memref<128xi32, #tpu.memory_space<hbm>>
          tpu.enqueue_dma source(%dma_start3A_78 : memref<128xi32, #tpu.memory_space<hbm>>) target(%arg13 : memref<128xi32, #tpu.memory_space<vmem>>) target_semaphore(%run_scoped3A : memref<!tpu.dma_semaphore, #tpu.memory_space<semaphore_mem>>)
          %dma_wait3A_79 = tpu.memref_slice %arg3[%add3A_70] : memref<1600000xi32, #tpu.memory_space<hbm>> -> memref<128xi32, #tpu.memory_space<hbm>>
          %dma_wait3A_80 = tpu.memref_slice %arg3[%add3A_70] : memref<1600000xi32, #tpu.memory_space<hbm>> -> memref<128xi32, #tpu.memory_space<hbm>>
          tpu.wait_dma2 semaphore(%run_scoped3A : memref<!tpu.dma_semaphore, #tpu.memory_space<semaphore_mem>>) src(%dma_wait3A_80 : memref<128xi32, #tpu.memory_space<hbm>>) dst(%arg13 : memref<128xi32, #tpu.memory_space<vmem>>)
          tpu.yield
        }) : () -> ()
        "tpu.region"() ({
          %run_scoped3A = tpu.sem_alloc : memref<!tpu.dma_semaphore, #tpu.memory_space<semaphore_mem>>
          %dma_start3A_77 = arith.constant 0 : i32
          %dma_start3A_78 = arith.constant 0 : i32
          %dma_start3A_79 = tpu.memref_slice %arg10[%dma_start3A_77, %dma_start3A_78] : memref<100096x8xf32, #tpu.memory_space<vmem_shared>> -> memref<100096x8xf32, #tpu.memory_space<vmem_shared>>
          tpu.enqueue_indirect_dma source(%arg14 : memref<128x8xf32, #tpu.memory_space<vmem>>) target(%dma_start3A_79 : memref<100096x8xf32, #tpu.memory_space<vmem_shared>>) offsets(%arg13 : memref<128xi32, #tpu.memory_space<vmem>>) semaphore(%run_scoped3A : memref<!tpu.dma_semaphore, #tpu.memory_space<semaphore_mem>>) {add = true}
          %dma_wait3A_80 = arith.constant 0 : i32
          %dma_wait3A_81 = arith.constant 0 : i32
          %dma_wait3A_82 = tpu.memref_slice %arg10[%dma_wait3A_80, %dma_wait3A_81] : memref<100096x8xf32, #tpu.memory_space<vmem_shared>> -> memref<100096x8xf32, #tpu.memory_space<vmem_shared>>
          tpu.wait_indirect_dma semaphore(%run_scoped3A : memref<!tpu.dma_semaphore, #tpu.memory_space<semaphore_mem>>) src(%arg14 : memref<128x8xf32, #tpu.memory_space<vmem>>) dst(%dma_wait3A_82 : memref<100096x8xf32, #tpu.memory_space<vmem_shared>>)
          tpu.yield
        }) : () -> ()
      }
      %scan3A_18 = arith.constant 781 : i32
      %add3A_19 = arith.constant 99968 : i32
      %add3A_20 = arith.addi %mul3A_0, %add3A_19 : i32
      "tpu.region"() ({
        %run_scoped3A = tpu.sem_alloc : memref<!tpu.dma_semaphore, #tpu.memory_space<semaphore_mem>>
        %dma_start3A_63 = tpu.memref_slice %arg2[%add3A_20] : memref<1600000xi32, #tpu.memory_space<hbm>> -> memref<32xi32, #tpu.memory_space<hbm>>
        %dma_start3A_64 = tpu.memref_slice %arg2[%add3A_20] : memref<1600000xi32, #tpu.memory_space<hbm>> -> memref<32xi32, #tpu.memory_space<hbm>>
        tpu.enqueue_dma source(%dma_start3A_64 : memref<32xi32, #tpu.memory_space<hbm>>) target(%arg15 : memref<32xi32, #tpu.memory_space<vmem>>) target_semaphore(%run_scoped3A : memref<!tpu.dma_semaphore, #tpu.memory_space<semaphore_mem>>)
        %dma_wait3A_65 = tpu.memref_slice %arg2[%add3A_20] : memref<1600000xi32, #tpu.memory_space<hbm>> -> memref<32xi32, #tpu.memory_space<hbm>>
        %dma_wait3A_66 = tpu.memref_slice %arg2[%add3A_20] : memref<1600000xi32, #tpu.memory_space<hbm>> -> memref<32xi32, #tpu.memory_space<hbm>>
        tpu.wait_dma2 semaphore(%run_scoped3A : memref<!tpu.dma_semaphore, #tpu.memory_space<semaphore_mem>>) src(%dma_wait3A_66 : memref<32xi32, #tpu.memory_space<hbm>>) dst(%arg15 : memref<32xi32, #tpu.memory_space<vmem>>)
        tpu.yield
      }) : () -> ()
      %dma_start3A = arith.constant 0 : i32
      %dma_start3A_21 = arith.constant 0 : i32
      %dma_start3A_22 = tpu.memref_slice %arg4[%dma_start3A, %dma_start3A_21] : memref<100000x8xf32, #tpu.memory_space<hbm>> -> memref<100000x8xf32, #tpu.memory_space<hbm>>
      tpu.enqueue_indirect_dma source(%dma_start3A_22 : memref<100000x8xf32, #tpu.memory_space<hbm>>) target(%arg17 : memref<32x8xf32, #tpu.memory_space<vmem>>) offsets(%arg15 : memref<32xi32, #tpu.memory_space<vmem>>) semaphore(%arg18 : memref<!tpu.dma_semaphore, #tpu.memory_space<semaphore_mem>>)
      %dma_wait3A = arith.constant 0 : i32
      %dma_wait3A_23 = arith.constant 0 : i32
      %dma_wait3A_24 = tpu.memref_slice %arg4[%dma_wait3A, %dma_wait3A_23] : memref<100000x8xf32, #tpu.memory_space<hbm>> -> memref<100000x8xf32, #tpu.memory_space<hbm>>
      tpu.wait_indirect_dma semaphore(%arg18 : memref<!tpu.dma_semaphore, #tpu.memory_space<semaphore_mem>>) src(%dma_wait3A_24 : memref<100000x8xf32, #tpu.memory_space<hbm>>) dst(%arg17 : memref<32x8xf32, #tpu.memory_space<vmem>>)
      "tpu.region"() ({
        %run_scoped3A = tpu.sem_alloc : memref<!tpu.dma_semaphore, #tpu.memory_space<semaphore_mem>>
        %dma_start3A_63 = tpu.memref_slice %arg3[%add3A_20] : memref<1600000xi32, #tpu.memory_space<hbm>> -> memref<32xi32, #tpu.memory_space<hbm>>
        %dma_start3A_64 = tpu.memref_slice %arg3[%add3A_20] : memref<1600000xi32, #tpu.memory_space<hbm>> -> memref<32xi32, #tpu.memory_space<hbm>>
        tpu.enqueue_dma source(%dma_start3A_64 : memref<32xi32, #tpu.memory_space<hbm>>) target(%arg16 : memref<32xi32, #tpu.memory_space<vmem>>) target_semaphore(%run_scoped3A : memref<!tpu.dma_semaphore, #tpu.memory_space<semaphore_mem>>)
        %dma_wait3A_65 = tpu.memref_slice %arg3[%add3A_20] : memref<1600000xi32, #tpu.memory_space<hbm>> -> memref<32xi32, #tpu.memory_space<hbm>>
        %dma_wait3A_66 = tpu.memref_slice %arg3[%add3A_20] : memref<1600000xi32, #tpu.memory_space<hbm>> -> memref<32xi32, #tpu.memory_space<hbm>>
        tpu.wait_dma2 semaphore(%run_scoped3A : memref<!tpu.dma_semaphore, #tpu.memory_space<semaphore_mem>>) src(%dma_wait3A_66 : memref<32xi32, #tpu.memory_space<hbm>>) dst(%arg16 : memref<32xi32, #tpu.memory_space<vmem>>)
        tpu.yield
      }) : () -> ()
      "tpu.region"() ({
        %run_scoped3A = tpu.sem_alloc : memref<!tpu.dma_semaphore, #tpu.memory_space<semaphore_mem>>
        %dma_start3A_63 = arith.constant 0 : i32
        %dma_start3A_64 = arith.constant 0 : i32
        %dma_start3A_65 = tpu.memref_slice %arg10[%dma_start3A_63, %dma_start3A_64] : memref<100096x8xf32, #tpu.memory_space<vmem_shared>> -> memref<100096x8xf32, #tpu.memory_space<vmem_shared>>
        tpu.enqueue_indirect_dma source(%arg17 : memref<32x8xf32, #tpu.memory_space<vmem>>) target(%dma_start3A_65 : memref<100096x8xf32, #tpu.memory_space<vmem_shared>>) offsets(%arg16 : memref<32xi32, #tpu.memory_space<vmem>>) semaphore(%run_scoped3A : memref<!tpu.dma_semaphore, #tpu.memory_space<semaphore_mem>>) {add = true}
        %dma_wait3A_66 = arith.constant 0 : i32
        %dma_wait3A_67 = arith.constant 0 : i32
        %dma_wait3A_68 = tpu.memref_slice %arg10[%dma_wait3A_66, %dma_wait3A_67] : memref<100096x8xf32, #tpu.memory_space<vmem_shared>> -> memref<100096x8xf32, #tpu.memory_space<vmem_shared>>
        tpu.wait_indirect_dma semaphore(%run_scoped3A : memref<!tpu.dma_semaphore, #tpu.memory_space<semaphore_mem>>) src(%arg17 : memref<32x8xf32, #tpu.memory_space<vmem>>) dst(%dma_wait3A_68 : memref<100096x8xf32, #tpu.memory_space<vmem_shared>>)
        tpu.yield
      }) : () -> ()
      %barrier3A_25 = arith.constant 0 : index
      tpu.barrier barrier_id(%barrier3A_25)
      %mul3A_26 = arith.constant 6256 : i32
      %mul3A_27 = arith.muli %arg1, %mul3A_26 : i32
      "tpu.region"() ({
        %run_scoped3A = tpu.sem_alloc : memref<!tpu.dma_semaphore, #tpu.memory_space<semaphore_mem>>
        %dma_start3A_63 = arith.constant 0 : i32
        %dma_start3A_64 = tpu.memref_slice %arg10[%mul3A_27, %dma_start3A_63] : memref<100096x8xf32, #tpu.memory_space<vmem_shared>> -> memref<6256x8xf32, #tpu.memory_space<vmem_shared>>
        %dma_start3A_65 = arith.constant 0 : i32
        %dma_start3A_66 = tpu.memref_slice %arg10[%mul3A_27, %dma_start3A_65] : memref<100096x8xf32, #tpu.memory_space<vmem_shared>> -> memref<6256x8xf32, #tpu.memory_space<vmem_shared>>
        tpu.enqueue_dma source(%dma_start3A_66 : memref<6256x8xf32, #tpu.memory_space<vmem_shared>>) target(%arg11 : memref<6256x8xf32, #tpu.memory_space<vmem>>) target_semaphore(%run_scoped3A : memref<!tpu.dma_semaphore, #tpu.memory_space<semaphore_mem>>)
        %dma_wait3A_67 = arith.constant 0 : i32
        %dma_wait3A_68 = tpu.memref_slice %arg10[%mul3A_27, %dma_wait3A_67] : memref<100096x8xf32, #tpu.memory_space<vmem_shared>> -> memref<6256x8xf32, #tpu.memory_space<vmem_shared>>
        %dma_wait3A_69 = arith.constant 0 : i32
        %dma_wait3A_70 = tpu.memref_slice %arg10[%mul3A_27, %dma_wait3A_69] : memref<100096x8xf32, #tpu.memory_space<vmem_shared>> -> memref<6256x8xf32, #tpu.memory_space<vmem_shared>>
        tpu.wait_dma2 semaphore(%run_scoped3A : memref<!tpu.dma_semaphore, #tpu.memory_space<semaphore_mem>>) src(%dma_wait3A_70 : memref<6256x8xf32, #tpu.memory_space<vmem_shared>>) dst(%arg11 : memref<6256x8xf32, #tpu.memory_space<vmem>>)
        tpu.yield
      }) : () -> ()
      %mul3A_28 = arith.constant 100096 : i32
      %mul3A_29 = arith.muli %add3A_10, %mul3A_28 : i32
      %mul3A_30 = arith.constant 6256 : i32
      %mul3A_31 = arith.muli %arg1, %mul3A_30 : i32
      %add3A_32 = arith.addi %mul3A_29, %mul3A_31 : i32
      "tpu.region"() ({
        %run_scoped3A = tpu.sem_alloc : memref<!tpu.dma_semaphore, #tpu.memory_space<semaphore_mem>>
        %dma_start3A_63 = arith.constant 0 : i32
        %dma_start3A_64 = tpu.memref_slice %arg9[%add3A_32, %dma_start3A_63] : memref<400384x8xf32, #tpu.memory_space<hbm>> -> memref<6256x8xf32, #tpu.memory_space<hbm>>
        %dma_start3A_65 = arith.constant 0 : i32
        %dma_start3A_66 = tpu.memref_slice %arg9[%add3A_32, %dma_start3A_65] : memref<400384x8xf32, #tpu.memory_space<hbm>> -> memref<6256x8xf32, #tpu.memory_space<hbm>>
        tpu.enqueue_dma source(%arg11 : memref<6256x8xf32, #tpu.memory_space<vmem>>) target(%dma_start3A_66 : memref<6256x8xf32, #tpu.memory_space<hbm>>) target_semaphore(%run_scoped3A : memref<!tpu.dma_semaphore, #tpu.memory_space<semaphore_mem>>)
        %dma_wait3A_67 = arith.constant 0 : i32
        %dma_wait3A_68 = tpu.memref_slice %arg9[%add3A_32, %dma_wait3A_67] : memref<400384x8xf32, #tpu.memory_space<hbm>> -> memref<6256x8xf32, #tpu.memory_space<hbm>>
        %dma_wait3A_69 = arith.constant 0 : i32
        %dma_wait3A_70 = tpu.memref_slice %arg9[%add3A_32, %dma_wait3A_69] : memref<400384x8xf32, #tpu.memory_space<hbm>> -> memref<6256x8xf32, #tpu.memory_space<hbm>>
        tpu.wait_dma2 semaphore(%run_scoped3A : memref<!tpu.dma_semaphore, #tpu.memory_space<semaphore_mem>>) src(%arg11 : memref<6256x8xf32, #tpu.memory_space<vmem>>) dst(%dma_wait3A_70 : memref<6256x8xf32, #tpu.memory_space<hbm>>)
        tpu.yield
      }) : () -> ()
      %mul3A_33 = arith.constant 2 : i32
      %mul3A_34 = arith.muli %mul3A_33, %arg0 : i32
      %add3A_35 = arith.constant 1 : i32
      %add3A_36 = arith.addi %mul3A_34, %add3A_35 : i32
      %mul3A_37 = arith.constant 6256 : i32
      %mul3A_38 = arith.muli %arg1, %mul3A_37 : i32
      "tpu.region"() ({
        %run_scoped3A = tpu.sem_alloc : memref<!tpu.dma_semaphore, #tpu.memory_space<semaphore_mem>>
        %dma_start3A_63 = arith.constant 0 : i32
        %dma_start3A_64 = tpu.memref_slice %arg8[%mul3A_38, %dma_start3A_63] : memref<100096x8xf32, #tpu.memory_space<hbm>> -> memref<6256x8xf32, #tpu.memory_space<hbm>>
        %dma_start3A_65 = arith.constant 0 : i32
        %dma_start3A_66 = tpu.memref_slice %arg8[%mul3A_38, %dma_start3A_65] : memref<100096x8xf32, #tpu.memory_space<hbm>> -> memref<6256x8xf32, #tpu.memory_space<hbm>>
        tpu.enqueue_dma source(%dma_start3A_66 : memref<6256x8xf32, #tpu.memory_space<hbm>>) target(%arg11 : memref<6256x8xf32, #tpu.memory_space<vmem>>) target_semaphore(%run_scoped3A : memref<!tpu.dma_semaphore, #tpu.memory_space<semaphore_mem>>)
        %dma_wait3A_67 = arith.constant 0 : i32
        %dma_wait3A_68 = tpu.memref_slice %arg8[%mul3A_38, %dma_wait3A_67] : memref<100096x8xf32, #tpu.memory_space<hbm>> -> memref<6256x8xf32, #tpu.memory_space<hbm>>
        %dma_wait3A_69 = arith.constant 0 : i32
        %dma_wait3A_70 = tpu.memref_slice %arg8[%mul3A_38, %dma_wait3A_69] : memref<100096x8xf32, #tpu.memory_space<hbm>> -> memref<6256x8xf32, #tpu.memory_space<hbm>>
        tpu.wait_dma2 semaphore(%run_scoped3A : memref<!tpu.dma_semaphore, #tpu.memory_space<semaphore_mem>>) src(%dma_wait3A_70 : memref<6256x8xf32, #tpu.memory_space<hbm>>) dst(%arg11 : memref<6256x8xf32, #tpu.memory_space<vmem>>)
        tpu.yield
      }) : () -> ()
      %mul3A_39 = arith.constant 6256 : i32
      %mul3A_40 = arith.muli %arg1, %mul3A_39 : i32
      "tpu.region"() ({
        %run_scoped3A = tpu.sem_alloc : memref<!tpu.dma_semaphore, #tpu.memory_space<semaphore_mem>>
        %dma_start3A_63 = arith.constant 0 : i32
        %dma_start3A_64 = tpu.memref_slice %arg10[%mul3A_40, %dma_start3A_63] : memref<100096x8xf32, #tpu.memory_space<vmem_shared>> -> memref<6256x8xf32, #tpu.memory_space<vmem_shared>>
        %dma_start3A_65 = arith.constant 0 : i32
        %dma_start3A_66 = tpu.memref_slice %arg10[%mul3A_40, %dma_start3A_65] : memref<100096x8xf32, #tpu.memory_space<vmem_shared>> -> memref<6256x8xf32, #tpu.memory_space<vmem_shared>>
        tpu.enqueue_dma source(%arg11 : memref<6256x8xf32, #tpu.memory_space<vmem>>) target(%dma_start3A_66 : memref<6256x8xf32, #tpu.memory_space<vmem_shared>>) target_semaphore(%run_scoped3A : memref<!tpu.dma_semaphore, #tpu.memory_space<semaphore_mem>>)
        %dma_wait3A_67 = arith.constant 0 : i32
        %dma_wait3A_68 = tpu.memref_slice %arg10[%mul3A_40, %dma_wait3A_67] : memref<100096x8xf32, #tpu.memory_space<vmem_shared>> -> memref<6256x8xf32, #tpu.memory_space<vmem_shared>>
        %dma_wait3A_69 = arith.constant 0 : i32
        %dma_wait3A_70 = tpu.memref_slice %arg10[%mul3A_40, %dma_wait3A_69] : memref<100096x8xf32, #tpu.memory_space<vmem_shared>> -> memref<6256x8xf32, #tpu.memory_space<vmem_shared>>
        tpu.wait_dma2 semaphore(%run_scoped3A : memref<!tpu.dma_semaphore, #tpu.memory_space<semaphore_mem>>) src(%arg11 : memref<6256x8xf32, #tpu.memory_space<vmem>>) dst(%dma_wait3A_70 : memref<6256x8xf32, #tpu.memory_space<vmem_shared>>)
        tpu.yield
      }) : () -> ()
      %barrier3A_41 = arith.constant 0 : index
      tpu.barrier barrier_id(%barrier3A_41)
      %scan3A_42 = arith.constant 0 : i32
      %scan3A_43 = arith.constant 781 : i32
      %scan3A_44 = arith.addi %scan3A_42, %scan3A_43 : i32
      %scan3A_45 = arith.constant 1 : i32
      scf.for %scan3A_63 = %scan3A_42 to %scan3A_44 step %scan3A_45  : i32 {
        %mul3A_64 = arith.constant 1 : i32
        %mul3A_65 = arith.muli %scan3A_63, %mul3A_64 : i32
        %add3A_66 = arith.constant 0 : i32
        %add3A_67 = arith.addi %add3A_66, %mul3A_65 : i32
        %mul3A_68 = arith.constant 128 : i32
        %mul3A_69 = arith.muli %add3A_67, %mul3A_68 : i32
        %add3A_70 = arith.addi %mul3A_0, %mul3A_69 : i32
        "tpu.region"() ({
          %run_scoped3A = tpu.sem_alloc : memref<!tpu.dma_semaphore, #tpu.memory_space<semaphore_mem>>
          %dma_start3A_77 = tpu.memref_slice %arg2[%add3A_70] : memref<1600000xi32, #tpu.memory_space<hbm>> -> memref<128xi32, #tpu.memory_space<hbm>>
          %dma_start3A_78 = tpu.memref_slice %arg2[%add3A_70] : memref<1600000xi32, #tpu.memory_space<hbm>> -> memref<128xi32, #tpu.memory_space<hbm>>
          tpu.enqueue_dma source(%dma_start3A_78 : memref<128xi32, #tpu.memory_space<hbm>>) target(%arg12 : memref<128xi32, #tpu.memory_space<vmem>>) target_semaphore(%run_scoped3A : memref<!tpu.dma_semaphore, #tpu.memory_space<semaphore_mem>>)
          %dma_wait3A_79 = tpu.memref_slice %arg2[%add3A_70] : memref<1600000xi32, #tpu.memory_space<hbm>> -> memref<128xi32, #tpu.memory_space<hbm>>
          %dma_wait3A_80 = tpu.memref_slice %arg2[%add3A_70] : memref<1600000xi32, #tpu.memory_space<hbm>> -> memref<128xi32, #tpu.memory_space<hbm>>
          tpu.wait_dma2 semaphore(%run_scoped3A : memref<!tpu.dma_semaphore, #tpu.memory_space<semaphore_mem>>) src(%dma_wait3A_80 : memref<128xi32, #tpu.memory_space<hbm>>) dst(%arg12 : memref<128xi32, #tpu.memory_space<vmem>>)
          tpu.yield
        }) : () -> ()
        %dma_start3A_71 = arith.constant 0 : i32
        %dma_start3A_72 = arith.constant 0 : i32
        %dma_start3A_73 = tpu.memref_slice %arg5[%dma_start3A_71, %dma_start3A_72] : memref<100000x8xf32, #tpu.memory_space<hbm>> -> memref<100000x8xf32, #tpu.memory_space<hbm>>
        tpu.enqueue_indirect_dma source(%dma_start3A_73 : memref<100000x8xf32, #tpu.memory_space<hbm>>) target(%arg14 : memref<128x8xf32, #tpu.memory_space<vmem>>) offsets(%arg12 : memref<128xi32, #tpu.memory_space<vmem>>) semaphore(%arg18 : memref<!tpu.dma_semaphore, #tpu.memory_space<semaphore_mem>>)
        %dma_wait3A_74 = arith.constant 0 : i32
        %dma_wait3A_75 = arith.constant 0 : i32
        %dma_wait3A_76 = tpu.memref_slice %arg5[%dma_wait3A_74, %dma_wait3A_75] : memref<100000x8xf32, #tpu.memory_space<hbm>> -> memref<100000x8xf32, #tpu.memory_space<hbm>>
        tpu.wait_indirect_dma semaphore(%arg18 : memref<!tpu.dma_semaphore, #tpu.memory_space<semaphore_mem>>) src(%dma_wait3A_76 : memref<100000x8xf32, #tpu.memory_space<hbm>>) dst(%arg14 : memref<128x8xf32, #tpu.memory_space<vmem>>)
        "tpu.region"() ({
          %run_scoped3A = tpu.sem_alloc : memref<!tpu.dma_semaphore, #tpu.memory_space<semaphore_mem>>
          %dma_start3A_77 = tpu.memref_slice %arg3[%add3A_70] : memref<1600000xi32, #tpu.memory_space<hbm>> -> memref<128xi32, #tpu.memory_space<hbm>>
          %dma_start3A_78 = tpu.memref_slice %arg3[%add3A_70] : memref<1600000xi32, #tpu.memory_space<hbm>> -> memref<128xi32, #tpu.memory_space<hbm>>
          tpu.enqueue_dma source(%dma_start3A_78 : memref<128xi32, #tpu.memory_space<hbm>>) target(%arg13 : memref<128xi32, #tpu.memory_space<vmem>>) target_semaphore(%run_scoped3A : memref<!tpu.dma_semaphore, #tpu.memory_space<semaphore_mem>>)
          %dma_wait3A_79 = tpu.memref_slice %arg3[%add3A_70] : memref<1600000xi32, #tpu.memory_space<hbm>> -> memref<128xi32, #tpu.memory_space<hbm>>
          %dma_wait3A_80 = tpu.memref_slice %arg3[%add3A_70] : memref<1600000xi32, #tpu.memory_space<hbm>> -> memref<128xi32, #tpu.memory_space<hbm>>
          tpu.wait_dma2 semaphore(%run_scoped3A : memref<!tpu.dma_semaphore, #tpu.memory_space<semaphore_mem>>) src(%dma_wait3A_80 : memref<128xi32, #tpu.memory_space<hbm>>) dst(%arg13 : memref<128xi32, #tpu.memory_space<vmem>>)
          tpu.yield
        }) : () -> ()
        "tpu.region"() ({
          %run_scoped3A = tpu.sem_alloc : memref<!tpu.dma_semaphore, #tpu.memory_space<semaphore_mem>>
          %dma_start3A_77 = arith.constant 0 : i32
          %dma_start3A_78 = arith.constant 0 : i32
          %dma_start3A_79 = tpu.memref_slice %arg10[%dma_start3A_77, %dma_start3A_78] : memref<100096x8xf32, #tpu.memory_space<vmem_shared>> -> memref<100096x8xf32, #tpu.memory_space<vmem_shared>>
          tpu.enqueue_indirect_dma source(%arg14 : memref<128x8xf32, #tpu.memory_space<vmem>>) target(%dma_start3A_79 : memref<100096x8xf32, #tpu.memory_space<vmem_shared>>) offsets(%arg13 : memref<128xi32, #tpu.memory_space<vmem>>) semaphore(%run_scoped3A : memref<!tpu.dma_semaphore, #tpu.memory_space<semaphore_mem>>) {add = true}
          %dma_wait3A_80 = arith.constant 0 : i32
          %dma_wait3A_81 = arith.constant 0 : i32
          %dma_wait3A_82 = tpu.memref_slice %arg10[%dma_wait3A_80, %dma_wait3A_81] : memref<100096x8xf32, #tpu.memory_space<vmem_shared>> -> memref<100096x8xf32, #tpu.memory_space<vmem_shared>>
          tpu.wait_indirect_dma semaphore(%run_scoped3A : memref<!tpu.dma_semaphore, #tpu.memory_space<semaphore_mem>>) src(%arg14 : memref<128x8xf32, #tpu.memory_space<vmem>>) dst(%dma_wait3A_82 : memref<100096x8xf32, #tpu.memory_space<vmem_shared>>)
          tpu.yield
        }) : () -> ()
      }
      %scan3A_46 = arith.constant 781 : i32
      %add3A_47 = arith.constant 99968 : i32
      %add3A_48 = arith.addi %mul3A_0, %add3A_47 : i32
      "tpu.region"() ({
        %run_scoped3A = tpu.sem_alloc : memref<!tpu.dma_semaphore, #tpu.memory_space<semaphore_mem>>
        %dma_start3A_63 = tpu.memref_slice %arg2[%add3A_48] : memref<1600000xi32, #tpu.memory_space<hbm>> -> memref<32xi32, #tpu.memory_space<hbm>>
        %dma_start3A_64 = tpu.memref_slice %arg2[%add3A_48] : memref<1600000xi32, #tpu.memory_space<hbm>> -> memref<32xi32, #tpu.memory_space<hbm>>
        tpu.enqueue_dma source(%dma_start3A_64 : memref<32xi32, #tpu.memory_space<hbm>>) target(%arg15 : memref<32xi32, #tpu.memory_space<vmem>>) target_semaphore(%run_scoped3A : memref<!tpu.dma_semaphore, #tpu.memory_space<semaphore_mem>>)
        %dma_wait3A_65 = tpu.memref_slice %arg2[%add3A_48] : memref<1600000xi32, #tpu.memory_space<hbm>> -> memref<32xi32, #tpu.memory_space<hbm>>
        %dma_wait3A_66 = tpu.memref_slice %arg2[%add3A_48] : memref<1600000xi32, #tpu.memory_space<hbm>> -> memref<32xi32, #tpu.memory_space<hbm>>
        tpu.wait_dma2 semaphore(%run_scoped3A : memref<!tpu.dma_semaphore, #tpu.memory_space<semaphore_mem>>) src(%dma_wait3A_66 : memref<32xi32, #tpu.memory_space<hbm>>) dst(%arg15 : memref<32xi32, #tpu.memory_space<vmem>>)
        tpu.yield
      }) : () -> ()
      %dma_start3A_49 = arith.constant 0 : i32
      %dma_start3A_50 = arith.constant 0 : i32
      %dma_start3A_51 = tpu.memref_slice %arg5[%dma_start3A_49, %dma_start3A_50] : memref<100000x8xf32, #tpu.memory_space<hbm>> -> memref<100000x8xf32, #tpu.memory_space<hbm>>
      tpu.enqueue_indirect_dma source(%dma_start3A_51 : memref<100000x8xf32, #tpu.memory_space<hbm>>) target(%arg17 : memref<32x8xf32, #tpu.memory_space<vmem>>) offsets(%arg15 : memref<32xi32, #tpu.memory_space<vmem>>) semaphore(%arg18 : memref<!tpu.dma_semaphore, #tpu.memory_space<semaphore_mem>>)
      %dma_wait3A_52 = arith.constant 0 : i32
      %dma_wait3A_53 = arith.constant 0 : i32
      %dma_wait3A_54 = tpu.memref_slice %arg5[%dma_wait3A_52, %dma_wait3A_53] : memref<100000x8xf32, #tpu.memory_space<hbm>> -> memref<100000x8xf32, #tpu.memory_space<hbm>>
      tpu.wait_indirect_dma semaphore(%arg18 : memref<!tpu.dma_semaphore, #tpu.memory_space<semaphore_mem>>) src(%dma_wait3A_54 : memref<100000x8xf32, #tpu.memory_space<hbm>>) dst(%arg17 : memref<32x8xf32, #tpu.memory_space<vmem>>)
      "tpu.region"() ({
        %run_scoped3A = tpu.sem_alloc : memref<!tpu.dma_semaphore, #tpu.memory_space<semaphore_mem>>
        %dma_start3A_63 = tpu.memref_slice %arg3[%add3A_48] : memref<1600000xi32, #tpu.memory_space<hbm>> -> memref<32xi32, #tpu.memory_space<hbm>>
        %dma_start3A_64 = tpu.memref_slice %arg3[%add3A_48] : memref<1600000xi32, #tpu.memory_space<hbm>> -> memref<32xi32, #tpu.memory_space<hbm>>
        tpu.enqueue_dma source(%dma_start3A_64 : memref<32xi32, #tpu.memory_space<hbm>>) target(%arg16 : memref<32xi32, #tpu.memory_space<vmem>>) target_semaphore(%run_scoped3A : memref<!tpu.dma_semaphore, #tpu.memory_space<semaphore_mem>>)
        %dma_wait3A_65 = tpu.memref_slice %arg3[%add3A_48] : memref<1600000xi32, #tpu.memory_space<hbm>> -> memref<32xi32, #tpu.memory_space<hbm>>
        %dma_wait3A_66 = tpu.memref_slice %arg3[%add3A_48] : memref<1600000xi32, #tpu.memory_space<hbm>> -> memref<32xi32, #tpu.memory_space<hbm>>
        tpu.wait_dma2 semaphore(%run_scoped3A : memref<!tpu.dma_semaphore, #tpu.memory_space<semaphore_mem>>) src(%dma_wait3A_66 : memref<32xi32, #tpu.memory_space<hbm>>) dst(%arg16 : memref<32xi32, #tpu.memory_space<vmem>>)
        tpu.yield
      }) : () -> ()
      "tpu.region"() ({
        %run_scoped3A = tpu.sem_alloc : memref<!tpu.dma_semaphore, #tpu.memory_space<semaphore_mem>>
        %dma_start3A_63 = arith.constant 0 : i32
        %dma_start3A_64 = arith.constant 0 : i32
        %dma_start3A_65 = tpu.memref_slice %arg10[%dma_start3A_63, %dma_start3A_64] : memref<100096x8xf32, #tpu.memory_space<vmem_shared>> -> memref<100096x8xf32, #tpu.memory_space<vmem_shared>>
        tpu.enqueue_indirect_dma source(%arg17 : memref<32x8xf32, #tpu.memory_space<vmem>>) target(%dma_start3A_65 : memref<100096x8xf32, #tpu.memory_space<vmem_shared>>) offsets(%arg16 : memref<32xi32, #tpu.memory_space<vmem>>) semaphore(%run_scoped3A : memref<!tpu.dma_semaphore, #tpu.memory_space<semaphore_mem>>) {add = true}
        %dma_wait3A_66 = arith.constant 0 : i32
        %dma_wait3A_67 = arith.constant 0 : i32
        %dma_wait3A_68 = tpu.memref_slice %arg10[%dma_wait3A_66, %dma_wait3A_67] : memref<100096x8xf32, #tpu.memory_space<vmem_shared>> -> memref<100096x8xf32, #tpu.memory_space<vmem_shared>>
        tpu.wait_indirect_dma semaphore(%run_scoped3A : memref<!tpu.dma_semaphore, #tpu.memory_space<semaphore_mem>>) src(%arg17 : memref<32x8xf32, #tpu.memory_space<vmem>>) dst(%dma_wait3A_68 : memref<100096x8xf32, #tpu.memory_space<vmem_shared>>)
        tpu.yield
      }) : () -> ()
      %barrier3A_55 = arith.constant 0 : index
      tpu.barrier barrier_id(%barrier3A_55)
      %mul3A_56 = arith.constant 6256 : i32
      %mul3A_57 = arith.muli %arg1, %mul3A_56 : i32
      "tpu.region"() ({
        %run_scoped3A = tpu.sem_alloc : memref<!tpu.dma_semaphore, #tpu.memory_space<semaphore_mem>>
        %dma_start3A_63 = arith.constant 0 : i32
        %dma_start3A_64 = tpu.memref_slice %arg10[%mul3A_57, %dma_start3A_63] : memref<100096x8xf32, #tpu.memory_space<vmem_shared>> -> memref<6256x8xf32, #tpu.memory_space<vmem_shared>>
        %dma_start3A_65 = arith.constant 0 : i32
        %dma_start3A_66 = tpu.memref_slice %arg10[%mul3A_57, %dma_start3A_65] : memref<100096x8xf32, #tpu.memory_space<vmem_shared>> -> memref<6256x8xf32, #tpu.memory_space<vmem_shared>>
        tpu.enqueue_dma source(%dma_start3A_66 : memref<6256x8xf32, #tpu.memory_space<vmem_shared>>) target(%arg11 : memref<6256x8xf32, #tpu.memory_space<vmem>>) target_semaphore(%run_scoped3A : memref<!tpu.dma_semaphore, #tpu.memory_space<semaphore_mem>>)
        %dma_wait3A_67 = arith.constant 0 : i32
        %dma_wait3A_68 = tpu.memref_slice %arg10[%mul3A_57, %dma_wait3A_67] : memref<100096x8xf32, #tpu.memory_space<vmem_shared>> -> memref<6256x8xf32, #tpu.memory_space<vmem_shared>>
        %dma_wait3A_69 = arith.constant 0 : i32
        %dma_wait3A_70 = tpu.memref_slice %arg10[%mul3A_57, %dma_wait3A_69] : memref<100096x8xf32, #tpu.memory_space<vmem_shared>> -> memref<6256x8xf32, #tpu.memory_space<vmem_shared>>
        tpu.wait_dma2 semaphore(%run_scoped3A : memref<!tpu.dma_semaphore, #tpu.memory_space<semaphore_mem>>) src(%dma_wait3A_70 : memref<6256x8xf32, #tpu.memory_space<vmem_shared>>) dst(%arg11 : memref<6256x8xf32, #tpu.memory_space<vmem>>)
        tpu.yield
      }) : () -> ()
      %mul3A_58 = arith.constant 100096 : i32
      %mul3A_59 = arith.muli %add3A_36, %mul3A_58 : i32
      %mul3A_60 = arith.constant 6256 : i32
      %mul3A_61 = arith.muli %arg1, %mul3A_60 : i32
      %add3A_62 = arith.addi %mul3A_59, %mul3A_61 : i32
      "tpu.region"() ({
        %run_scoped3A = tpu.sem_alloc : memref<!tpu.dma_semaphore, #tpu.memory_space<semaphore_mem>>
        %dma_start3A_63 = arith.constant 0 : i32
        %dma_start3A_64 = tpu.memref_slice %arg9[%add3A_62, %dma_start3A_63] : memref<400384x8xf32, #tpu.memory_space<hbm>> -> memref<6256x8xf32, #tpu.memory_space<hbm>>
        %dma_start3A_65 = arith.constant 0 : i32
        %dma_start3A_66 = tpu.memref_slice %arg9[%add3A_62, %dma_start3A_65] : memref<400384x8xf32, #tpu.memory_space<hbm>> -> memref<6256x8xf32, #tpu.memory_space<hbm>>
        tpu.enqueue_dma source(%arg11 : memref<6256x8xf32, #tpu.memory_space<vmem>>) target(%dma_start3A_66 : memref<6256x8xf32, #tpu.memory_space<hbm>>) target_semaphore(%run_scoped3A : memref<!tpu.dma_semaphore, #tpu.memory_space<semaphore_mem>>)
        %dma_wait3A_67 = arith.constant 0 : i32
        %dma_wait3A_68 = tpu.memref_slice %arg9[%add3A_62, %dma_wait3A_67] : memref<400384x8xf32, #tpu.memory_space<hbm>> -> memref<6256x8xf32, #tpu.memory_space<hbm>>
        %dma_wait3A_69 = arith.constant 0 : i32
        %dma_wait3A_70 = tpu.memref_slice %arg9[%add3A_62, %dma_wait3A_69] : memref<400384x8xf32, #tpu.memory_space<hbm>> -> memref<6256x8xf32, #tpu.memory_space<hbm>>
        tpu.wait_dma2 semaphore(%run_scoped3A : memref<!tpu.dma_semaphore, #tpu.memory_space<semaphore_mem>>) src(%arg11 : memref<6256x8xf32, #tpu.memory_space<vmem>>) dst(%dma_wait3A_70 : memref<6256x8xf32, #tpu.memory_space<hbm>>)
        tpu.yield
      }) : () -> ()
    } else {
    }
    %eq3A_3 = arith.constant 1 : i32
    %eq3A_4 = arith.cmpi eq, %arg0, %eq3A_3 : i32
    %convert_element_type3A_5 = arith.extui %eq3A_4 : i1 to i32
    %cond3A_6 = arith.constant 0 : i32
    %cond3A_7 = arith.cmpi ne, %convert_element_type3A_5, %cond3A_6 : i32
    scf.if %cond3A_7 {
      %mul3A_8 = arith.constant 2 : i32
      %mul3A_9 = arith.muli %mul3A_8, %arg0 : i32
      %add3A = arith.constant 0 : i32
      %add3A_10 = arith.addi %mul3A_9, %add3A : i32
      %mul3A_11 = arith.constant 6256 : i32
      %mul3A_12 = arith.muli %arg1, %mul3A_11 : i32
      "tpu.region"() ({
        %run_scoped3A = tpu.sem_alloc : memref<!tpu.dma_semaphore, #tpu.memory_space<semaphore_mem>>
        %dma_start3A_63 = arith.constant 0 : i32
        %dma_start3A_64 = tpu.memref_slice %arg8[%mul3A_12, %dma_start3A_63] : memref<100096x8xf32, #tpu.memory_space<hbm>> -> memref<6256x8xf32, #tpu.memory_space<hbm>>
        %dma_start3A_65 = arith.constant 0 : i32
        %dma_start3A_66 = tpu.memref_slice %arg8[%mul3A_12, %dma_start3A_65] : memref<100096x8xf32, #tpu.memory_space<hbm>> -> memref<6256x8xf32, #tpu.memory_space<hbm>>
        tpu.enqueue_dma source(%dma_start3A_66 : memref<6256x8xf32, #tpu.memory_space<hbm>>) target(%arg11 : memref<6256x8xf32, #tpu.memory_space<vmem>>) target_semaphore(%run_scoped3A : memref<!tpu.dma_semaphore, #tpu.memory_space<semaphore_mem>>)
        %dma_wait3A_67 = arith.constant 0 : i32
        %dma_wait3A_68 = tpu.memref_slice %arg8[%mul3A_12, %dma_wait3A_67] : memref<100096x8xf32, #tpu.memory_space<hbm>> -> memref<6256x8xf32, #tpu.memory_space<hbm>>
        %dma_wait3A_69 = arith.constant 0 : i32
        %dma_wait3A_70 = tpu.memref_slice %arg8[%mul3A_12, %dma_wait3A_69] : memref<100096x8xf32, #tpu.memory_space<hbm>> -> memref<6256x8xf32, #tpu.memory_space<hbm>>
        tpu.wait_dma2 semaphore(%run_scoped3A : memref<!tpu.dma_semaphore, #tpu.memory_space<semaphore_mem>>) src(%dma_wait3A_70 : memref<6256x8xf32, #tpu.memory_space<hbm>>) dst(%arg11 : memref<6256x8xf32, #tpu.memory_space<vmem>>)
        tpu.yield
      }) : () -> ()
      %mul3A_13 = arith.constant 6256 : i32
      %mul3A_14 = arith.muli %arg1, %mul3A_13 : i32
      "tpu.region"() ({
        %run_scoped3A = tpu.sem_alloc : memref<!tpu.dma_semaphore, #tpu.memory_space<semaphore_mem>>
        %dma_start3A_63 = arith.constant 0 : i32
        %dma_start3A_64 = tpu.memref_slice %arg10[%mul3A_14, %dma_start3A_63] : memref<100096x8xf32, #tpu.memory_space<vmem_shared>> -> memref<6256x8xf32, #tpu.memory_space<vmem_shared>>
        %dma_start3A_65 = arith.constant 0 : i32
        %dma_start3A_66 = tpu.memref_slice %arg10[%mul3A_14, %dma_start3A_65] : memref<100096x8xf32, #tpu.memory_space<vmem_shared>> -> memref<6256x8xf32, #tpu.memory_space<vmem_shared>>
        tpu.enqueue_dma source(%arg11 : memref<6256x8xf32, #tpu.memory_space<vmem>>) target(%dma_start3A_66 : memref<6256x8xf32, #tpu.memory_space<vmem_shared>>) target_semaphore(%run_scoped3A : memref<!tpu.dma_semaphore, #tpu.memory_space<semaphore_mem>>)
        %dma_wait3A_67 = arith.constant 0 : i32
        %dma_wait3A_68 = tpu.memref_slice %arg10[%mul3A_14, %dma_wait3A_67] : memref<100096x8xf32, #tpu.memory_space<vmem_shared>> -> memref<6256x8xf32, #tpu.memory_space<vmem_shared>>
        %dma_wait3A_69 = arith.constant 0 : i32
        %dma_wait3A_70 = tpu.memref_slice %arg10[%mul3A_14, %dma_wait3A_69] : memref<100096x8xf32, #tpu.memory_space<vmem_shared>> -> memref<6256x8xf32, #tpu.memory_space<vmem_shared>>
        tpu.wait_dma2 semaphore(%run_scoped3A : memref<!tpu.dma_semaphore, #tpu.memory_space<semaphore_mem>>) src(%arg11 : memref<6256x8xf32, #tpu.memory_space<vmem>>) dst(%dma_wait3A_70 : memref<6256x8xf32, #tpu.memory_space<vmem_shared>>)
        tpu.yield
      }) : () -> ()
      %barrier3A = arith.constant 0 : index
      tpu.barrier barrier_id(%barrier3A)
      %scan3A = arith.constant 0 : i32
      %scan3A_15 = arith.constant 781 : i32
      %scan3A_16 = arith.addi %scan3A, %scan3A_15 : i32
      %scan3A_17 = arith.constant 1 : i32
      scf.for %scan3A_63 = %scan3A to %scan3A_16 step %scan3A_17  : i32 {
        %mul3A_64 = arith.constant 1 : i32
        %mul3A_65 = arith.muli %scan3A_63, %mul3A_64 : i32
        %add3A_66 = arith.constant 0 : i32
        %add3A_67 = arith.addi %add3A_66, %mul3A_65 : i32
        %mul3A_68 = arith.constant 128 : i32
        %mul3A_69 = arith.muli %add3A_67, %mul3A_68 : i32
        %add3A_70 = arith.addi %mul3A_0, %mul3A_69 : i32
        "tpu.region"() ({
          %run_scoped3A = tpu.sem_alloc : memref<!tpu.dma_semaphore, #tpu.memory_space<semaphore_mem>>
          %dma_start3A_77 = tpu.memref_slice %arg2[%add3A_70] : memref<1600000xi32, #tpu.memory_space<hbm>> -> memref<128xi32, #tpu.memory_space<hbm>>
          %dma_start3A_78 = tpu.memref_slice %arg2[%add3A_70] : memref<1600000xi32, #tpu.memory_space<hbm>> -> memref<128xi32, #tpu.memory_space<hbm>>
          tpu.enqueue_dma source(%dma_start3A_78 : memref<128xi32, #tpu.memory_space<hbm>>) target(%arg12 : memref<128xi32, #tpu.memory_space<vmem>>) target_semaphore(%run_scoped3A : memref<!tpu.dma_semaphore, #tpu.memory_space<semaphore_mem>>)
          %dma_wait3A_79 = tpu.memref_slice %arg2[%add3A_70] : memref<1600000xi32, #tpu.memory_space<hbm>> -> memref<128xi32, #tpu.memory_space<hbm>>
          %dma_wait3A_80 = tpu.memref_slice %arg2[%add3A_70] : memref<1600000xi32, #tpu.memory_space<hbm>> -> memref<128xi32, #tpu.memory_space<hbm>>
          tpu.wait_dma2 semaphore(%run_scoped3A : memref<!tpu.dma_semaphore, #tpu.memory_space<semaphore_mem>>) src(%dma_wait3A_80 : memref<128xi32, #tpu.memory_space<hbm>>) dst(%arg12 : memref<128xi32, #tpu.memory_space<vmem>>)
          tpu.yield
        }) : () -> ()
        %dma_start3A_71 = arith.constant 0 : i32
        %dma_start3A_72 = arith.constant 0 : i32
        %dma_start3A_73 = tpu.memref_slice %arg6[%dma_start3A_71, %dma_start3A_72] : memref<100000x8xf32, #tpu.memory_space<hbm>> -> memref<100000x8xf32, #tpu.memory_space<hbm>>
        tpu.enqueue_indirect_dma source(%dma_start3A_73 : memref<100000x8xf32, #tpu.memory_space<hbm>>) target(%arg14 : memref<128x8xf32, #tpu.memory_space<vmem>>) offsets(%arg12 : memref<128xi32, #tpu.memory_space<vmem>>) semaphore(%arg18 : memref<!tpu.dma_semaphore, #tpu.memory_space<semaphore_mem>>)
        %dma_wait3A_74 = arith.constant 0 : i32
        %dma_wait3A_75 = arith.constant 0 : i32
        %dma_wait3A_76 = tpu.memref_slice %arg6[%dma_wait3A_74, %dma_wait3A_75] : memref<100000x8xf32, #tpu.memory_space<hbm>> -> memref<100000x8xf32, #tpu.memory_space<hbm>>
        tpu.wait_indirect_dma semaphore(%arg18 : memref<!tpu.dma_semaphore, #tpu.memory_space<semaphore_mem>>) src(%dma_wait3A_76 : memref<100000x8xf32, #tpu.memory_space<hbm>>) dst(%arg14 : memref<128x8xf32, #tpu.memory_space<vmem>>)
        "tpu.region"() ({
          %run_scoped3A = tpu.sem_alloc : memref<!tpu.dma_semaphore, #tpu.memory_space<semaphore_mem>>
          %dma_start3A_77 = tpu.memref_slice %arg3[%add3A_70] : memref<1600000xi32, #tpu.memory_space<hbm>> -> memref<128xi32, #tpu.memory_space<hbm>>
          %dma_start3A_78 = tpu.memref_slice %arg3[%add3A_70] : memref<1600000xi32, #tpu.memory_space<hbm>> -> memref<128xi32, #tpu.memory_space<hbm>>
          tpu.enqueue_dma source(%dma_start3A_78 : memref<128xi32, #tpu.memory_space<hbm>>) target(%arg13 : memref<128xi32, #tpu.memory_space<vmem>>) target_semaphore(%run_scoped3A : memref<!tpu.dma_semaphore, #tpu.memory_space<semaphore_mem>>)
          %dma_wait3A_79 = tpu.memref_slice %arg3[%add3A_70] : memref<1600000xi32, #tpu.memory_space<hbm>> -> memref<128xi32, #tpu.memory_space<hbm>>
          %dma_wait3A_80 = tpu.memref_slice %arg3[%add3A_70] : memref<1600000xi32, #tpu.memory_space<hbm>> -> memref<128xi32, #tpu.memory_space<hbm>>
          tpu.wait_dma2 semaphore(%run_scoped3A : memref<!tpu.dma_semaphore, #tpu.memory_space<semaphore_mem>>) src(%dma_wait3A_80 : memref<128xi32, #tpu.memory_space<hbm>>) dst(%arg13 : memref<128xi32, #tpu.memory_space<vmem>>)
          tpu.yield
        }) : () -> ()
        "tpu.region"() ({
          %run_scoped3A = tpu.sem_alloc : memref<!tpu.dma_semaphore, #tpu.memory_space<semaphore_mem>>
          %dma_start3A_77 = arith.constant 0 : i32
          %dma_start3A_78 = arith.constant 0 : i32
          %dma_start3A_79 = tpu.memref_slice %arg10[%dma_start3A_77, %dma_start3A_78] : memref<100096x8xf32, #tpu.memory_space<vmem_shared>> -> memref<100096x8xf32, #tpu.memory_space<vmem_shared>>
          tpu.enqueue_indirect_dma source(%arg14 : memref<128x8xf32, #tpu.memory_space<vmem>>) target(%dma_start3A_79 : memref<100096x8xf32, #tpu.memory_space<vmem_shared>>) offsets(%arg13 : memref<128xi32, #tpu.memory_space<vmem>>) semaphore(%run_scoped3A : memref<!tpu.dma_semaphore, #tpu.memory_space<semaphore_mem>>) {add = true}
          %dma_wait3A_80 = arith.constant 0 : i32
          %dma_wait3A_81 = arith.constant 0 : i32
          %dma_wait3A_82 = tpu.memref_slice %arg10[%dma_wait3A_80, %dma_wait3A_81] : memref<100096x8xf32, #tpu.memory_space<vmem_shared>> -> memref<100096x8xf32, #tpu.memory_space<vmem_shared>>
          tpu.wait_indirect_dma semaphore(%run_scoped3A : memref<!tpu.dma_semaphore, #tpu.memory_space<semaphore_mem>>) src(%arg14 : memref<128x8xf32, #tpu.memory_space<vmem>>) dst(%dma_wait3A_82 : memref<100096x8xf32, #tpu.memory_space<vmem_shared>>)
          tpu.yield
        }) : () -> ()
      }
      %scan3A_18 = arith.constant 781 : i32
      %add3A_19 = arith.constant 99968 : i32
      %add3A_20 = arith.addi %mul3A_0, %add3A_19 : i32
      "tpu.region"() ({
        %run_scoped3A = tpu.sem_alloc : memref<!tpu.dma_semaphore, #tpu.memory_space<semaphore_mem>>
        %dma_start3A_63 = tpu.memref_slice %arg2[%add3A_20] : memref<1600000xi32, #tpu.memory_space<hbm>> -> memref<32xi32, #tpu.memory_space<hbm>>
        %dma_start3A_64 = tpu.memref_slice %arg2[%add3A_20] : memref<1600000xi32, #tpu.memory_space<hbm>> -> memref<32xi32, #tpu.memory_space<hbm>>
        tpu.enqueue_dma source(%dma_start3A_64 : memref<32xi32, #tpu.memory_space<hbm>>) target(%arg15 : memref<32xi32, #tpu.memory_space<vmem>>) target_semaphore(%run_scoped3A : memref<!tpu.dma_semaphore, #tpu.memory_space<semaphore_mem>>)
        %dma_wait3A_65 = tpu.memref_slice %arg2[%add3A_20] : memref<1600000xi32, #tpu.memory_space<hbm>> -> memref<32xi32, #tpu.memory_space<hbm>>
        %dma_wait3A_66 = tpu.memref_slice %arg2[%add3A_20] : memref<1600000xi32, #tpu.memory_space<hbm>> -> memref<32xi32, #tpu.memory_space<hbm>>
        tpu.wait_dma2 semaphore(%run_scoped3A : memref<!tpu.dma_semaphore, #tpu.memory_space<semaphore_mem>>) src(%dma_wait3A_66 : memref<32xi32, #tpu.memory_space<hbm>>) dst(%arg15 : memref<32xi32, #tpu.memory_space<vmem>>)
        tpu.yield
      }) : () -> ()
      %dma_start3A = arith.constant 0 : i32
      %dma_start3A_21 = arith.constant 0 : i32
      %dma_start3A_22 = tpu.memref_slice %arg6[%dma_start3A, %dma_start3A_21] : memref<100000x8xf32, #tpu.memory_space<hbm>> -> memref<100000x8xf32, #tpu.memory_space<hbm>>
      tpu.enqueue_indirect_dma source(%dma_start3A_22 : memref<100000x8xf32, #tpu.memory_space<hbm>>) target(%arg17 : memref<32x8xf32, #tpu.memory_space<vmem>>) offsets(%arg15 : memref<32xi32, #tpu.memory_space<vmem>>) semaphore(%arg18 : memref<!tpu.dma_semaphore, #tpu.memory_space<semaphore_mem>>)
      %dma_wait3A = arith.constant 0 : i32
      %dma_wait3A_23 = arith.constant 0 : i32
      %dma_wait3A_24 = tpu.memref_slice %arg6[%dma_wait3A, %dma_wait3A_23] : memref<100000x8xf32, #tpu.memory_space<hbm>> -> memref<100000x8xf32, #tpu.memory_space<hbm>>
      tpu.wait_indirect_dma semaphore(%arg18 : memref<!tpu.dma_semaphore, #tpu.memory_space<semaphore_mem>>) src(%dma_wait3A_24 : memref<100000x8xf32, #tpu.memory_space<hbm>>) dst(%arg17 : memref<32x8xf32, #tpu.memory_space<vmem>>)
      "tpu.region"() ({
        %run_scoped3A = tpu.sem_alloc : memref<!tpu.dma_semaphore, #tpu.memory_space<semaphore_mem>>
        %dma_start3A_63 = tpu.memref_slice %arg3[%add3A_20] : memref<1600000xi32, #tpu.memory_space<hbm>> -> memref<32xi32, #tpu.memory_space<hbm>>
        %dma_start3A_64 = tpu.memref_slice %arg3[%add3A_20] : memref<1600000xi32, #tpu.memory_space<hbm>> -> memref<32xi32, #tpu.memory_space<hbm>>
        tpu.enqueue_dma source(%dma_start3A_64 : memref<32xi32, #tpu.memory_space<hbm>>) target(%arg16 : memref<32xi32, #tpu.memory_space<vmem>>) target_semaphore(%run_scoped3A : memref<!tpu.dma_semaphore, #tpu.memory_space<semaphore_mem>>)
        %dma_wait3A_65 = tpu.memref_slice %arg3[%add3A_20] : memref<1600000xi32, #tpu.memory_space<hbm>> -> memref<32xi32, #tpu.memory_space<hbm>>
        %dma_wait3A_66 = tpu.memref_slice %arg3[%add3A_20] : memref<1600000xi32, #tpu.memory_space<hbm>> -> memref<32xi32, #tpu.memory_space<hbm>>
        tpu.wait_dma2 semaphore(%run_scoped3A : memref<!tpu.dma_semaphore, #tpu.memory_space<semaphore_mem>>) src(%dma_wait3A_66 : memref<32xi32, #tpu.memory_space<hbm>>) dst(%arg16 : memref<32xi32, #tpu.memory_space<vmem>>)
        tpu.yield
      }) : () -> ()
      "tpu.region"() ({
        %run_scoped3A = tpu.sem_alloc : memref<!tpu.dma_semaphore, #tpu.memory_space<semaphore_mem>>
        %dma_start3A_63 = arith.constant 0 : i32
        %dma_start3A_64 = arith.constant 0 : i32
        %dma_start3A_65 = tpu.memref_slice %arg10[%dma_start3A_63, %dma_start3A_64] : memref<100096x8xf32, #tpu.memory_space<vmem_shared>> -> memref<100096x8xf32, #tpu.memory_space<vmem_shared>>
        tpu.enqueue_indirect_dma source(%arg17 : memref<32x8xf32, #tpu.memory_space<vmem>>) target(%dma_start3A_65 : memref<100096x8xf32, #tpu.memory_space<vmem_shared>>) offsets(%arg16 : memref<32xi32, #tpu.memory_space<vmem>>) semaphore(%run_scoped3A : memref<!tpu.dma_semaphore, #tpu.memory_space<semaphore_mem>>) {add = true}
        %dma_wait3A_66 = arith.constant 0 : i32
        %dma_wait3A_67 = arith.constant 0 : i32
        %dma_wait3A_68 = tpu.memref_slice %arg10[%dma_wait3A_66, %dma_wait3A_67] : memref<100096x8xf32, #tpu.memory_space<vmem_shared>> -> memref<100096x8xf32, #tpu.memory_space<vmem_shared>>
        tpu.wait_indirect_dma semaphore(%run_scoped3A : memref<!tpu.dma_semaphore, #tpu.memory_space<semaphore_mem>>) src(%arg17 : memref<32x8xf32, #tpu.memory_space<vmem>>) dst(%dma_wait3A_68 : memref<100096x8xf32, #tpu.memory_space<vmem_shared>>)
        tpu.yield
      }) : () -> ()
      %barrier3A_25 = arith.constant 0 : index
      tpu.barrier barrier_id(%barrier3A_25)
      %mul3A_26 = arith.constant 6256 : i32
      %mul3A_27 = arith.muli %arg1, %mul3A_26 : i32
      "tpu.region"() ({
        %run_scoped3A = tpu.sem_alloc : memref<!tpu.dma_semaphore, #tpu.memory_space<semaphore_mem>>
        %dma_start3A_63 = arith.constant 0 : i32
        %dma_start3A_64 = tpu.memref_slice %arg10[%mul3A_27, %dma_start3A_63] : memref<100096x8xf32, #tpu.memory_space<vmem_shared>> -> memref<6256x8xf32, #tpu.memory_space<vmem_shared>>
        %dma_start3A_65 = arith.constant 0 : i32
        %dma_start3A_66 = tpu.memref_slice %arg10[%mul3A_27, %dma_start3A_65] : memref<100096x8xf32, #tpu.memory_space<vmem_shared>> -> memref<6256x8xf32, #tpu.memory_space<vmem_shared>>
        tpu.enqueue_dma source(%dma_start3A_66 : memref<6256x8xf32, #tpu.memory_space<vmem_shared>>) target(%arg11 : memref<6256x8xf32, #tpu.memory_space<vmem>>) target_semaphore(%run_scoped3A : memref<!tpu.dma_semaphore, #tpu.memory_space<semaphore_mem>>)
        %dma_wait3A_67 = arith.constant 0 : i32
        %dma_wait3A_68 = tpu.memref_slice %arg10[%mul3A_27, %dma_wait3A_67] : memref<100096x8xf32, #tpu.memory_space<vmem_shared>> -> memref<6256x8xf32, #tpu.memory_space<vmem_shared>>
        %dma_wait3A_69 = arith.constant 0 : i32
        %dma_wait3A_70 = tpu.memref_slice %arg10[%mul3A_27, %dma_wait3A_69] : memref<100096x8xf32, #tpu.memory_space<vmem_shared>> -> memref<6256x8xf32, #tpu.memory_space<vmem_shared>>
        tpu.wait_dma2 semaphore(%run_scoped3A : memref<!tpu.dma_semaphore, #tpu.memory_space<semaphore_mem>>) src(%dma_wait3A_70 : memref<6256x8xf32, #tpu.memory_space<vmem_shared>>) dst(%arg11 : memref<6256x8xf32, #tpu.memory_space<vmem>>)
        tpu.yield
      }) : () -> ()
      %mul3A_28 = arith.constant 100096 : i32
      %mul3A_29 = arith.muli %add3A_10, %mul3A_28 : i32
      %mul3A_30 = arith.constant 6256 : i32
      %mul3A_31 = arith.muli %arg1, %mul3A_30 : i32
      %add3A_32 = arith.addi %mul3A_29, %mul3A_31 : i32
      "tpu.region"() ({
        %run_scoped3A = tpu.sem_alloc : memref<!tpu.dma_semaphore, #tpu.memory_space<semaphore_mem>>
        %dma_start3A_63 = arith.constant 0 : i32
        %dma_start3A_64 = tpu.memref_slice %arg9[%add3A_32, %dma_start3A_63] : memref<400384x8xf32, #tpu.memory_space<hbm>> -> memref<6256x8xf32, #tpu.memory_space<hbm>>
        %dma_start3A_65 = arith.constant 0 : i32
        %dma_start3A_66 = tpu.memref_slice %arg9[%add3A_32, %dma_start3A_65] : memref<400384x8xf32, #tpu.memory_space<hbm>> -> memref<6256x8xf32, #tpu.memory_space<hbm>>
        tpu.enqueue_dma source(%arg11 : memref<6256x8xf32, #tpu.memory_space<vmem>>) target(%dma_start3A_66 : memref<6256x8xf32, #tpu.memory_space<hbm>>) target_semaphore(%run_scoped3A : memref<!tpu.dma_semaphore, #tpu.memory_space<semaphore_mem>>)
        %dma_wait3A_67 = arith.constant 0 : i32
        %dma_wait3A_68 = tpu.memref_slice %arg9[%add3A_32, %dma_wait3A_67] : memref<400384x8xf32, #tpu.memory_space<hbm>> -> memref<6256x8xf32, #tpu.memory_space<hbm>>
        %dma_wait3A_69 = arith.constant 0 : i32
        %dma_wait3A_70 = tpu.memref_slice %arg9[%add3A_32, %dma_wait3A_69] : memref<400384x8xf32, #tpu.memory_space<hbm>> -> memref<6256x8xf32, #tpu.memory_space<hbm>>
        tpu.wait_dma2 semaphore(%run_scoped3A : memref<!tpu.dma_semaphore, #tpu.memory_space<semaphore_mem>>) src(%arg11 : memref<6256x8xf32, #tpu.memory_space<vmem>>) dst(%dma_wait3A_70 : memref<6256x8xf32, #tpu.memory_space<hbm>>)
        tpu.yield
      }) : () -> ()
      %mul3A_33 = arith.constant 2 : i32
      %mul3A_34 = arith.muli %mul3A_33, %arg0 : i32
      %add3A_35 = arith.constant 1 : i32
      %add3A_36 = arith.addi %mul3A_34, %add3A_35 : i32
      %mul3A_37 = arith.constant 6256 : i32
      %mul3A_38 = arith.muli %arg1, %mul3A_37 : i32
      "tpu.region"() ({
        %run_scoped3A = tpu.sem_alloc : memref<!tpu.dma_semaphore, #tpu.memory_space<semaphore_mem>>
        %dma_start3A_63 = arith.constant 0 : i32
        %dma_start3A_64 = tpu.memref_slice %arg8[%mul3A_38, %dma_start3A_63] : memref<100096x8xf32, #tpu.memory_space<hbm>> -> memref<6256x8xf32, #tpu.memory_space<hbm>>
        %dma_start3A_65 = arith.constant 0 : i32
        %dma_start3A_66 = tpu.memref_slice %arg8[%mul3A_38, %dma_start3A_65] : memref<100096x8xf32, #tpu.memory_space<hbm>> -> memref<6256x8xf32, #tpu.memory_space<hbm>>
        tpu.enqueue_dma source(%dma_start3A_66 : memref<6256x8xf32, #tpu.memory_space<hbm>>) target(%arg11 : memref<6256x8xf32, #tpu.memory_space<vmem>>) target_semaphore(%run_scoped3A : memref<!tpu.dma_semaphore, #tpu.memory_space<semaphore_mem>>)
        %dma_wait3A_67 = arith.constant 0 : i32
        %dma_wait3A_68 = tpu.memref_slice %arg8[%mul3A_38, %dma_wait3A_67] : memref<100096x8xf32, #tpu.memory_space<hbm>> -> memref<6256x8xf32, #tpu.memory_space<hbm>>
        %dma_wait3A_69 = arith.constant 0 : i32
        %dma_wait3A_70 = tpu.memref_slice %arg8[%mul3A_38, %dma_wait3A_69] : memref<100096x8xf32, #tpu.memory_space<hbm>> -> memref<6256x8xf32, #tpu.memory_space<hbm>>
        tpu.wait_dma2 semaphore(%run_scoped3A : memref<!tpu.dma_semaphore, #tpu.memory_space<semaphore_mem>>) src(%dma_wait3A_70 : memref<6256x8xf32, #tpu.memory_space<hbm>>) dst(%arg11 : memref<6256x8xf32, #tpu.memory_space<vmem>>)
        tpu.yield
      }) : () -> ()
      %mul3A_39 = arith.constant 6256 : i32
      %mul3A_40 = arith.muli %arg1, %mul3A_39 : i32
      "tpu.region"() ({
        %run_scoped3A = tpu.sem_alloc : memref<!tpu.dma_semaphore, #tpu.memory_space<semaphore_mem>>
        %dma_start3A_63 = arith.constant 0 : i32
        %dma_start3A_64 = tpu.memref_slice %arg10[%mul3A_40, %dma_start3A_63] : memref<100096x8xf32, #tpu.memory_space<vmem_shared>> -> memref<6256x8xf32, #tpu.memory_space<vmem_shared>>
        %dma_start3A_65 = arith.constant 0 : i32
        %dma_start3A_66 = tpu.memref_slice %arg10[%mul3A_40, %dma_start3A_65] : memref<100096x8xf32, #tpu.memory_space<vmem_shared>> -> memref<6256x8xf32, #tpu.memory_space<vmem_shared>>
        tpu.enqueue_dma source(%arg11 : memref<6256x8xf32, #tpu.memory_space<vmem>>) target(%dma_start3A_66 : memref<6256x8xf32, #tpu.memory_space<vmem_shared>>) target_semaphore(%run_scoped3A : memref<!tpu.dma_semaphore, #tpu.memory_space<semaphore_mem>>)
        %dma_wait3A_67 = arith.constant 0 : i32
        %dma_wait3A_68 = tpu.memref_slice %arg10[%mul3A_40, %dma_wait3A_67] : memref<100096x8xf32, #tpu.memory_space<vmem_shared>> -> memref<6256x8xf32, #tpu.memory_space<vmem_shared>>
        %dma_wait3A_69 = arith.constant 0 : i32
        %dma_wait3A_70 = tpu.memref_slice %arg10[%mul3A_40, %dma_wait3A_69] : memref<100096x8xf32, #tpu.memory_space<vmem_shared>> -> memref<6256x8xf32, #tpu.memory_space<vmem_shared>>
        tpu.wait_dma2 semaphore(%run_scoped3A : memref<!tpu.dma_semaphore, #tpu.memory_space<semaphore_mem>>) src(%arg11 : memref<6256x8xf32, #tpu.memory_space<vmem>>) dst(%dma_wait3A_70 : memref<6256x8xf32, #tpu.memory_space<vmem_shared>>)
        tpu.yield
      }) : () -> ()
      %barrier3A_41 = arith.constant 0 : index
      tpu.barrier barrier_id(%barrier3A_41)
      %scan3A_42 = arith.constant 0 : i32
      %scan3A_43 = arith.constant 781 : i32
      %scan3A_44 = arith.addi %scan3A_42, %scan3A_43 : i32
      %scan3A_45 = arith.constant 1 : i32
      scf.for %scan3A_63 = %scan3A_42 to %scan3A_44 step %scan3A_45  : i32 {
        %mul3A_64 = arith.constant 1 : i32
        %mul3A_65 = arith.muli %scan3A_63, %mul3A_64 : i32
        %add3A_66 = arith.constant 0 : i32
        %add3A_67 = arith.addi %add3A_66, %mul3A_65 : i32
        %mul3A_68 = arith.constant 128 : i32
        %mul3A_69 = arith.muli %add3A_67, %mul3A_68 : i32
        %add3A_70 = arith.addi %mul3A_0, %mul3A_69 : i32
        "tpu.region"() ({
          %run_scoped3A = tpu.sem_alloc : memref<!tpu.dma_semaphore, #tpu.memory_space<semaphore_mem>>
          %dma_start3A_77 = tpu.memref_slice %arg2[%add3A_70] : memref<1600000xi32, #tpu.memory_space<hbm>> -> memref<128xi32, #tpu.memory_space<hbm>>
          %dma_start3A_78 = tpu.memref_slice %arg2[%add3A_70] : memref<1600000xi32, #tpu.memory_space<hbm>> -> memref<128xi32, #tpu.memory_space<hbm>>
          tpu.enqueue_dma source(%dma_start3A_78 : memref<128xi32, #tpu.memory_space<hbm>>) target(%arg12 : memref<128xi32, #tpu.memory_space<vmem>>) target_semaphore(%run_scoped3A : memref<!tpu.dma_semaphore, #tpu.memory_space<semaphore_mem>>)
          %dma_wait3A_79 = tpu.memref_slice %arg2[%add3A_70] : memref<1600000xi32, #tpu.memory_space<hbm>> -> memref<128xi32, #tpu.memory_space<hbm>>
          %dma_wait3A_80 = tpu.memref_slice %arg2[%add3A_70] : memref<1600000xi32, #tpu.memory_space<hbm>> -> memref<128xi32, #tpu.memory_space<hbm>>
          tpu.wait_dma2 semaphore(%run_scoped3A : memref<!tpu.dma_semaphore, #tpu.memory_space<semaphore_mem>>) src(%dma_wait3A_80 : memref<128xi32, #tpu.memory_space<hbm>>) dst(%arg12 : memref<128xi32, #tpu.memory_space<vmem>>)
          tpu.yield
        }) : () -> ()
        %dma_start3A_71 = arith.constant 0 : i32
        %dma_start3A_72 = arith.constant 0 : i32
        %dma_start3A_73 = tpu.memref_slice %arg7[%dma_start3A_71, %dma_start3A_72] : memref<100000x8xf32, #tpu.memory_space<hbm>> -> memref<100000x8xf32, #tpu.memory_space<hbm>>
        tpu.enqueue_indirect_dma source(%dma_start3A_73 : memref<100000x8xf32, #tpu.memory_space<hbm>>) target(%arg14 : memref<128x8xf32, #tpu.memory_space<vmem>>) offsets(%arg12 : memref<128xi32, #tpu.memory_space<vmem>>) semaphore(%arg18 : memref<!tpu.dma_semaphore, #tpu.memory_space<semaphore_mem>>)
        %dma_wait3A_74 = arith.constant 0 : i32
        %dma_wait3A_75 = arith.constant 0 : i32
        %dma_wait3A_76 = tpu.memref_slice %arg7[%dma_wait3A_74, %dma_wait3A_75] : memref<100000x8xf32, #tpu.memory_space<hbm>> -> memref<100000x8xf32, #tpu.memory_space<hbm>>
        tpu.wait_indirect_dma semaphore(%arg18 : memref<!tpu.dma_semaphore, #tpu.memory_space<semaphore_mem>>) src(%dma_wait3A_76 : memref<100000x8xf32, #tpu.memory_space<hbm>>) dst(%arg14 : memref<128x8xf32, #tpu.memory_space<vmem>>)
        "tpu.region"() ({
          %run_scoped3A = tpu.sem_alloc : memref<!tpu.dma_semaphore, #tpu.memory_space<semaphore_mem>>
          %dma_start3A_77 = tpu.memref_slice %arg3[%add3A_70] : memref<1600000xi32, #tpu.memory_space<hbm>> -> memref<128xi32, #tpu.memory_space<hbm>>
          %dma_start3A_78 = tpu.memref_slice %arg3[%add3A_70] : memref<1600000xi32, #tpu.memory_space<hbm>> -> memref<128xi32, #tpu.memory_space<hbm>>
          tpu.enqueue_dma source(%dma_start3A_78 : memref<128xi32, #tpu.memory_space<hbm>>) target(%arg13 : memref<128xi32, #tpu.memory_space<vmem>>) target_semaphore(%run_scoped3A : memref<!tpu.dma_semaphore, #tpu.memory_space<semaphore_mem>>)
          %dma_wait3A_79 = tpu.memref_slice %arg3[%add3A_70] : memref<1600000xi32, #tpu.memory_space<hbm>> -> memref<128xi32, #tpu.memory_space<hbm>>
          %dma_wait3A_80 = tpu.memref_slice %arg3[%add3A_70] : memref<1600000xi32, #tpu.memory_space<hbm>> -> memref<128xi32, #tpu.memory_space<hbm>>
          tpu.wait_dma2 semaphore(%run_scoped3A : memref<!tpu.dma_semaphore, #tpu.memory_space<semaphore_mem>>) src(%dma_wait3A_80 : memref<128xi32, #tpu.memory_space<hbm>>) dst(%arg13 : memref<128xi32, #tpu.memory_space<vmem>>)
          tpu.yield
        }) : () -> ()
        "tpu.region"() ({
          %run_scoped3A = tpu.sem_alloc : memref<!tpu.dma_semaphore, #tpu.memory_space<semaphore_mem>>
          %dma_start3A_77 = arith.constant 0 : i32
          %dma_start3A_78 = arith.constant 0 : i32
          %dma_start3A_79 = tpu.memref_slice %arg10[%dma_start3A_77, %dma_start3A_78] : memref<100096x8xf32, #tpu.memory_space<vmem_shared>> -> memref<100096x8xf32, #tpu.memory_space<vmem_shared>>
          tpu.enqueue_indirect_dma source(%arg14 : memref<128x8xf32, #tpu.memory_space<vmem>>) target(%dma_start3A_79 : memref<100096x8xf32, #tpu.memory_space<vmem_shared>>) offsets(%arg13 : memref<128xi32, #tpu.memory_space<vmem>>) semaphore(%run_scoped3A : memref<!tpu.dma_semaphore, #tpu.memory_space<semaphore_mem>>) {add = true}
          %dma_wait3A_80 = arith.constant 0 : i32
          %dma_wait3A_81 = arith.constant 0 : i32
          %dma_wait3A_82 = tpu.memref_slice %arg10[%dma_wait3A_80, %dma_wait3A_81] : memref<100096x8xf32, #tpu.memory_space<vmem_shared>> -> memref<100096x8xf32, #tpu.memory_space<vmem_shared>>
          tpu.wait_indirect_dma semaphore(%run_scoped3A : memref<!tpu.dma_semaphore, #tpu.memory_space<semaphore_mem>>) src(%arg14 : memref<128x8xf32, #tpu.memory_space<vmem>>) dst(%dma_wait3A_82 : memref<100096x8xf32, #tpu.memory_space<vmem_shared>>)
          tpu.yield
        }) : () -> ()
      }
      %scan3A_46 = arith.constant 781 : i32
      %add3A_47 = arith.constant 99968 : i32
      %add3A_48 = arith.addi %mul3A_0, %add3A_47 : i32
      "tpu.region"() ({
        %run_scoped3A = tpu.sem_alloc : memref<!tpu.dma_semaphore, #tpu.memory_space<semaphore_mem>>
        %dma_start3A_63 = tpu.memref_slice %arg2[%add3A_48] : memref<1600000xi32, #tpu.memory_space<hbm>> -> memref<32xi32, #tpu.memory_space<hbm>>
        %dma_start3A_64 = tpu.memref_slice %arg2[%add3A_48] : memref<1600000xi32, #tpu.memory_space<hbm>> -> memref<32xi32, #tpu.memory_space<hbm>>
        tpu.enqueue_dma source(%dma_start3A_64 : memref<32xi32, #tpu.memory_space<hbm>>) target(%arg15 : memref<32xi32, #tpu.memory_space<vmem>>) target_semaphore(%run_scoped3A : memref<!tpu.dma_semaphore, #tpu.memory_space<semaphore_mem>>)
        %dma_wait3A_65 = tpu.memref_slice %arg2[%add3A_48] : memref<1600000xi32, #tpu.memory_space<hbm>> -> memref<32xi32, #tpu.memory_space<hbm>>
        %dma_wait3A_66 = tpu.memref_slice %arg2[%add3A_48] : memref<1600000xi32, #tpu.memory_space<hbm>> -> memref<32xi32, #tpu.memory_space<hbm>>
        tpu.wait_dma2 semaphore(%run_scoped3A : memref<!tpu.dma_semaphore, #tpu.memory_space<semaphore_mem>>) src(%dma_wait3A_66 : memref<32xi32, #tpu.memory_space<hbm>>) dst(%arg15 : memref<32xi32, #tpu.memory_space<vmem>>)
        tpu.yield
      }) : () -> ()
      %dma_start3A_49 = arith.constant 0 : i32
      %dma_start3A_50 = arith.constant 0 : i32
      %dma_start3A_51 = tpu.memref_slice %arg7[%dma_start3A_49, %dma_start3A_50] : memref<100000x8xf32, #tpu.memory_space<hbm>> -> memref<100000x8xf32, #tpu.memory_space<hbm>>
      tpu.enqueue_indirect_dma source(%dma_start3A_51 : memref<100000x8xf32, #tpu.memory_space<hbm>>) target(%arg17 : memref<32x8xf32, #tpu.memory_space<vmem>>) offsets(%arg15 : memref<32xi32, #tpu.memory_space<vmem>>) semaphore(%arg18 : memref<!tpu.dma_semaphore, #tpu.memory_space<semaphore_mem>>)
      %dma_wait3A_52 = arith.constant 0 : i32
      %dma_wait3A_53 = arith.constant 0 : i32
      %dma_wait3A_54 = tpu.memref_slice %arg7[%dma_wait3A_52, %dma_wait3A_53] : memref<100000x8xf32, #tpu.memory_space<hbm>> -> memref<100000x8xf32, #tpu.memory_space<hbm>>
      tpu.wait_indirect_dma semaphore(%arg18 : memref<!tpu.dma_semaphore, #tpu.memory_space<semaphore_mem>>) src(%dma_wait3A_54 : memref<100000x8xf32, #tpu.memory_space<hbm>>) dst(%arg17 : memref<32x8xf32, #tpu.memory_space<vmem>>)
      "tpu.region"() ({
        %run_scoped3A = tpu.sem_alloc : memref<!tpu.dma_semaphore, #tpu.memory_space<semaphore_mem>>
        %dma_start3A_63 = tpu.memref_slice %arg3[%add3A_48] : memref<1600000xi32, #tpu.memory_space<hbm>> -> memref<32xi32, #tpu.memory_space<hbm>>
        %dma_start3A_64 = tpu.memref_slice %arg3[%add3A_48] : memref<1600000xi32, #tpu.memory_space<hbm>> -> memref<32xi32, #tpu.memory_space<hbm>>
        tpu.enqueue_dma source(%dma_start3A_64 : memref<32xi32, #tpu.memory_space<hbm>>) target(%arg16 : memref<32xi32, #tpu.memory_space<vmem>>) target_semaphore(%run_scoped3A : memref<!tpu.dma_semaphore, #tpu.memory_space<semaphore_mem>>)
        %dma_wait3A_65 = tpu.memref_slice %arg3[%add3A_48] : memref<1600000xi32, #tpu.memory_space<hbm>> -> memref<32xi32, #tpu.memory_space<hbm>>
        %dma_wait3A_66 = tpu.memref_slice %arg3[%add3A_48] : memref<1600000xi32, #tpu.memory_space<hbm>> -> memref<32xi32, #tpu.memory_space<hbm>>
        tpu.wait_dma2 semaphore(%run_scoped3A : memref<!tpu.dma_semaphore, #tpu.memory_space<semaphore_mem>>) src(%dma_wait3A_66 : memref<32xi32, #tpu.memory_space<hbm>>) dst(%arg16 : memref<32xi32, #tpu.memory_space<vmem>>)
        tpu.yield
      }) : () -> ()
      "tpu.region"() ({
        %run_scoped3A = tpu.sem_alloc : memref<!tpu.dma_semaphore, #tpu.memory_space<semaphore_mem>>
        %dma_start3A_63 = arith.constant 0 : i32
        %dma_start3A_64 = arith.constant 0 : i32
        %dma_start3A_65 = tpu.memref_slice %arg10[%dma_start3A_63, %dma_start3A_64] : memref<100096x8xf32, #tpu.memory_space<vmem_shared>> -> memref<100096x8xf32, #tpu.memory_space<vmem_shared>>
        tpu.enqueue_indirect_dma source(%arg17 : memref<32x8xf32, #tpu.memory_space<vmem>>) target(%dma_start3A_65 : memref<100096x8xf32, #tpu.memory_space<vmem_shared>>) offsets(%arg16 : memref<32xi32, #tpu.memory_space<vmem>>) semaphore(%run_scoped3A : memref<!tpu.dma_semaphore, #tpu.memory_space<semaphore_mem>>) {add = true}
        %dma_wait3A_66 = arith.constant 0 : i32
        %dma_wait3A_67 = arith.constant 0 : i32
        %dma_wait3A_68 = tpu.memref_slice %arg10[%dma_wait3A_66, %dma_wait3A_67] : memref<100096x8xf32, #tpu.memory_space<vmem_shared>> -> memref<100096x8xf32, #tpu.memory_space<vmem_shared>>
        tpu.wait_indirect_dma semaphore(%run_scoped3A : memref<!tpu.dma_semaphore, #tpu.memory_space<semaphore_mem>>) src(%arg17 : memref<32x8xf32, #tpu.memory_space<vmem>>) dst(%dma_wait3A_68 : memref<100096x8xf32, #tpu.memory_space<vmem_shared>>)
        tpu.yield
      }) : () -> ()
      %barrier3A_55 = arith.constant 0 : index
      tpu.barrier barrier_id(%barrier3A_55)
      %mul3A_56 = arith.constant 6256 : i32
      %mul3A_57 = arith.muli %arg1, %mul3A_56 : i32
      "tpu.region"() ({
        %run_scoped3A = tpu.sem_alloc : memref<!tpu.dma_semaphore, #tpu.memory_space<semaphore_mem>>
        %dma_start3A_63 = arith.constant 0 : i32
        %dma_start3A_64 = tpu.memref_slice %arg10[%mul3A_57, %dma_start3A_63] : memref<100096x8xf32, #tpu.memory_space<vmem_shared>> -> memref<6256x8xf32, #tpu.memory_space<vmem_shared>>
        %dma_start3A_65 = arith.constant 0 : i32
        %dma_start3A_66 = tpu.memref_slice %arg10[%mul3A_57, %dma_start3A_65] : memref<100096x8xf32, #tpu.memory_space<vmem_shared>> -> memref<6256x8xf32, #tpu.memory_space<vmem_shared>>
        tpu.enqueue_dma source(%dma_start3A_66 : memref<6256x8xf32, #tpu.memory_space<vmem_shared>>) target(%arg11 : memref<6256x8xf32, #tpu.memory_space<vmem>>) target_semaphore(%run_scoped3A : memref<!tpu.dma_semaphore, #tpu.memory_space<semaphore_mem>>)
        %dma_wait3A_67 = arith.constant 0 : i32
        %dma_wait3A_68 = tpu.memref_slice %arg10[%mul3A_57, %dma_wait3A_67] : memref<100096x8xf32, #tpu.memory_space<vmem_shared>> -> memref<6256x8xf32, #tpu.memory_space<vmem_shared>>
        %dma_wait3A_69 = arith.constant 0 : i32
        %dma_wait3A_70 = tpu.memref_slice %arg10[%mul3A_57, %dma_wait3A_69] : memref<100096x8xf32, #tpu.memory_space<vmem_shared>> -> memref<6256x8xf32, #tpu.memory_space<vmem_shared>>
        tpu.wait_dma2 semaphore(%run_scoped3A : memref<!tpu.dma_semaphore, #tpu.memory_space<semaphore_mem>>) src(%dma_wait3A_70 : memref<6256x8xf32, #tpu.memory_space<vmem_shared>>) dst(%arg11 : memref<6256x8xf32, #tpu.memory_space<vmem>>)
        tpu.yield
      }) : () -> ()
      %mul3A_58 = arith.constant 100096 : i32
      %mul3A_59 = arith.muli %add3A_36, %mul3A_58 : i32
      %mul3A_60 = arith.constant 6256 : i32
      %mul3A_61 = arith.muli %arg1, %mul3A_60 : i32
      %add3A_62 = arith.addi %mul3A_59, %mul3A_61 : i32
      "tpu.region"() ({
        %run_scoped3A = tpu.sem_alloc : memref<!tpu.dma_semaphore, #tpu.memory_space<semaphore_mem>>
        %dma_start3A_63 = arith.constant 0 : i32
        %dma_start3A_64 = tpu.memref_slice %arg9[%add3A_62, %dma_start3A_63] : memref<400384x8xf32, #tpu.memory_space<hbm>> -> memref<6256x8xf32, #tpu.memory_space<hbm>>
        %dma_start3A_65 = arith.constant 0 : i32
        %dma_start3A_66 = tpu.memref_slice %arg9[%add3A_62, %dma_start3A_65] : memref<400384x8xf32, #tpu.memory_space<hbm>> -> memref<6256x8xf32, #tpu.memory_space<hbm>>
        tpu.enqueue_dma source(%arg11 : memref<6256x8xf32, #tpu.memory_space<vmem>>) target(%dma_start3A_66 : memref<6256x8xf32, #tpu.memory_space<hbm>>) target_semaphore(%run_scoped3A : memref<!tpu.dma_semaphore, #tpu.memory_space<semaphore_mem>>)
        %dma_wait3A_67 = arith.constant 0 : i32
        %dma_wait3A_68 = tpu.memref_slice %arg9[%add3A_62, %dma_wait3A_67] : memref<400384x8xf32, #tpu.memory_space<hbm>> -> memref<6256x8xf32, #tpu.memory_space<hbm>>
        %dma_wait3A_69 = arith.constant 0 : i32
        %dma_wait3A_70 = tpu.memref_slice %arg9[%add3A_62, %dma_wait3A_69] : memref<400384x8xf32, #tpu.memory_space<hbm>> -> memref<6256x8xf32, #tpu.memory_space<hbm>>
        tpu.wait_dma2 semaphore(%run_scoped3A : memref<!tpu.dma_semaphore, #tpu.memory_space<semaphore_mem>>) src(%arg11 : memref<6256x8xf32, #tpu.memory_space<vmem>>) dst(%dma_wait3A_70 : memref<6256x8xf32, #tpu.memory_space<hbm>>)
        tpu.yield
      }) : () -> ()
    } else {
    }
    return
  }
}

#map = affine_map<(d0, d1) -> (0)>
#map1 = affine_map<(d0, d1) -> (0, 0)>
module attributes {stable_mosaic.version = 14 : i64} {
  func.func @agg_kernel(%arg0: i32, %arg1: i32, %arg2: memref<1600000xi32, #tpu.memory_space<hbm>>, %arg3: memref<1600000xi32, #tpu.memory_space<hbm>>, %arg4: memref<100000x8xf32, #tpu.memory_space<hbm>>, %arg5: memref<100096x8xf32, #tpu.memory_space<hbm>>, %arg6: memref<200192x8xf32, #tpu.memory_space<hbm>>, %arg7: memref<100096x8xf32, #tpu.memory_space<vmem_shared>>, %arg8: memref<6256x8xf32, #tpu.memory_space<vmem>>, %arg9: memref<128xi32, #tpu.memory_space<vmem>>, %arg10: memref<128xi32, #tpu.memory_space<vmem>>, %arg11: memref<128x8xf32, #tpu.memory_space<vmem>>, %arg12: memref<80xi32, #tpu.memory_space<vmem>>, %arg13: memref<80xi32, #tpu.memory_space<vmem>>, %arg14: memref<80x8xf32, #tpu.memory_space<vmem>>, %arg15: memref<!tpu.dma_semaphore, #tpu.memory_space<semaphore_mem>>) attributes {dimension_semantics = [#tpu.dimension_semantics<core_parallel>, #tpu.dimension_semantics<subcore_parallel>], iteration_bounds = array<i64: 2, 16>, scalar_prefetch = 0 : i64, scratch_operands = 9 : i64, tpu.core_type = #tpu.core_type<sc_vector_subcore>, window_params = [{transform_indices = #map}, {transform_indices = #map}, {transform_indices = #map1}, {transform_indices = #map1}, {transform_indices = #map1}]} {
    %mul3A = arith.constant 2 : i32
    %mul3A_0 = arith.muli %arg1, %mul3A : i32
    %add3A = arith.addi %mul3A_0, %arg0 : i32
    %mul3A_1 = arith.constant 6256 : i32
    %mul3A_2 = arith.muli %arg1, %mul3A_1 : i32
    "tpu.region"() ({
      %run_scoped3A = tpu.sem_alloc : memref<!tpu.dma_semaphore, #tpu.memory_space<semaphore_mem>>
      %dma_start3A_25 = arith.constant 0 : i32
      %dma_start3A_26 = tpu.memref_slice %arg5[%mul3A_2, %dma_start3A_25] : memref<100096x8xf32, #tpu.memory_space<hbm>> -> memref<6256x8xf32, #tpu.memory_space<hbm>>
      %dma_start3A_27 = arith.constant 0 : i32
      %dma_start3A_28 = tpu.memref_slice %arg5[%mul3A_2, %dma_start3A_27] : memref<100096x8xf32, #tpu.memory_space<hbm>> -> memref<6256x8xf32, #tpu.memory_space<hbm>>
      tpu.enqueue_dma source(%dma_start3A_28 : memref<6256x8xf32, #tpu.memory_space<hbm>>) target(%arg8 : memref<6256x8xf32, #tpu.memory_space<vmem>>) target_semaphore(%run_scoped3A : memref<!tpu.dma_semaphore, #tpu.memory_space<semaphore_mem>>)
      %dma_wait3A_29 = arith.constant 0 : i32
      %dma_wait3A_30 = tpu.memref_slice %arg5[%mul3A_2, %dma_wait3A_29] : memref<100096x8xf32, #tpu.memory_space<hbm>> -> memref<6256x8xf32, #tpu.memory_space<hbm>>
      %dma_wait3A_31 = arith.constant 0 : i32
      %dma_wait3A_32 = tpu.memref_slice %arg5[%mul3A_2, %dma_wait3A_31] : memref<100096x8xf32, #tpu.memory_space<hbm>> -> memref<6256x8xf32, #tpu.memory_space<hbm>>
      tpu.wait_dma2 semaphore(%run_scoped3A : memref<!tpu.dma_semaphore, #tpu.memory_space<semaphore_mem>>) src(%dma_wait3A_32 : memref<6256x8xf32, #tpu.memory_space<hbm>>) dst(%arg8 : memref<6256x8xf32, #tpu.memory_space<vmem>>)
      tpu.yield
    }) : () -> ()
    %mul3A_3 = arith.constant 6256 : i32
    %mul3A_4 = arith.muli %arg1, %mul3A_3 : i32
    "tpu.region"() ({
      %run_scoped3A = tpu.sem_alloc : memref<!tpu.dma_semaphore, #tpu.memory_space<semaphore_mem>>
      %dma_start3A_25 = arith.constant 0 : i32
      %dma_start3A_26 = tpu.memref_slice %arg7[%mul3A_4, %dma_start3A_25] : memref<100096x8xf32, #tpu.memory_space<vmem_shared>> -> memref<6256x8xf32, #tpu.memory_space<vmem_shared>>
      %dma_start3A_27 = arith.constant 0 : i32
      %dma_start3A_28 = tpu.memref_slice %arg7[%mul3A_4, %dma_start3A_27] : memref<100096x8xf32, #tpu.memory_space<vmem_shared>> -> memref<6256x8xf32, #tpu.memory_space<vmem_shared>>
      tpu.enqueue_dma source(%arg8 : memref<6256x8xf32, #tpu.memory_space<vmem>>) target(%dma_start3A_28 : memref<6256x8xf32, #tpu.memory_space<vmem_shared>>) target_semaphore(%run_scoped3A : memref<!tpu.dma_semaphore, #tpu.memory_space<semaphore_mem>>)
      %dma_wait3A_29 = arith.constant 0 : i32
      %dma_wait3A_30 = tpu.memref_slice %arg7[%mul3A_4, %dma_wait3A_29] : memref<100096x8xf32, #tpu.memory_space<vmem_shared>> -> memref<6256x8xf32, #tpu.memory_space<vmem_shared>>
      %dma_wait3A_31 = arith.constant 0 : i32
      %dma_wait3A_32 = tpu.memref_slice %arg7[%mul3A_4, %dma_wait3A_31] : memref<100096x8xf32, #tpu.memory_space<vmem_shared>> -> memref<6256x8xf32, #tpu.memory_space<vmem_shared>>
      tpu.wait_dma2 semaphore(%run_scoped3A : memref<!tpu.dma_semaphore, #tpu.memory_space<semaphore_mem>>) src(%arg8 : memref<6256x8xf32, #tpu.memory_space<vmem>>) dst(%dma_wait3A_32 : memref<6256x8xf32, #tpu.memory_space<vmem_shared>>)
      tpu.yield
    }) : () -> ()
    %barrier3A = arith.constant 0 : index
    tpu.barrier barrier_id(%barrier3A)
    %mul3A_5 = arith.constant 50000 : i32
    %mul3A_6 = arith.muli %add3A, %mul3A_5 : i32
    %scan3A = arith.constant 0 : i32
    %scan3A_7 = arith.constant 390 : i32
    %scan3A_8 = arith.addi %scan3A, %scan3A_7 : i32
    %scan3A_9 = arith.constant 1 : i32
    scf.for %scan3A_25 = %scan3A to %scan3A_8 step %scan3A_9  : i32 {
      %mul3A_26 = arith.constant 1 : i32
      %mul3A_27 = arith.muli %scan3A_25, %mul3A_26 : i32
      %add3A_28 = arith.constant 0 : i32
      %add3A_29 = arith.addi %add3A_28, %mul3A_27 : i32
      %mul3A_30 = arith.constant 128 : i32
      %mul3A_31 = arith.muli %add3A_29, %mul3A_30 : i32
      %add3A_32 = arith.addi %mul3A_6, %mul3A_31 : i32
      "tpu.region"() ({
        %run_scoped3A = tpu.sem_alloc : memref<!tpu.dma_semaphore, #tpu.memory_space<semaphore_mem>>
        %dma_start3A_39 = tpu.memref_slice %arg2[%add3A_32] : memref<1600000xi32, #tpu.memory_space<hbm>> -> memref<128xi32, #tpu.memory_space<hbm>>
        %dma_start3A_40 = tpu.memref_slice %arg2[%add3A_32] : memref<1600000xi32, #tpu.memory_space<hbm>> -> memref<128xi32, #tpu.memory_space<hbm>>
        tpu.enqueue_dma source(%dma_start3A_40 : memref<128xi32, #tpu.memory_space<hbm>>) target(%arg9 : memref<128xi32, #tpu.memory_space<vmem>>) target_semaphore(%run_scoped3A : memref<!tpu.dma_semaphore, #tpu.memory_space<semaphore_mem>>)
        %dma_wait3A_41 = tpu.memref_slice %arg2[%add3A_32] : memref<1600000xi32, #tpu.memory_space<hbm>> -> memref<128xi32, #tpu.memory_space<hbm>>
        %dma_wait3A_42 = tpu.memref_slice %arg2[%add3A_32] : memref<1600000xi32, #tpu.memory_space<hbm>> -> memref<128xi32, #tpu.memory_space<hbm>>
        tpu.wait_dma2 semaphore(%run_scoped3A : memref<!tpu.dma_semaphore, #tpu.memory_space<semaphore_mem>>) src(%dma_wait3A_42 : memref<128xi32, #tpu.memory_space<hbm>>) dst(%arg9 : memref<128xi32, #tpu.memory_space<vmem>>)
        tpu.yield
      }) : () -> ()
      %dma_start3A_33 = arith.constant 0 : i32
      %dma_start3A_34 = arith.constant 0 : i32
      %dma_start3A_35 = tpu.memref_slice %arg4[%dma_start3A_33, %dma_start3A_34] : memref<100000x8xf32, #tpu.memory_space<hbm>> -> memref<100000x8xf32, #tpu.memory_space<hbm>>
      tpu.enqueue_indirect_dma source(%dma_start3A_35 : memref<100000x8xf32, #tpu.memory_space<hbm>>) target(%arg11 : memref<128x8xf32, #tpu.memory_space<vmem>>) offsets(%arg9 : memref<128xi32, #tpu.memory_space<vmem>>) semaphore(%arg15 : memref<!tpu.dma_semaphore, #tpu.memory_space<semaphore_mem>>)
      %dma_wait3A_36 = arith.constant 0 : i32
      %dma_wait3A_37 = arith.constant 0 : i32
      %dma_wait3A_38 = tpu.memref_slice %arg4[%dma_wait3A_36, %dma_wait3A_37] : memref<100000x8xf32, #tpu.memory_space<hbm>> -> memref<100000x8xf32, #tpu.memory_space<hbm>>
      tpu.wait_indirect_dma semaphore(%arg15 : memref<!tpu.dma_semaphore, #tpu.memory_space<semaphore_mem>>) src(%dma_wait3A_38 : memref<100000x8xf32, #tpu.memory_space<hbm>>) dst(%arg11 : memref<128x8xf32, #tpu.memory_space<vmem>>)
      "tpu.region"() ({
        %run_scoped3A = tpu.sem_alloc : memref<!tpu.dma_semaphore, #tpu.memory_space<semaphore_mem>>
        %dma_start3A_39 = tpu.memref_slice %arg3[%add3A_32] : memref<1600000xi32, #tpu.memory_space<hbm>> -> memref<128xi32, #tpu.memory_space<hbm>>
        %dma_start3A_40 = tpu.memref_slice %arg3[%add3A_32] : memref<1600000xi32, #tpu.memory_space<hbm>> -> memref<128xi32, #tpu.memory_space<hbm>>
        tpu.enqueue_dma source(%dma_start3A_40 : memref<128xi32, #tpu.memory_space<hbm>>) target(%arg10 : memref<128xi32, #tpu.memory_space<vmem>>) target_semaphore(%run_scoped3A : memref<!tpu.dma_semaphore, #tpu.memory_space<semaphore_mem>>)
        %dma_wait3A_41 = tpu.memref_slice %arg3[%add3A_32] : memref<1600000xi32, #tpu.memory_space<hbm>> -> memref<128xi32, #tpu.memory_space<hbm>>
        %dma_wait3A_42 = tpu.memref_slice %arg3[%add3A_32] : memref<1600000xi32, #tpu.memory_space<hbm>> -> memref<128xi32, #tpu.memory_space<hbm>>
        tpu.wait_dma2 semaphore(%run_scoped3A : memref<!tpu.dma_semaphore, #tpu.memory_space<semaphore_mem>>) src(%dma_wait3A_42 : memref<128xi32, #tpu.memory_space<hbm>>) dst(%arg10 : memref<128xi32, #tpu.memory_space<vmem>>)
        tpu.yield
      }) : () -> ()
      "tpu.region"() ({
        %run_scoped3A = tpu.sem_alloc : memref<!tpu.dma_semaphore, #tpu.memory_space<semaphore_mem>>
        %dma_start3A_39 = arith.constant 0 : i32
        %dma_start3A_40 = arith.constant 0 : i32
        %dma_start3A_41 = tpu.memref_slice %arg7[%dma_start3A_39, %dma_start3A_40] : memref<100096x8xf32, #tpu.memory_space<vmem_shared>> -> memref<100096x8xf32, #tpu.memory_space<vmem_shared>>
        tpu.enqueue_indirect_dma source(%arg11 : memref<128x8xf32, #tpu.memory_space<vmem>>) target(%dma_start3A_41 : memref<100096x8xf32, #tpu.memory_space<vmem_shared>>) offsets(%arg10 : memref<128xi32, #tpu.memory_space<vmem>>) semaphore(%run_scoped3A : memref<!tpu.dma_semaphore, #tpu.memory_space<semaphore_mem>>) {add = true}
        %dma_wait3A_42 = arith.constant 0 : i32
        %dma_wait3A_43 = arith.constant 0 : i32
        %dma_wait3A_44 = tpu.memref_slice %arg7[%dma_wait3A_42, %dma_wait3A_43] : memref<100096x8xf32, #tpu.memory_space<vmem_shared>> -> memref<100096x8xf32, #tpu.memory_space<vmem_shared>>
        tpu.wait_indirect_dma semaphore(%run_scoped3A : memref<!tpu.dma_semaphore, #tpu.memory_space<semaphore_mem>>) src(%arg11 : memref<128x8xf32, #tpu.memory_space<vmem>>) dst(%dma_wait3A_44 : memref<100096x8xf32, #tpu.memory_space<vmem_shared>>)
        tpu.yield
      }) : () -> ()
    }
    %scan3A_10 = arith.constant 390 : i32
    %add3A_11 = arith.constant 49920 : i32
    %add3A_12 = arith.addi %mul3A_6, %add3A_11 : i32
    "tpu.region"() ({
      %run_scoped3A = tpu.sem_alloc : memref<!tpu.dma_semaphore, #tpu.memory_space<semaphore_mem>>
      %dma_start3A_25 = tpu.memref_slice %arg2[%add3A_12] : memref<1600000xi32, #tpu.memory_space<hbm>> -> memref<80xi32, #tpu.memory_space<hbm>>
      %dma_start3A_26 = tpu.memref_slice %arg2[%add3A_12] : memref<1600000xi32, #tpu.memory_space<hbm>> -> memref<80xi32, #tpu.memory_space<hbm>>
      tpu.enqueue_dma source(%dma_start3A_26 : memref<80xi32, #tpu.memory_space<hbm>>) target(%arg12 : memref<80xi32, #tpu.memory_space<vmem>>) target_semaphore(%run_scoped3A : memref<!tpu.dma_semaphore, #tpu.memory_space<semaphore_mem>>)
      %dma_wait3A_27 = tpu.memref_slice %arg2[%add3A_12] : memref<1600000xi32, #tpu.memory_space<hbm>> -> memref<80xi32, #tpu.memory_space<hbm>>
      %dma_wait3A_28 = tpu.memref_slice %arg2[%add3A_12] : memref<1600000xi32, #tpu.memory_space<hbm>> -> memref<80xi32, #tpu.memory_space<hbm>>
      tpu.wait_dma2 semaphore(%run_scoped3A : memref<!tpu.dma_semaphore, #tpu.memory_space<semaphore_mem>>) src(%dma_wait3A_28 : memref<80xi32, #tpu.memory_space<hbm>>) dst(%arg12 : memref<80xi32, #tpu.memory_space<vmem>>)
      tpu.yield
    }) : () -> ()
    %dma_start3A = arith.constant 0 : i32
    %dma_start3A_13 = arith.constant 0 : i32
    %dma_start3A_14 = tpu.memref_slice %arg4[%dma_start3A, %dma_start3A_13] : memref<100000x8xf32, #tpu.memory_space<hbm>> -> memref<100000x8xf32, #tpu.memory_space<hbm>>
    tpu.enqueue_indirect_dma source(%dma_start3A_14 : memref<100000x8xf32, #tpu.memory_space<hbm>>) target(%arg14 : memref<80x8xf32, #tpu.memory_space<vmem>>) offsets(%arg12 : memref<80xi32, #tpu.memory_space<vmem>>) semaphore(%arg15 : memref<!tpu.dma_semaphore, #tpu.memory_space<semaphore_mem>>)
    %dma_wait3A = arith.constant 0 : i32
    %dma_wait3A_15 = arith.constant 0 : i32
    %dma_wait3A_16 = tpu.memref_slice %arg4[%dma_wait3A, %dma_wait3A_15] : memref<100000x8xf32, #tpu.memory_space<hbm>> -> memref<100000x8xf32, #tpu.memory_space<hbm>>
    tpu.wait_indirect_dma semaphore(%arg15 : memref<!tpu.dma_semaphore, #tpu.memory_space<semaphore_mem>>) src(%dma_wait3A_16 : memref<100000x8xf32, #tpu.memory_space<hbm>>) dst(%arg14 : memref<80x8xf32, #tpu.memory_space<vmem>>)
    "tpu.region"() ({
      %run_scoped3A = tpu.sem_alloc : memref<!tpu.dma_semaphore, #tpu.memory_space<semaphore_mem>>
      %dma_start3A_25 = tpu.memref_slice %arg3[%add3A_12] : memref<1600000xi32, #tpu.memory_space<hbm>> -> memref<80xi32, #tpu.memory_space<hbm>>
      %dma_start3A_26 = tpu.memref_slice %arg3[%add3A_12] : memref<1600000xi32, #tpu.memory_space<hbm>> -> memref<80xi32, #tpu.memory_space<hbm>>
      tpu.enqueue_dma source(%dma_start3A_26 : memref<80xi32, #tpu.memory_space<hbm>>) target(%arg13 : memref<80xi32, #tpu.memory_space<vmem>>) target_semaphore(%run_scoped3A : memref<!tpu.dma_semaphore, #tpu.memory_space<semaphore_mem>>)
      %dma_wait3A_27 = tpu.memref_slice %arg3[%add3A_12] : memref<1600000xi32, #tpu.memory_space<hbm>> -> memref<80xi32, #tpu.memory_space<hbm>>
      %dma_wait3A_28 = tpu.memref_slice %arg3[%add3A_12] : memref<1600000xi32, #tpu.memory_space<hbm>> -> memref<80xi32, #tpu.memory_space<hbm>>
      tpu.wait_dma2 semaphore(%run_scoped3A : memref<!tpu.dma_semaphore, #tpu.memory_space<semaphore_mem>>) src(%dma_wait3A_28 : memref<80xi32, #tpu.memory_space<hbm>>) dst(%arg13 : memref<80xi32, #tpu.memory_space<vmem>>)
      tpu.yield
    }) : () -> ()
    "tpu.region"() ({
      %run_scoped3A = tpu.sem_alloc : memref<!tpu.dma_semaphore, #tpu.memory_space<semaphore_mem>>
      %dma_start3A_25 = arith.constant 0 : i32
      %dma_start3A_26 = arith.constant 0 : i32
      %dma_start3A_27 = tpu.memref_slice %arg7[%dma_start3A_25, %dma_start3A_26] : memref<100096x8xf32, #tpu.memory_space<vmem_shared>> -> memref<100096x8xf32, #tpu.memory_space<vmem_shared>>
      tpu.enqueue_indirect_dma source(%arg14 : memref<80x8xf32, #tpu.memory_space<vmem>>) target(%dma_start3A_27 : memref<100096x8xf32, #tpu.memory_space<vmem_shared>>) offsets(%arg13 : memref<80xi32, #tpu.memory_space<vmem>>) semaphore(%run_scoped3A : memref<!tpu.dma_semaphore, #tpu.memory_space<semaphore_mem>>) {add = true}
      %dma_wait3A_28 = arith.constant 0 : i32
      %dma_wait3A_29 = arith.constant 0 : i32
      %dma_wait3A_30 = tpu.memref_slice %arg7[%dma_wait3A_28, %dma_wait3A_29] : memref<100096x8xf32, #tpu.memory_space<vmem_shared>> -> memref<100096x8xf32, #tpu.memory_space<vmem_shared>>
      tpu.wait_indirect_dma semaphore(%run_scoped3A : memref<!tpu.dma_semaphore, #tpu.memory_space<semaphore_mem>>) src(%arg14 : memref<80x8xf32, #tpu.memory_space<vmem>>) dst(%dma_wait3A_30 : memref<100096x8xf32, #tpu.memory_space<vmem_shared>>)
      tpu.yield
    }) : () -> ()
    %barrier3A_17 = arith.constant 0 : index
    tpu.barrier barrier_id(%barrier3A_17)
    %mul3A_18 = arith.constant 6256 : i32
    %mul3A_19 = arith.muli %arg1, %mul3A_18 : i32
    "tpu.region"() ({
      %run_scoped3A = tpu.sem_alloc : memref<!tpu.dma_semaphore, #tpu.memory_space<semaphore_mem>>
      %dma_start3A_25 = arith.constant 0 : i32
      %dma_start3A_26 = tpu.memref_slice %arg7[%mul3A_19, %dma_start3A_25] : memref<100096x8xf32, #tpu.memory_space<vmem_shared>> -> memref<6256x8xf32, #tpu.memory_space<vmem_shared>>
      %dma_start3A_27 = arith.constant 0 : i32
      %dma_start3A_28 = tpu.memref_slice %arg7[%mul3A_19, %dma_start3A_27] : memref<100096x8xf32, #tpu.memory_space<vmem_shared>> -> memref<6256x8xf32, #tpu.memory_space<vmem_shared>>
      tpu.enqueue_dma source(%dma_start3A_28 : memref<6256x8xf32, #tpu.memory_space<vmem_shared>>) target(%arg8 : memref<6256x8xf32, #tpu.memory_space<vmem>>) target_semaphore(%run_scoped3A : memref<!tpu.dma_semaphore, #tpu.memory_space<semaphore_mem>>)
      %dma_wait3A_29 = arith.constant 0 : i32
      %dma_wait3A_30 = tpu.memref_slice %arg7[%mul3A_19, %dma_wait3A_29] : memref<100096x8xf32, #tpu.memory_space<vmem_shared>> -> memref<6256x8xf32, #tpu.memory_space<vmem_shared>>
      %dma_wait3A_31 = arith.constant 0 : i32
      %dma_wait3A_32 = tpu.memref_slice %arg7[%mul3A_19, %dma_wait3A_31] : memref<100096x8xf32, #tpu.memory_space<vmem_shared>> -> memref<6256x8xf32, #tpu.memory_space<vmem_shared>>
      tpu.wait_dma2 semaphore(%run_scoped3A : memref<!tpu.dma_semaphore, #tpu.memory_space<semaphore_mem>>) src(%dma_wait3A_32 : memref<6256x8xf32, #tpu.memory_space<vmem_shared>>) dst(%arg8 : memref<6256x8xf32, #tpu.memory_space<vmem>>)
      tpu.yield
    }) : () -> ()
    %mul3A_20 = arith.constant 100096 : i32
    %mul3A_21 = arith.muli %arg0, %mul3A_20 : i32
    %mul3A_22 = arith.constant 6256 : i32
    %mul3A_23 = arith.muli %arg1, %mul3A_22 : i32
    %add3A_24 = arith.addi %mul3A_21, %mul3A_23 : i32
    "tpu.region"() ({
      %run_scoped3A = tpu.sem_alloc : memref<!tpu.dma_semaphore, #tpu.memory_space<semaphore_mem>>
      %dma_start3A_25 = arith.constant 0 : i32
      %dma_start3A_26 = tpu.memref_slice %arg6[%add3A_24, %dma_start3A_25] : memref<200192x8xf32, #tpu.memory_space<hbm>> -> memref<6256x8xf32, #tpu.memory_space<hbm>>
      %dma_start3A_27 = arith.constant 0 : i32
      %dma_start3A_28 = tpu.memref_slice %arg6[%add3A_24, %dma_start3A_27] : memref<200192x8xf32, #tpu.memory_space<hbm>> -> memref<6256x8xf32, #tpu.memory_space<hbm>>
      tpu.enqueue_dma source(%arg8 : memref<6256x8xf32, #tpu.memory_space<vmem>>) target(%dma_start3A_28 : memref<6256x8xf32, #tpu.memory_space<hbm>>) target_semaphore(%run_scoped3A : memref<!tpu.dma_semaphore, #tpu.memory_space<semaphore_mem>>)
      %dma_wait3A_29 = arith.constant 0 : i32
      %dma_wait3A_30 = tpu.memref_slice %arg6[%add3A_24, %dma_wait3A_29] : memref<200192x8xf32, #tpu.memory_space<hbm>> -> memref<6256x8xf32, #tpu.memory_space<hbm>>
      %dma_wait3A_31 = arith.constant 0 : i32
      %dma_wait3A_32 = tpu.memref_slice %arg6[%add3A_24, %dma_wait3A_31] : memref<200192x8xf32, #tpu.memory_space<hbm>> -> memref<6256x8xf32, #tpu.memory_space<hbm>>
      tpu.wait_dma2 semaphore(%run_scoped3A : memref<!tpu.dma_semaphore, #tpu.memory_space<semaphore_mem>>) src(%arg8 : memref<6256x8xf32, #tpu.memory_space<vmem>>) dst(%dma_wait3A_32 : memref<6256x8xf32, #tpu.memory_space<hbm>>)
      tpu.yield
    }) : () -> ()
    return
  }
}

#map = affine_map<(d0, d1) -> (0)>
#map1 = affine_map<(d0, d1) -> (0, 0)>
module attributes {stable_mosaic.version = 14 : i64} {
  func.func @deg_kernel(%arg0: i32, %arg1: i32, %arg2: memref<1600000xi32, #tpu.memory_space<hbm>>, %arg3: memref<100096x8xf32, #tpu.memory_space<hbm>>, %arg4: memref<128x8xf32, #tpu.memory_space<hbm>>, %arg5: memref<200192x8xf32, #tpu.memory_space<hbm>>, %arg6: memref<100096x8xf32, #tpu.memory_space<vmem_shared>>, %arg7: memref<6256x8xf32, #tpu.memory_space<vmem>>, %arg8: memref<128x8xf32, #tpu.memory_space<vmem>>, %arg9: memref<80x8xf32, #tpu.memory_space<vmem>>, %arg10: memref<128xi32, #tpu.memory_space<vmem>>, %arg11: memref<80xi32, #tpu.memory_space<vmem>>) attributes {dimension_semantics = [#tpu.dimension_semantics<core_parallel>, #tpu.dimension_semantics<subcore_parallel>], iteration_bounds = array<i64: 2, 16>, scalar_prefetch = 0 : i64, scratch_operands = 6 : i64, tpu.core_type = #tpu.core_type<sc_vector_subcore>, window_params = [{transform_indices = #map}, {transform_indices = #map1}, {transform_indices = #map1}, {transform_indices = #map1}]} {
    %mul3A = arith.constant 2 : i32
    %mul3A_0 = arith.muli %arg1, %mul3A : i32
    %add3A = arith.addi %mul3A_0, %arg0 : i32
    %mul3A_1 = arith.constant 6256 : i32
    %mul3A_2 = arith.muli %arg1, %mul3A_1 : i32
    "tpu.region"() ({
      %run_scoped3A = tpu.sem_alloc : memref<!tpu.dma_semaphore, #tpu.memory_space<semaphore_mem>>
      %dma_start3A = arith.constant 0 : i32
      %dma_start3A_21 = tpu.memref_slice %arg3[%mul3A_2, %dma_start3A] : memref<100096x8xf32, #tpu.memory_space<hbm>> -> memref<6256x8xf32, #tpu.memory_space<hbm>>
      %dma_start3A_22 = arith.constant 0 : i32
      %dma_start3A_23 = tpu.memref_slice %arg3[%mul3A_2, %dma_start3A_22] : memref<100096x8xf32, #tpu.memory_space<hbm>> -> memref<6256x8xf32, #tpu.memory_space<hbm>>
      tpu.enqueue_dma source(%dma_start3A_23 : memref<6256x8xf32, #tpu.memory_space<hbm>>) target(%arg7 : memref<6256x8xf32, #tpu.memory_space<vmem>>) target_semaphore(%run_scoped3A : memref<!tpu.dma_semaphore, #tpu.memory_space<semaphore_mem>>)
      %dma_wait3A = arith.constant 0 : i32
      %dma_wait3A_24 = tpu.memref_slice %arg3[%mul3A_2, %dma_wait3A] : memref<100096x8xf32, #tpu.memory_space<hbm>> -> memref<6256x8xf32, #tpu.memory_space<hbm>>
      %dma_wait3A_25 = arith.constant 0 : i32
      %dma_wait3A_26 = tpu.memref_slice %arg3[%mul3A_2, %dma_wait3A_25] : memref<100096x8xf32, #tpu.memory_space<hbm>> -> memref<6256x8xf32, #tpu.memory_space<hbm>>
      tpu.wait_dma2 semaphore(%run_scoped3A : memref<!tpu.dma_semaphore, #tpu.memory_space<semaphore_mem>>) src(%dma_wait3A_26 : memref<6256x8xf32, #tpu.memory_space<hbm>>) dst(%arg7 : memref<6256x8xf32, #tpu.memory_space<vmem>>)
      tpu.yield
    }) : () -> ()
    %mul3A_3 = arith.constant 6256 : i32
    %mul3A_4 = arith.muli %arg1, %mul3A_3 : i32
    "tpu.region"() ({
      %run_scoped3A = tpu.sem_alloc : memref<!tpu.dma_semaphore, #tpu.memory_space<semaphore_mem>>
      %dma_start3A = arith.constant 0 : i32
      %dma_start3A_21 = tpu.memref_slice %arg6[%mul3A_4, %dma_start3A] : memref<100096x8xf32, #tpu.memory_space<vmem_shared>> -> memref<6256x8xf32, #tpu.memory_space<vmem_shared>>
      %dma_start3A_22 = arith.constant 0 : i32
      %dma_start3A_23 = tpu.memref_slice %arg6[%mul3A_4, %dma_start3A_22] : memref<100096x8xf32, #tpu.memory_space<vmem_shared>> -> memref<6256x8xf32, #tpu.memory_space<vmem_shared>>
      tpu.enqueue_dma source(%arg7 : memref<6256x8xf32, #tpu.memory_space<vmem>>) target(%dma_start3A_23 : memref<6256x8xf32, #tpu.memory_space<vmem_shared>>) target_semaphore(%run_scoped3A : memref<!tpu.dma_semaphore, #tpu.memory_space<semaphore_mem>>)
      %dma_wait3A = arith.constant 0 : i32
      %dma_wait3A_24 = tpu.memref_slice %arg6[%mul3A_4, %dma_wait3A] : memref<100096x8xf32, #tpu.memory_space<vmem_shared>> -> memref<6256x8xf32, #tpu.memory_space<vmem_shared>>
      %dma_wait3A_25 = arith.constant 0 : i32
      %dma_wait3A_26 = tpu.memref_slice %arg6[%mul3A_4, %dma_wait3A_25] : memref<100096x8xf32, #tpu.memory_space<vmem_shared>> -> memref<6256x8xf32, #tpu.memory_space<vmem_shared>>
      tpu.wait_dma2 semaphore(%run_scoped3A : memref<!tpu.dma_semaphore, #tpu.memory_space<semaphore_mem>>) src(%arg7 : memref<6256x8xf32, #tpu.memory_space<vmem>>) dst(%dma_wait3A_26 : memref<6256x8xf32, #tpu.memory_space<vmem_shared>>)
      tpu.yield
    }) : () -> ()
    "tpu.region"() ({
      %run_scoped3A = tpu.sem_alloc : memref<!tpu.dma_semaphore, #tpu.memory_space<semaphore_mem>>
      tpu.enqueue_dma source(%arg4 : memref<128x8xf32, #tpu.memory_space<hbm>>) target(%arg8 : memref<128x8xf32, #tpu.memory_space<vmem>>) target_semaphore(%run_scoped3A : memref<!tpu.dma_semaphore, #tpu.memory_space<semaphore_mem>>)
      tpu.wait_dma2 semaphore(%run_scoped3A : memref<!tpu.dma_semaphore, #tpu.memory_space<semaphore_mem>>) src(%arg4 : memref<128x8xf32, #tpu.memory_space<hbm>>) dst(%arg8 : memref<128x8xf32, #tpu.memory_space<vmem>>)
      tpu.yield
    }) : () -> ()
    "tpu.region"() ({
      %run_scoped3A = tpu.sem_alloc : memref<!tpu.dma_semaphore, #tpu.memory_space<semaphore_mem>>
      %dma_start3A = arith.constant 0 : i32
      %dma_start3A_21 = arith.constant 0 : i32
      %dma_start3A_22 = tpu.memref_slice %arg4[%dma_start3A, %dma_start3A_21] : memref<128x8xf32, #tpu.memory_space<hbm>> -> memref<80x8xf32, #tpu.memory_space<hbm>>
      %dma_start3A_23 = arith.constant 0 : i32
      %dma_start3A_24 = arith.constant 0 : i32
      %dma_start3A_25 = tpu.memref_slice %arg4[%dma_start3A_23, %dma_start3A_24] : memref<128x8xf32, #tpu.memory_space<hbm>> -> memref<80x8xf32, #tpu.memory_space<hbm>>
      tpu.enqueue_dma source(%dma_start3A_25 : memref<80x8xf32, #tpu.memory_space<hbm>>) target(%arg9 : memref<80x8xf32, #tpu.memory_space<vmem>>) target_semaphore(%run_scoped3A : memref<!tpu.dma_semaphore, #tpu.memory_space<semaphore_mem>>)
      %dma_wait3A = arith.constant 0 : i32
      %dma_wait3A_26 = arith.constant 0 : i32
      %dma_wait3A_27 = tpu.memref_slice %arg4[%dma_wait3A, %dma_wait3A_26] : memref<128x8xf32, #tpu.memory_space<hbm>> -> memref<80x8xf32, #tpu.memory_space<hbm>>
      %dma_wait3A_28 = arith.constant 0 : i32
      %dma_wait3A_29 = arith.constant 0 : i32
      %dma_wait3A_30 = tpu.memref_slice %arg4[%dma_wait3A_28, %dma_wait3A_29] : memref<128x8xf32, #tpu.memory_space<hbm>> -> memref<80x8xf32, #tpu.memory_space<hbm>>
      tpu.wait_dma2 semaphore(%run_scoped3A : memref<!tpu.dma_semaphore, #tpu.memory_space<semaphore_mem>>) src(%dma_wait3A_30 : memref<80x8xf32, #tpu.memory_space<hbm>>) dst(%arg9 : memref<80x8xf32, #tpu.memory_space<vmem>>)
      tpu.yield
    }) : () -> ()
    %barrier3A = arith.constant 0 : index
    tpu.barrier barrier_id(%barrier3A)
    %mul3A_5 = arith.constant 50000 : i32
    %mul3A_6 = arith.muli %add3A, %mul3A_5 : i32
    %scan3A = arith.constant 0 : i32
    %scan3A_7 = arith.constant 390 : i32
    %scan3A_8 = arith.addi %scan3A, %scan3A_7 : i32
    %scan3A_9 = arith.constant 1 : i32
    scf.for %scan3A_21 = %scan3A to %scan3A_8 step %scan3A_9  : i32 {
      %mul3A_22 = arith.constant 1 : i32
      %mul3A_23 = arith.muli %scan3A_21, %mul3A_22 : i32
      %add3A_24 = arith.constant 0 : i32
      %add3A_25 = arith.addi %add3A_24, %mul3A_23 : i32
      %mul3A_26 = arith.constant 128 : i32
      %mul3A_27 = arith.muli %add3A_25, %mul3A_26 : i32
      %add3A_28 = arith.addi %mul3A_6, %mul3A_27 : i32
      "tpu.region"() ({
        %run_scoped3A = tpu.sem_alloc : memref<!tpu.dma_semaphore, #tpu.memory_space<semaphore_mem>>
        %dma_start3A = tpu.memref_slice %arg2[%add3A_28] : memref<1600000xi32, #tpu.memory_space<hbm>> -> memref<128xi32, #tpu.memory_space<hbm>>
        %dma_start3A_29 = tpu.memref_slice %arg2[%add3A_28] : memref<1600000xi32, #tpu.memory_space<hbm>> -> memref<128xi32, #tpu.memory_space<hbm>>
        tpu.enqueue_dma source(%dma_start3A_29 : memref<128xi32, #tpu.memory_space<hbm>>) target(%arg10 : memref<128xi32, #tpu.memory_space<vmem>>) target_semaphore(%run_scoped3A : memref<!tpu.dma_semaphore, #tpu.memory_space<semaphore_mem>>)
        %dma_wait3A = tpu.memref_slice %arg2[%add3A_28] : memref<1600000xi32, #tpu.memory_space<hbm>> -> memref<128xi32, #tpu.memory_space<hbm>>
        %dma_wait3A_30 = tpu.memref_slice %arg2[%add3A_28] : memref<1600000xi32, #tpu.memory_space<hbm>> -> memref<128xi32, #tpu.memory_space<hbm>>
        tpu.wait_dma2 semaphore(%run_scoped3A : memref<!tpu.dma_semaphore, #tpu.memory_space<semaphore_mem>>) src(%dma_wait3A_30 : memref<128xi32, #tpu.memory_space<hbm>>) dst(%arg10 : memref<128xi32, #tpu.memory_space<vmem>>)
        tpu.yield
      }) : () -> ()
      "tpu.region"() ({
        %run_scoped3A = tpu.sem_alloc : memref<!tpu.dma_semaphore, #tpu.memory_space<semaphore_mem>>
        %dma_start3A = arith.constant 0 : i32
        %dma_start3A_29 = arith.constant 0 : i32
        %dma_start3A_30 = tpu.memref_slice %arg6[%dma_start3A, %dma_start3A_29] : memref<100096x8xf32, #tpu.memory_space<vmem_shared>> -> memref<100096x8xf32, #tpu.memory_space<vmem_shared>>
        tpu.enqueue_indirect_dma source(%arg8 : memref<128x8xf32, #tpu.memory_space<vmem>>) target(%dma_start3A_30 : memref<100096x8xf32, #tpu.memory_space<vmem_shared>>) offsets(%arg10 : memref<128xi32, #tpu.memory_space<vmem>>) semaphore(%run_scoped3A : memref<!tpu.dma_semaphore, #tpu.memory_space<semaphore_mem>>) {add = true}
        %dma_wait3A = arith.constant 0 : i32
        %dma_wait3A_31 = arith.constant 0 : i32
        %dma_wait3A_32 = tpu.memref_slice %arg6[%dma_wait3A, %dma_wait3A_31] : memref<100096x8xf32, #tpu.memory_space<vmem_shared>> -> memref<100096x8xf32, #tpu.memory_space<vmem_shared>>
        tpu.wait_indirect_dma semaphore(%run_scoped3A : memref<!tpu.dma_semaphore, #tpu.memory_space<semaphore_mem>>) src(%arg8 : memref<128x8xf32, #tpu.memory_space<vmem>>) dst(%dma_wait3A_32 : memref<100096x8xf32, #tpu.memory_space<vmem_shared>>)
        tpu.yield
      }) : () -> ()
    }
    %scan3A_10 = arith.constant 390 : i32
    %add3A_11 = arith.constant 49920 : i32
    %add3A_12 = arith.addi %mul3A_6, %add3A_11 : i32
    "tpu.region"() ({
      %run_scoped3A = tpu.sem_alloc : memref<!tpu.dma_semaphore, #tpu.memory_space<semaphore_mem>>
      %dma_start3A = tpu.memref_slice %arg2[%add3A_12] : memref<1600000xi32, #tpu.memory_space<hbm>> -> memref<80xi32, #tpu.memory_space<hbm>>
      %dma_start3A_21 = tpu.memref_slice %arg2[%add3A_12] : memref<1600000xi32, #tpu.memory_space<hbm>> -> memref<80xi32, #tpu.memory_space<hbm>>
      tpu.enqueue_dma source(%dma_start3A_21 : memref<80xi32, #tpu.memory_space<hbm>>) target(%arg11 : memref<80xi32, #tpu.memory_space<vmem>>) target_semaphore(%run_scoped3A : memref<!tpu.dma_semaphore, #tpu.memory_space<semaphore_mem>>)
      %dma_wait3A = tpu.memref_slice %arg2[%add3A_12] : memref<1600000xi32, #tpu.memory_space<hbm>> -> memref<80xi32, #tpu.memory_space<hbm>>
      %dma_wait3A_22 = tpu.memref_slice %arg2[%add3A_12] : memref<1600000xi32, #tpu.memory_space<hbm>> -> memref<80xi32, #tpu.memory_space<hbm>>
      tpu.wait_dma2 semaphore(%run_scoped3A : memref<!tpu.dma_semaphore, #tpu.memory_space<semaphore_mem>>) src(%dma_wait3A_22 : memref<80xi32, #tpu.memory_space<hbm>>) dst(%arg11 : memref<80xi32, #tpu.memory_space<vmem>>)
      tpu.yield
    }) : () -> ()
    "tpu.region"() ({
      %run_scoped3A = tpu.sem_alloc : memref<!tpu.dma_semaphore, #tpu.memory_space<semaphore_mem>>
      %dma_start3A = arith.constant 0 : i32
      %dma_start3A_21 = arith.constant 0 : i32
      %dma_start3A_22 = tpu.memref_slice %arg6[%dma_start3A, %dma_start3A_21] : memref<100096x8xf32, #tpu.memory_space<vmem_shared>> -> memref<100096x8xf32, #tpu.memory_space<vmem_shared>>
      tpu.enqueue_indirect_dma source(%arg9 : memref<80x8xf32, #tpu.memory_space<vmem>>) target(%dma_start3A_22 : memref<100096x8xf32, #tpu.memory_space<vmem_shared>>) offsets(%arg11 : memref<80xi32, #tpu.memory_space<vmem>>) semaphore(%run_scoped3A : memref<!tpu.dma_semaphore, #tpu.memory_space<semaphore_mem>>) {add = true}
      %dma_wait3A = arith.constant 0 : i32
      %dma_wait3A_23 = arith.constant 0 : i32
      %dma_wait3A_24 = tpu.memref_slice %arg6[%dma_wait3A, %dma_wait3A_23] : memref<100096x8xf32, #tpu.memory_space<vmem_shared>> -> memref<100096x8xf32, #tpu.memory_space<vmem_shared>>
      tpu.wait_indirect_dma semaphore(%run_scoped3A : memref<!tpu.dma_semaphore, #tpu.memory_space<semaphore_mem>>) src(%arg9 : memref<80x8xf32, #tpu.memory_space<vmem>>) dst(%dma_wait3A_24 : memref<100096x8xf32, #tpu.memory_space<vmem_shared>>)
      tpu.yield
    }) : () -> ()
    %barrier3A_13 = arith.constant 0 : index
    tpu.barrier barrier_id(%barrier3A_13)
    %mul3A_14 = arith.constant 6256 : i32
    %mul3A_15 = arith.muli %arg1, %mul3A_14 : i32
    "tpu.region"() ({
      %run_scoped3A = tpu.sem_alloc : memref<!tpu.dma_semaphore, #tpu.memory_space<semaphore_mem>>
      %dma_start3A = arith.constant 0 : i32
      %dma_start3A_21 = tpu.memref_slice %arg6[%mul3A_15, %dma_start3A] : memref<100096x8xf32, #tpu.memory_space<vmem_shared>> -> memref<6256x8xf32, #tpu.memory_space<vmem_shared>>
      %dma_start3A_22 = arith.constant 0 : i32
      %dma_start3A_23 = tpu.memref_slice %arg6[%mul3A_15, %dma_start3A_22] : memref<100096x8xf32, #tpu.memory_space<vmem_shared>> -> memref<6256x8xf32, #tpu.memory_space<vmem_shared>>
      tpu.enqueue_dma source(%dma_start3A_23 : memref<6256x8xf32, #tpu.memory_space<vmem_shared>>) target(%arg7 : memref<6256x8xf32, #tpu.memory_space<vmem>>) target_semaphore(%run_scoped3A : memref<!tpu.dma_semaphore, #tpu.memory_space<semaphore_mem>>)
      %dma_wait3A = arith.constant 0 : i32
      %dma_wait3A_24 = tpu.memref_slice %arg6[%mul3A_15, %dma_wait3A] : memref<100096x8xf32, #tpu.memory_space<vmem_shared>> -> memref<6256x8xf32, #tpu.memory_space<vmem_shared>>
      %dma_wait3A_25 = arith.constant 0 : i32
      %dma_wait3A_26 = tpu.memref_slice %arg6[%mul3A_15, %dma_wait3A_25] : memref<100096x8xf32, #tpu.memory_space<vmem_shared>> -> memref<6256x8xf32, #tpu.memory_space<vmem_shared>>
      tpu.wait_dma2 semaphore(%run_scoped3A : memref<!tpu.dma_semaphore, #tpu.memory_space<semaphore_mem>>) src(%dma_wait3A_26 : memref<6256x8xf32, #tpu.memory_space<vmem_shared>>) dst(%arg7 : memref<6256x8xf32, #tpu.memory_space<vmem>>)
      tpu.yield
    }) : () -> ()
    %mul3A_16 = arith.constant 100096 : i32
    %mul3A_17 = arith.muli %arg0, %mul3A_16 : i32
    %mul3A_18 = arith.constant 6256 : i32
    %mul3A_19 = arith.muli %arg1, %mul3A_18 : i32
    %add3A_20 = arith.addi %mul3A_17, %mul3A_19 : i32
    "tpu.region"() ({
      %run_scoped3A = tpu.sem_alloc : memref<!tpu.dma_semaphore, #tpu.memory_space<semaphore_mem>>
      %dma_start3A = arith.constant 0 : i32
      %dma_start3A_21 = tpu.memref_slice %arg5[%add3A_20, %dma_start3A] : memref<200192x8xf32, #tpu.memory_space<hbm>> -> memref<6256x8xf32, #tpu.memory_space<hbm>>
      %dma_start3A_22 = arith.constant 0 : i32
      %dma_start3A_23 = tpu.memref_slice %arg5[%add3A_20, %dma_start3A_22] : memref<200192x8xf32, #tpu.memory_space<hbm>> -> memref<6256x8xf32, #tpu.memory_space<hbm>>
      tpu.enqueue_dma source(%arg7 : memref<6256x8xf32, #tpu.memory_space<vmem>>) target(%dma_start3A_23 : memref<6256x8xf32, #tpu.memory_space<hbm>>) target_semaphore(%run_scoped3A : memref<!tpu.dma_semaphore, #tpu.memory_space<semaphore_mem>>)
      %dma_wait3A = arith.constant 0 : i32
      %dma_wait3A_24 = tpu.memref_slice %arg5[%add3A_20, %dma_wait3A] : memref<200192x8xf32, #tpu.memory_space<hbm>> -> memref<6256x8xf32, #tpu.memory_space<hbm>>
      %dma_wait3A_25 = arith.constant 0 : i32
      %dma_wait3A_26 = tpu.memref_slice %arg5[%add3A_20, %dma_wait3A_25] : memref<200192x8xf32, #tpu.memory_space<hbm>> -> memref<6256x8xf32, #tpu.memory_space<hbm>>
      tpu.wait_dma2 semaphore(%run_scoped3A : memref<!tpu.dma_semaphore, #tpu.memory_space<semaphore_mem>>) src(%arg7 : memref<6256x8xf32, #tpu.memory_space<vmem>>) dst(%dma_wait3A_26 : memref<6256x8xf32, #tpu.memory_space<hbm>>)
      tpu.yield
    }) : () -> ()
    return
  }
}

module attributes {stable_mosaic.version = 14 : i64} {
  func.func @body(%arg0: i32, %arg1: memref<2000x2xf32, #tpu.memory_space<vmem>>, %arg2: memref<2000x3xf32, #tpu.memory_space<vmem>>, %arg3: memref<2000x8xf32, #tpu.memory_space<vmem>>) attributes {dimension_semantics = [#tpu.dimension_semantics<arbitrary>], iteration_bounds = array<i64: 50>, scalar_prefetch = 0 : i64, scratch_operands = 0 : i64, tpu.core_type = #tpu.core_type<tc>, window_params = [{transform_indices = @transform_0, window_bounds = array<i64: 2000, 2>}, {transform_indices = @transform_1, window_bounds = array<i64: 2000, 3>}, {transform_indices = @transform_2, window_bounds = array<i64: 2000, 8>}]} {
    %get3A = arith.constant 0 : index
    %get3A_0 = arith.constant 0 : index
    %get3A_1 = vector.load %arg1[%get3A, %get3A_0] : memref<2000x2xf32, #tpu.memory_space<vmem>>, vector<2000x1xf32>
    %get3A_2 = vector.shape_cast %get3A_1 : vector<2000x1xf32> to vector<2000xf32>
    %get3A_3 = arith.constant 0 : index
    %get3A_4 = arith.constant 1 : index
    %get3A_5 = vector.load %arg1[%get3A_3, %get3A_4] : memref<2000x2xf32, #tpu.memory_space<vmem>>, vector<2000x1xf32>
    %get3A_6 = vector.shape_cast %get3A_5 : vector<2000x1xf32> to vector<2000xf32>
    %add3A = arith.addf %get3A_2, %get3A_6 : vector<2000xf32>
    %add3A_7 = arith.constant 1.000000e+00 : f32
    %add3A_8 = vector.broadcast %add3A_7 : f32 to vector<2000xf32>
    %add3A_9 = arith.addf %add3A, %add3A_8 : vector<2000xf32>
    %rsqrt3A = math.rsqrt %add3A_9 : vector<2000xf32>
    %broadcast_in_dim3A = arith.constant 0.000000e+00 : f32
    %broadcast_in_dim3A_10 = vector.broadcast %broadcast_in_dim3A : f32 to vector<2000x4xf32>
    %broadcast_in_dim3A_11 = vector.shape_cast %rsqrt3A : vector<2000xf32> to vector<2000x1xf32>
    %get3A_12 = arith.constant 0 : index
    %get3A_13 = arith.constant 0 : index
    %get3A_14 = vector.load %arg2[%get3A_12, %get3A_13] : memref<2000x3xf32, #tpu.memory_space<vmem>>, vector<2000x3xf32>
    %mul3A = vector.broadcast %broadcast_in_dim3A_11 : vector<2000x1xf32> to vector<2000x3xf32>
    %mul3A_15 = arith.mulf %mul3A, %get3A_14 : vector<2000x3xf32>
    %broadcast_in_dim3A_16 = vector.shape_cast %rsqrt3A : vector<2000xf32> to vector<2000x1xf32>
    %concatenate3A = tpu.concatenate %mul3A_15, %broadcast_in_dim3A_16, %broadcast_in_dim3A_10 in 1 : vector<2000x3xf32>, vector<2000x1xf32>, vector<2000x4xf32> -> vector<2000x8xf32>
    %swap3A = arith.constant 0 : index
    %swap3A_17 = arith.constant 0 : index
    %swap3A_18 = vector.load %arg3[%swap3A, %swap3A_17] : memref<2000x8xf32, #tpu.memory_space<vmem>>, vector<2000x8xf32>
    tpu.vector_store %arg3[%swap3A, %swap3A_17], %concatenate3A {strides = array<i32>} : memref<2000x8xf32, #tpu.memory_space<vmem>>, vector<2000x8xf32>,
    return
  }
  func.func @transform_0(%arg0: i32) -> (i32, i32) {
    %c0_i32 = arith.constant 0 : i32
    %c0_i32_0 = arith.constant 0 : i32
    return %arg0, %c0_i32 : i32, i32
  }
  func.func @transform_1(%arg0: i32) -> (i32, i32) {
    %c0_i32 = arith.constant 0 : i32
    %c0_i32_0 = arith.constant 0 : i32
    return %arg0, %c0_i32 : i32, i32
  }
  func.func @transform_2(%arg0: i32) -> (i32, i32) {
    %c0_i32 = arith.constant 0 : i32
    %c0_i32_0 = arith.constant 0 : i32
    return %arg0, %c0_i32 : i32, i32
  }
}

module attributes {stable_mosaic.version = 14 : i64} {
  func.func @body(%arg0: i32, %arg1: memref<2000x2xf32, #tpu.memory_space<vmem>>, %arg2: memref<2000x3xf32, #tpu.memory_space<vmem>>, %arg3: memref<2x2000x8xf32, #tpu.memory_space<vmem>>, %arg4: memref<3x32xf32, #tpu.memory_space<vmem>>, %arg5: memref<1x32xf32, #tpu.memory_space<vmem>>, %arg6: memref<2000x32xf32, #tpu.memory_space<vmem>>, %arg7: memref<2000x8xf32, #tpu.memory_space<vmem>>, %arg8: memref<2000x8xf32, #tpu.memory_space<vmem>>, %arg9: memref<2000x8xf32, #tpu.memory_space<vmem>>, %arg10: memref<2000x8xf32, #tpu.memory_space<vmem>>) attributes {dimension_semantics = [#tpu.dimension_semantics<arbitrary>], iteration_bounds = array<i64: 50>, scalar_prefetch = 0 : i64, scratch_operands = 0 : i64, tpu.core_type = #tpu.core_type<tc>, window_params = [{transform_indices = @transform_0, window_bounds = array<i64: 2000, 2>}, {transform_indices = @transform_1, window_bounds = array<i64: 2000, 3>}, {transform_indices = @transform_2, window_bounds = array<i64: 2, 2000, 8>}, {pipeline_mode = #tpu.pipeline_mode<synchronous>, transform_indices = @transform_3, window_bounds = array<i64: 3, 32>}, {pipeline_mode = #tpu.pipeline_mode<synchronous>, transform_indices = @transform_4, window_bounds = array<i64: 1, 32>}, {transform_indices = @transform_5, window_bounds = array<i64: 2000, 32>}, {transform_indices = @transform_6, window_bounds = array<i64: 2000, 8>}, {transform_indices = @transform_7, window_bounds = array<i64: 2000, 8>}, {transform_indices = @transform_8, window_bounds = array<i64: 2000, 8>}, {transform_indices = @transform_9, window_bounds = array<i64: 2000, 8>}]} {
    %get3A = arith.constant 0 : index
    %get3A_0 = arith.constant 0 : index
    %get3A_1 = vector.load %arg1[%get3A, %get3A_0] : memref<2000x2xf32, #tpu.memory_space<vmem>>, vector<2000x1xf32>
    %get3A_2 = vector.shape_cast %get3A_1 : vector<2000x1xf32> to vector<2000xf32>
    %get3A_3 = arith.constant 0 : index
    %get3A_4 = arith.constant 1 : index
    %get3A_5 = vector.load %arg1[%get3A_3, %get3A_4] : memref<2000x2xf32, #tpu.memory_space<vmem>>, vector<2000x1xf32>
    %get3A_6 = vector.shape_cast %get3A_5 : vector<2000x1xf32> to vector<2000xf32>
    %add3A = arith.addf %get3A_2, %get3A_6 : vector<2000xf32>
    %add3A_7 = arith.constant 1.000000e+00 : f32
    %add3A_8 = vector.broadcast %add3A_7 : f32 to vector<2000xf32>
    %add3A_9 = arith.addf %add3A, %add3A_8 : vector<2000xf32>
    %rsqrt3A = math.rsqrt %add3A_9 : vector<2000xf32>
    %div3A = arith.constant 1.000000e+00 : f32
    %div3A_10 = vector.broadcast %div3A : f32 to vector<2000xf32>
    %div3A_11 = arith.divf %div3A_10, %add3A_9 : vector<2000xf32>
    %get3A_12 = arith.constant 0 : index
    %get3A_13 = arith.constant 0 : index
    %get3A_14 = arith.constant 0 : index
    %get3A_15 = vector.load %arg3[%get3A_12, %get3A_13, %get3A_14] : memref<2x2000x8xf32, #tpu.memory_space<vmem>>, vector<1x2000x3xf32>
    %get3A_16 = vector.shape_cast %get3A_15 : vector<1x2000x3xf32> to vector<2000x3xf32>
    %get3A_17 = arith.constant 1 : index
    %get3A_18 = arith.constant 0 : index
    %get3A_19 = arith.constant 0 : index
    %get3A_20 = vector.load %arg3[%get3A_17, %get3A_18, %get3A_19] : memref<2x2000x8xf32, #tpu.memory_space<vmem>>, vector<1x2000x3xf32>
    %get3A_21 = vector.shape_cast %get3A_20 : vector<1x2000x3xf32> to vector<2000x3xf32>
    %add3A_22 = arith.addf %get3A_16, %get3A_21 : vector<2000x3xf32>
    %broadcast_in_dim3A = vector.shape_cast %rsqrt3A : vector<2000xf32> to vector<2000x1xf32>
    %mul3A = vector.broadcast %broadcast_in_dim3A : vector<2000x1xf32> to vector<2000x3xf32>
    %mul3A_23 = arith.mulf %mul3A, %add3A_22 : vector<2000x3xf32>
    %broadcast_in_dim3A_24 = vector.shape_cast %div3A_11 : vector<2000xf32> to vector<2000x1xf32>
    %get3A_25 = arith.constant 0 : index
    %get3A_26 = arith.constant 0 : index
    %get3A_27 = vector.load %arg2[%get3A_25, %get3A_26] : memref<2000x3xf32, #tpu.memory_space<vmem>>, vector<2000x3xf32>
    %mul3A_28 = vector.broadcast %broadcast_in_dim3A_24 : vector<2000x1xf32> to vector<2000x3xf32>
    %mul3A_29 = arith.mulf %mul3A_28, %get3A_27 : vector<2000x3xf32>
    %add3A_30 = arith.addf %mul3A_23, %mul3A_29 : vector<2000x3xf32>
    %get3A_31 = arith.constant 0 : index
    %get3A_32 = arith.constant 0 : index
    %get3A_33 = vector.load %arg4[%get3A_31, %get3A_32] : memref<3x32xf32, #tpu.memory_space<vmem>>, vector<3x32xf32>
    %dot_general3A = arith.constant dense<0.000000e+00> : vector<2000x32xf32>
    %dot_general3A_34 = tpu.matmul %add3A_30, %get3A_33, %dot_general3A {dimension_numbers = #tpu.dot_dimension_numbers<[1], [0], [0], [1], [0, 0, 1, 1], [], []>, transpose_lhs_hint = false} : vector<2000x3xf32>, vector<3x32xf32>, vector<2000x32xf32> -> vector<2000x32xf32>
    %get3A_35 = arith.constant 0 : index
    %get3A_36 = arith.constant 0 : index
    %get3A_37 = vector.load %arg5[%get3A_35, %get3A_36] : memref<1x32xf32, #tpu.memory_space<vmem>>, vector<1x32xf32>
    %add3A_38 = vector.broadcast %get3A_37 : vector<1x32xf32> to vector<2000x32xf32>
    %add3A_39 = arith.addf %dot_general3A_34, %add3A_38 : vector<2000x32xf32>
    %max3A = arith.constant 0.000000e+00 : f32
    %max3A_40 = vector.broadcast %max3A : f32 to vector<2000x32xf32>
    %max3A_41 = arith.maximumf %add3A_39, %max3A_40 : vector<2000x32xf32>
    %swap3A = arith.constant 0 : index
    %swap3A_42 = arith.constant 0 : index
    %swap3A_43 = vector.load %arg6[%swap3A, %swap3A_42] : memref<2000x32xf32, #tpu.memory_space<vmem>>, vector<2000x32xf32>
    tpu.vector_store %arg6[%swap3A, %swap3A_42], %max3A_41 {strides = array<i32>} : memref<2000x32xf32, #tpu.memory_space<vmem>>, vector<2000x32xf32>,
    %broadcast_in_dim3A_44 = vector.shape_cast %rsqrt3A : vector<2000xf32> to vector<2000x1xf32>
    %mul3A_45 = vector.broadcast %broadcast_in_dim3A_44 : vector<2000x1xf32> to vector<2000x32xf32>
    %mul3A_46 = arith.mulf %mul3A_45, %max3A_41 : vector<2000x32xf32>
    %slice3A = vector.extract_strided_slice %mul3A_46 {offsets = [0, 0], sizes = [2000, 8], strides = [1, 1]} : vector<2000x32xf32> to vector<2000x8xf32>
    %swap3A_47 = arith.constant 0 : index
    %swap3A_48 = arith.constant 0 : index
    %swap3A_49 = vector.load %arg7[%swap3A_47, %swap3A_48] : memref<2000x8xf32, #tpu.memory_space<vmem>>, vector<2000x8xf32>
    tpu.vector_store %arg7[%swap3A_47, %swap3A_48], %slice3A {strides = array<i32>} : memref<2000x8xf32, #tpu.memory_space<vmem>>, vector<2000x8xf32>,
    %slice3A_50 = vector.extract_strided_slice %mul3A_46 {offsets = [0, 8], sizes = [2000, 8], strides = [1, 1]} : vector<2000x32xf32> to vector<2000x8xf32>
    %swap3A_51 = arith.constant 0 : index
    %swap3A_52 = arith.constant 0 : index
    %swap3A_53 = vector.load %arg8[%swap3A_51, %swap3A_52] : memref<2000x8xf32, #tpu.memory_space<vmem>>, vector<2000x8xf32>
    tpu.vector_store %arg8[%swap3A_51, %swap3A_52], %slice3A_50 {strides = array<i32>} : memref<2000x8xf32, #tpu.memory_space<vmem>>, vector<2000x8xf32>,
    %slice3A_54 = vector.extract_strided_slice %mul3A_46 {offsets = [0, 16], sizes = [2000, 8], strides = [1, 1]} : vector<2000x32xf32> to vector<2000x8xf32>
    %swap3A_55 = arith.constant 0 : index
    %swap3A_56 = arith.constant 0 : index
    %swap3A_57 = vector.load %arg9[%swap3A_55, %swap3A_56] : memref<2000x8xf32, #tpu.memory_space<vmem>>, vector<2000x8xf32>
    tpu.vector_store %arg9[%swap3A_55, %swap3A_56], %slice3A_54 {strides = array<i32>} : memref<2000x8xf32, #tpu.memory_space<vmem>>, vector<2000x8xf32>,
    %slice3A_58 = vector.extract_strided_slice %mul3A_46 {offsets = [0, 24], sizes = [2000, 8], strides = [1, 1]} : vector<2000x32xf32> to vector<2000x8xf32>
    %swap3A_59 = arith.constant 0 : index
    %swap3A_60 = arith.constant 0 : index
    %swap3A_61 = vector.load %arg10[%swap3A_59, %swap3A_60] : memref<2000x8xf32, #tpu.memory_space<vmem>>, vector<2000x8xf32>
    tpu.vector_store %arg10[%swap3A_59, %swap3A_60], %slice3A_58 {strides = array<i32>} : memref<2000x8xf32, #tpu.memory_space<vmem>>, vector<2000x8xf32>,
    return
  }
  func.func @transform_0(%arg0: i32) -> (i32, i32) {
    %c0_i32 = arith.constant 0 : i32
    %c0_i32_0 = arith.constant 0 : i32
    return %arg0, %c0_i32 : i32, i32
  }
  func.func @transform_1(%arg0: i32) -> (i32, i32) {
    %c0_i32 = arith.constant 0 : i32
    %c0_i32_0 = arith.constant 0 : i32
    return %arg0, %c0_i32 : i32, i32
  }
  func.func @transform_2(%arg0: i32) -> (i32, i32, i32) {
    %c0_i32 = arith.constant 0 : i32
    %c0_i32_0 = arith.constant 0 : i32
    %c0_i32_1 = arith.constant 0 : i32
    return %c0_i32, %arg0, %c0_i32_0 : i32, i32, i32
  }
  func.func @transform_3(%arg0: i32) -> (i32, i32) {
    %c0_i32 = arith.constant 0 : i32
    %c0_i32_0 = arith.constant 0 : i32
    %c0_i32_1 = arith.constant 0 : i32
    return %c0_i32, %c0_i32_0 : i32, i32
  }
  func.func @transform_4(%arg0: i32) -> (i32, i32) {
    %c0_i32 = arith.constant 0 : i32
    %c0_i32_0 = arith.constant 0 : i32
    %c0_i32_1 = arith.constant 0 : i32
    return %c0_i32, %c0_i32_0 : i32, i32
  }
  func.func @transform_5(%arg0: i32) -> (i32, i32) {
    %c0_i32 = arith.constant 0 : i32
    %c0_i32_0 = arith.constant 0 : i32
    return %arg0, %c0_i32 : i32, i32
  }
  func.func @transform_6(%arg0: i32) -> (i32, i32) {
    %c0_i32 = arith.constant 0 : i32
    %c0_i32_0 = arith.constant 0 : i32
    return %arg0, %c0_i32 : i32, i32
  }
  func.func @transform_7(%arg0: i32) -> (i32, i32) {
    %c0_i32 = arith.constant 0 : i32
    %c0_i32_0 = arith.constant 0 : i32
    return %arg0, %c0_i32 : i32, i32
  }
  func.func @transform_8(%arg0: i32) -> (i32, i32) {
    %c0_i32 = arith.constant 0 : i32
    %c0_i32_0 = arith.constant 0 : i32
    return %arg0, %c0_i32 : i32, i32
  }
  func.func @transform_9(%arg0: i32) -> (i32, i32) {
    %c0_i32 = arith.constant 0 : i32
    %c0_i32_0 = arith.constant 0 : i32
    return %arg0, %c0_i32 : i32, i32
  }
}

module attributes {stable_mosaic.version = 14 : i64} {
  func.func @body(%arg0: i32, %arg1: memref<2000x2xf32, #tpu.memory_space<vmem>>, %arg2: memref<2000x32xf32, #tpu.memory_space<vmem>>, %arg3: memref<4x2000x8xf32, #tpu.memory_space<vmem>>, %arg4: memref<32x64xf32, #tpu.memory_space<vmem>>, %arg5: memref<1x64xf32, #tpu.memory_space<vmem>>, %arg6: memref<64x1xf32, #tpu.memory_space<vmem>>, %arg7: memref<1x1xf32, #tpu.memory_space<vmem>>, %arg8: memref<1x1xf32, #tpu.memory_space<vmem>>, %arg9: memref<1x64xf32, #tpu.memory_space<vmem>>) attributes {dimension_semantics = [#tpu.dimension_semantics<arbitrary>], iteration_bounds = array<i64: 50>, scalar_prefetch = 0 : i64, scratch_operands = 1 : i64, tpu.core_type = #tpu.core_type<tc>, window_params = [{transform_indices = @transform_0, window_bounds = array<i64: 2000, 2>}, {transform_indices = @transform_1, window_bounds = array<i64: 2000, 32>}, {transform_indices = @transform_2, window_bounds = array<i64: 4, 2000, 8>}, {pipeline_mode = #tpu.pipeline_mode<synchronous>, transform_indices = @transform_3, window_bounds = array<i64: 32, 64>}, {pipeline_mode = #tpu.pipeline_mode<synchronous>, transform_indices = @transform_4, window_bounds = array<i64: 1, 64>}, {pipeline_mode = #tpu.pipeline_mode<synchronous>, transform_indices = @transform_5, window_bounds = array<i64: 64, 1>}, {pipeline_mode = #tpu.pipeline_mode<synchronous>, transform_indices = @transform_6, window_bounds = array<i64: 1, 1>}, {pipeline_mode = #tpu.pipeline_mode<synchronous>, transform_indices = @transform_7, window_bounds = array<i64: 1, 1>}]} {
    %get3A = arith.constant 0 : index
    %get3A_0 = arith.constant 0 : index
    %get3A_1 = vector.load %arg1[%get3A, %get3A_0] : memref<2000x2xf32, #tpu.memory_space<vmem>>, vector<2000x1xf32>
    %get3A_2 = vector.shape_cast %get3A_1 : vector<2000x1xf32> to vector<2000xf32>
    %get3A_3 = arith.constant 0 : index
    %get3A_4 = arith.constant 1 : index
    %get3A_5 = vector.load %arg1[%get3A_3, %get3A_4] : memref<2000x2xf32, #tpu.memory_space<vmem>>, vector<2000x1xf32>
    %get3A_6 = vector.shape_cast %get3A_5 : vector<2000x1xf32> to vector<2000xf32>
    %add3A = arith.addf %get3A_2, %get3A_6 : vector<2000xf32>
    %add3A_7 = arith.constant 1.000000e+00 : f32
    %add3A_8 = vector.broadcast %add3A_7 : f32 to vector<2000xf32>
    %add3A_9 = arith.addf %add3A, %add3A_8 : vector<2000xf32>
    %rsqrt3A = math.rsqrt %add3A_9 : vector<2000xf32>
    %div3A = arith.constant 1.000000e+00 : f32
    %div3A_10 = vector.broadcast %div3A : f32 to vector<2000xf32>
    %div3A_11 = arith.divf %div3A_10, %add3A_9 : vector<2000xf32>
    %get3A_12 = arith.constant 0 : index
    %get3A_13 = arith.constant 0 : index
    %get3A_14 = arith.constant 0 : index
    %get3A_15 = vector.load %arg3[%get3A_12, %get3A_13, %get3A_14] : memref<4x2000x8xf32, #tpu.memory_space<vmem>>, vector<1x2000x8xf32>
    %get3A_16 = vector.shape_cast %get3A_15 : vector<1x2000x8xf32> to vector<2000x8xf32>
    %get3A_17 = arith.constant 1 : index
    %get3A_18 = arith.constant 0 : index
    %get3A_19 = arith.constant 0 : index
    %get3A_20 = vector.load %arg3[%get3A_17, %get3A_18, %get3A_19] : memref<4x2000x8xf32, #tpu.memory_space<vmem>>, vector<1x2000x8xf32>
    %get3A_21 = vector.shape_cast %get3A_20 : vector<1x2000x8xf32> to vector<2000x8xf32>
    %get3A_22 = arith.constant 2 : index
    %get3A_23 = arith.constant 0 : index
    %get3A_24 = arith.constant 0 : index
    %get3A_25 = vector.load %arg3[%get3A_22, %get3A_23, %get3A_24] : memref<4x2000x8xf32, #tpu.memory_space<vmem>>, vector<1x2000x8xf32>
    %get3A_26 = vector.shape_cast %get3A_25 : vector<1x2000x8xf32> to vector<2000x8xf32>
    %get3A_27 = arith.constant 3 : index
    %get3A_28 = arith.constant 0 : index
    %get3A_29 = arith.constant 0 : index
    %get3A_30 = vector.load %arg3[%get3A_27, %get3A_28, %get3A_29] : memref<4x2000x8xf32, #tpu.memory_space<vmem>>, vector<1x2000x8xf32>
    %get3A_31 = vector.shape_cast %get3A_30 : vector<1x2000x8xf32> to vector<2000x8xf32>
    %concatenate3A = tpu.concatenate %get3A_16, %get3A_21, %get3A_26, %get3A_31 in 1 : vector<2000x8xf32>, vector<2000x8xf32>, vector<2000x8xf32>, vector<2000x8xf32> -> vector<2000x32xf32>
    %broadcast_in_dim3A = vector.shape_cast %rsqrt3A : vector<2000xf32> to vector<2000x1xf32>
    %mul3A = vector.broadcast %broadcast_in_dim3A : vector<2000x1xf32> to vector<2000x32xf32>
    %mul3A_32 = arith.mulf %mul3A, %concatenate3A : vector<2000x32xf32>
    %broadcast_in_dim3A_33 = vector.shape_cast %div3A_11 : vector<2000xf32> to vector<2000x1xf32>
    %get3A_34 = arith.constant 0 : index
    %get3A_35 = arith.constant 0 : index
    %get3A_36 = vector.load %arg2[%get3A_34, %get3A_35] : memref<2000x32xf32, #tpu.memory_space<vmem>>, vector<2000x32xf32>
    %mul3A_37 = vector.broadcast %broadcast_in_dim3A_33 : vector<2000x1xf32> to vector<2000x32xf32>
    %mul3A_38 = arith.mulf %mul3A_37, %get3A_36 : vector<2000x32xf32>
    %add3A_39 = arith.addf %mul3A_32, %mul3A_38 : vector<2000x32xf32>
    %get3A_40 = arith.constant 0 : index
    %get3A_41 = arith.constant 0 : index
    %get3A_42 = vector.load %arg4[%get3A_40, %get3A_41] : memref<32x64xf32, #tpu.memory_space<vmem>>, vector<32x64xf32>
    %dot_general3A = arith.constant dense<0.000000e+00> : vector<2000x64xf32>
    %dot_general3A_43 = tpu.matmul %add3A_39, %get3A_42, %dot_general3A {dimension_numbers = #tpu.dot_dimension_numbers<[1], [0], [0], [1], [0, 0, 1, 1], [], []>, transpose_lhs_hint = false} : vector<2000x32xf32>, vector<32x64xf32>, vector<2000x64xf32> -> vector<2000x64xf32>
    %get3A_44 = arith.constant 0 : index
    %get3A_45 = arith.constant 0 : index
    %get3A_46 = vector.load %arg5[%get3A_44, %get3A_45] : memref<1x64xf32, #tpu.memory_space<vmem>>, vector<1x64xf32>
    %add3A_47 = vector.broadcast %get3A_46 : vector<1x64xf32> to vector<2000x64xf32>
    %add3A_48 = arith.addf %dot_general3A_43, %add3A_47 : vector<2000x64xf32>
    %max3A = arith.constant 0.000000e+00 : f32
    %max3A_49 = vector.broadcast %max3A : f32 to vector<2000x64xf32>
    %max3A_50 = arith.maximumf %add3A_48, %max3A_49 : vector<2000x64xf32>
    %reduce_sum3A = arith.constant dense<0.000000e+00> : vector<64xf32>
    %reduce_sum3A_51 = vector.multi_reduction <add>, %max3A_50, %reduce_sum3A [0] : vector<2000x64xf32> to vector<64xf32>
    %broadcast_in_dim3A_52 = vector.shape_cast %reduce_sum3A_51 : vector<64xf32> to vector<1x64xf32>
    %eq3A = arith.constant 0 : i32
    %eq3A_53 = arith.cmpi eq, %arg0, %eq3A : i32
    %convert_element_type3A = arith.extui %eq3A_53 : i1 to i32
    %cond3A = arith.constant 0 : i32
    %cond3A_54 = arith.cmpi ne, %convert_element_type3A, %cond3A : i32
    scf.if %cond3A_54 {
      %broadcast_in_dim3A_66 = arith.constant 0.000000e+00 : f32
      %broadcast_in_dim3A_67 = vector.broadcast %broadcast_in_dim3A_66 : f32 to vector<1x64xf32>
      %swap3A_68 = arith.constant 0 : index
      %swap3A_69 = arith.constant 0 : index
      %swap3A_70 = vector.load %arg9[%swap3A_68, %swap3A_69] : memref<1x64xf32, #tpu.memory_space<vmem>>, vector<1x64xf32>
      tpu.vector_store %arg9[%swap3A_68, %swap3A_69], %broadcast_in_dim3A_67 {strides = array<i32>} : memref<1x64xf32, #tpu.memory_space<vmem>>, vector<1x64xf32>,
    } else {
    }
    %get3A_55 = arith.constant 0 : index
    %get3A_56 = arith.constant 0 : index
    %get3A_57 = vector.load %arg9[%get3A_55, %get3A_56] : memref<1x64xf32, #tpu.memory_space<vmem>>, vector<1x64xf32>
    %add3A_58 = arith.addf %get3A_57, %broadcast_in_dim3A_52 : vector<1x64xf32>
    %swap3A = arith.constant 0 : index
    %swap3A_59 = arith.constant 0 : index
    %swap3A_60 = vector.load %arg9[%swap3A, %swap3A_59] : memref<1x64xf32, #tpu.memory_space<vmem>>, vector<1x64xf32>
    tpu.vector_store %arg9[%swap3A, %swap3A_59], %add3A_58 {strides = array<i32>} : memref<1x64xf32, #tpu.memory_space<vmem>>, vector<1x64xf32>,
    %eq3A_61 = arith.constant 49 : i32
    %eq3A_62 = arith.cmpi eq, %arg0, %eq3A_61 : i32
    %convert_element_type3A_63 = arith.extui %eq3A_62 : i1 to i32
    %cond3A_64 = arith.constant 0 : i32
    %cond3A_65 = arith.cmpi ne, %convert_element_type3A_63, %cond3A_64 : i32
    scf.if %cond3A_65 {
      %get3A_66 = arith.constant 0 : index
      %get3A_67 = arith.constant 0 : index
      %get3A_68 = vector.load %arg9[%get3A_66, %get3A_67] : memref<1x64xf32, #tpu.memory_space<vmem>>, vector<1x64xf32>
      %squeeze3A = vector.shape_cast %get3A_68 : vector<1x64xf32> to vector<64xf32>
      %get3A_69 = arith.constant 0 : index
      %get3A_70 = arith.constant 0 : index
      %get3A_71 = vector.load %arg6[%get3A_69, %get3A_70] : memref<64x1xf32, #tpu.memory_space<vmem>>, vector<64x1xf32>
      %get3A_72 = vector.shape_cast %get3A_71 : vector<64x1xf32> to vector<64xf32>
      %mul3A_73 = arith.mulf %squeeze3A, %get3A_72 : vector<64xf32>
      %reduce_sum3A_74 = vector.shape_cast %mul3A_73 : vector<64xf32> to vector<1x64xf32>
      %reduce_sum3A_75 = arith.constant dense<0.000000e+00> : vector<1xf32>
      %reduce_sum3A_76 = vector.multi_reduction <add>, %reduce_sum3A_74, %reduce_sum3A_75 [1] : vector<1x64xf32> to vector<1xf32>
      %reduce_sum3A_77 = vector.shape_cast %reduce_sum3A_76 : vector<1xf32> to vector<1x1xf32>
      %reduce_sum3A_78 = vector.extract %reduce_sum3A_77[0, 0] : f32 from vector<1x1xf32>
      %get3A_79 = arith.constant 0 : index
      %get3A_80 = arith.constant 0 : index
      %get3A_81 = vector.load %arg7[%get3A_79, %get3A_80] : memref<1x1xf32, #tpu.memory_space<vmem>>, vector<1x1xf32>
      %get3A_82 = vector.extract %get3A_81[0, 0] : f32 from vector<1x1xf32>
      %add3A_83 = arith.addf %reduce_sum3A_78, %get3A_82 : f32
      %neg3A = arith.constant 0.000000e+00 : f32
      %neg3A_84 = arith.subf %neg3A, %add3A_83 : f32
      %exp3A = math.exp %neg3A_84 : f32
      %add3A_85 = arith.constant 1.000000e+00 : f32
      %add3A_86 = arith.addf %add3A_85, %exp3A : f32
      %div3A_87 = arith.constant 1.000000e+00 : f32
      %div3A_88 = arith.divf %div3A_87, %add3A_86 : f32
      %reshape3A = vector.broadcast %div3A_88 : f32 to vector<1x1xf32>
      %swap3A_89 = arith.constant 0 : index
      %swap3A_90 = arith.constant 0 : index
      %swap3A_91 = vector.load %arg8[%swap3A_89, %swap3A_90] : memref<1x1xf32, #tpu.memory_space<vmem>>, vector<1x1xf32>
      tpu.vector_store %arg8[%swap3A_89, %swap3A_90], %reshape3A {strides = array<i32>} : memref<1x1xf32, #tpu.memory_space<vmem>>, vector<1x1xf32>,
    } else {
    }
    return
  }
  func.func @transform_0(%arg0: i32) -> (i32, i32) {
    %c0_i32 = arith.constant 0 : i32
    %c0_i32_0 = arith.constant 0 : i32
    return %arg0, %c0_i32 : i32, i32
  }
  func.func @transform_1(%arg0: i32) -> (i32, i32) {
    %c0_i32 = arith.constant 0 : i32
    %c0_i32_0 = arith.constant 0 : i32
    return %arg0, %c0_i32 : i32, i32
  }
  func.func @transform_2(%arg0: i32) -> (i32, i32, i32) {
    %c0_i32 = arith.constant 0 : i32
    %c0_i32_0 = arith.constant 0 : i32
    %c0_i32_1 = arith.constant 0 : i32
    return %c0_i32, %arg0, %c0_i32_0 : i32, i32, i32
  }
  func.func @transform_3(%arg0: i32) -> (i32, i32) {
    %c0_i32 = arith.constant 0 : i32
    %c0_i32_0 = arith.constant 0 : i32
    %c0_i32_1 = arith.constant 0 : i32
    return %c0_i32, %c0_i32_0 : i32, i32
  }
  func.func @transform_4(%arg0: i32) -> (i32, i32) {
    %c0_i32 = arith.constant 0 : i32
    %c0_i32_0 = arith.constant 0 : i32
    %c0_i32_1 = arith.constant 0 : i32
    return %c0_i32, %c0_i32_0 : i32, i32
  }
  func.func @transform_5(%arg0: i32) -> (i32, i32) {
    %c0_i32 = arith.constant 0 : i32
    %c0_i32_0 = arith.constant 0 : i32
    %c0_i32_1 = arith.constant 0 : i32
    return %c0_i32, %c0_i32_0 : i32, i32
  }
  func.func @transform_6(%arg0: i32) -> (i32, i32) {
    %c0_i32 = arith.constant 0 : i32
    %c0_i32_0 = arith.constant 0 : i32
    %c0_i32_1 = arith.constant 0 : i32
    return %c0_i32, %c0_i32_0 : i32, i32
  }
  func.func @transform_7(%arg0: i32) -> (i32, i32) {
    %c0_i32 = arith.constant 0 : i32
    %c0_i32_0 = arith.constant 0 : i32
    %c0_i32_1 = arith.constant 0 : i32
    return %c0_i32, %c0_i32_0 : i32, i32
  }
}

</mosaic_0001>

<sc_bundles>
// kernel: kernel.11.cloned.1.call-start
scs
__scs_entry_jumppad:
0x0: {  	(pc) =	sbr.rel $0x88, $3  }
0x1: {  	(tag) =	ssettag $0x0;
	lr =	simm.s32 $0x1  }
0x2: {  	[smem:$0x3F99] =	sst lr;
	_ =	strace $0xD0000000  }
0x3: {  	_ = 	snop  }
0x4: {  	_ = 	snop  }
0x5: {  	_ = 	snop  }
0x6: {  	_ = 	snop  }
0x7: {  	_ = 	snop  }
__scs_overlays_trampoline_lowered:
0x8: {  	[smem:$0x3FA8] =	sst s0  }
0x9: {  	[smem:$0x3FA9] =	sst s1  }
0xa: {  	[smem:$0x3FAA] =	sst s2  }
0xb: {  	[smem:$0x3FAB] =	sst s3  }
0xc: {  	[smem:$0x3FAC] =	sst s4  }
0xd: {  	[smem:$0x3FAD] =	sst s5  }
0xe: {  	[smem:$0x3FAE] =	sst s6  }
0xf: {  	[smem:$0x3FAF] =	sst s7  }
0x10: {  	[smem:$0x3FB0] =	sst s8  }
0x11: {  	[smem:$0x3FB1] =	sst s9;
	s0 =	simm.s32 @!p0 $0x0  }
0x12: {  	s1 =	sld [smem:$0x3F97];
	s0 =	simm.s32 @p0 $0x1  }
0x13: {  	[smem:$0x3FB2] =	sst s0;
	s0 =	simm.s32 @!p1 $0x0  }
0x14: {  	s2 =	sld [smem:$0x3F96];
	s0 =	simm.s32 @p1 $0x1  }
0x15: {  	[smem:$0x3FB3] =	sst s0;
	s0 =	simm.s32 @!p2 $0x0  }
0x16: {  	s3 =	sld [smem:$0x3FDB];
	s0 =	simm.s32 @p2 $0x1  }
0x17: {  	s4 =	simm.s32 $0x1BF5;
	[smem:$0x3FB5] =	sst s0  }
0x18: {  	s0 =	sld [smem:$0x3F98];
	_ =	swait.ge [sflag:s4], $0x0  }
0x19: {  	s7 =	sld [smem:$0x3F99]  }
0x1a: {  	s8 =	sadd.s32 $0xFFFFE003, lr  }
0x1b: {  	s9 =	sadd.s32 $0xFFFFFEF7, lr;
	s5 =	simm.s32 $0xFFFFFFFF;
	p2 =	slt.u32 s8, $0xFFFFF086  }
0x1c: {  	p1 =	slt.u32 s9, $0xF7A;
	s5 =	simm.s32 @!p2 $0x0  }
0x1d: {  	s5 =	simm.s32 @p1 $0x1;
	p0 =	seq.s32 s7, s2  }
0x1e: {  	s7 =	smul.u32 @!p0 $0xF7A, s2;
	p2 =	seq.s32 @!p0 s5, $0x0  }
0x1f: {  	s9 =	smul.u32 $0xF7A, s1;
	s8 =	simm.s32 @!p0 $0x1BF5;
	p2 =	por !p2, p0  }
0x20: {  	[sflag:s8] =	ssyncset.s32 @!p0 $0xFFFFF086;
	s6 =	sadd.s32 @!p0 s3, s7;
	s7 =	simm.s32 @!p0 $0x108  }
0x21: {  	s3 =	sadd.s32 s3, s9;
	s6 =	sadd.s32 @!p0 $0x88, s6;
	s7 =	simm.s32 @p2 $0x1082  }
0x22: {  	[simem:s7], [sflag:s8] =	dma.local @!p0 [hbm:s6], $0xF7A  }
0x23: {  	s9 =	sor.u32 $0xD0000000, s2;
	s6 =	simm.s32 $0x108;
	_ =	swait.ge @!p0 [sflag:s8], $0x0  }
0x24: {  	s3 =	sadd.s32 $0x88, s3;
	s6 =	simm.s32 @!p1 $0x1082;
	[sflag:s4] =	ssyncset.s32 $0xFFFFF086  }
0x25: {  	[simem:s6], [sflag:s4] =	dma.local [hbm:s3], $0xF7A  }
0x26: {  	[smem:$0x3F99] =	sst s1;
	(tag) =	ssettag s2;
	_ =	strace s9  }
0x27: {  	s1 =	sld [smem:$0x3FA9]  }
0x28: {  	s2 =	sld [smem:$0x3FAA]  }
0x29: {  	s4 =	sld [smem:$0x3FAC]  }
0x2a: {  	p0 =	seq.s32 s5, $0x0;
	s5 =	sld [smem:$0x3FAD]  }
0x2b: {  	s6 =	sld [smem:$0x3FAE]  }
0x2c: {  	s7 =	sld [smem:$0x3FAF]  }
0x2d: {  	s3 =	simm.s32 $0x108;
	s8 =	sld [smem:$0x3FB0]  }
0x2e: {  	s3 =	simm.s32 @!p0 $0x1082;
	s9 =	sld [smem:$0x3FB1]  }
0x2f: {  	lr =	sadd.s32 s0, s3;
	s0 =	sld [smem:$0x3FA8]  }
0x30: {  	s3 =	sld [smem:$0x3FAB]  }
0x31: {  	[smem:$0x3FB4] =	sst s10  }
0x32: {  	s10 =	sld [smem:$0x3FB2];
	_ =	sdelay $0x3  }
0x33: {  	p0 =	seq.s32 s10, $0x1;
	s10 =	sld [smem:$0x3FB4];
	_ =	sdelay $0x3  }
0x34: {  	[smem:$0x3FB4] =	sst s10  }
0x35: {  	s10 =	sld [smem:$0x3FB3];
	_ =	sdelay $0x3  }
0x36: {  	p1 =	seq.s32 s10, $0x1;
	s10 =	sld [smem:$0x3FB4];
	_ =	sdelay $0x3  }
0x37: {  	[smem:$0x3FB4] =	sst s10  }
0x38: {  	s10 =	sld [smem:$0x3FB5]  }
0x39: {  	_ = 	snop;
	(pc) =	sbr.ind lr, $3  }
0x3a: {  	_ = 	snop  }
0x3b: {  	_ = 	snop  }
0x3c: {  	p2 =	seq.s32 s10, $0x1;
	s10 =	sld [smem:$0x3FB4]  }
0x3d: {  	_ =	shalt  }
0x3e: {  	_ =	shalt  }
0x3f: {  	_ =	shalt  }
0x40: {  	_ =	shalt  }
0x41: {  	_ =	shalt  }
0x42: {  	_ =	shalt  }
0x43: {  	_ =	shalt  }
0x44: {  	_ =	shalt  }
0x45: {  	_ =	shalt  }
0x46: {  	_ =	shalt  }
0x47: {  	_ =	shalt  }
0x48: {  	_ =	shalt  }
0x49: {  	_ =	shalt  }
0x4a: {  	_ =	shalt  }
0x4b: {  	_ =	shalt  }
0x4c: {  	_ =	shalt  }
0x4d: {  	_ =	shalt  }
0x4e: {  	_ =	shalt  }
0x4f: {  	_ =	shalt  }
0x50: {  	_ =	shalt  }
0x51: {  	_ =	shalt  }
0x52: {  	_ =	shalt  }
0x53: {  	_ =	shalt  }
0x54: {  	_ =	shalt  }
0x55: {  	_ =	shalt  }
0x56: {  	_ =	shalt  }
0x57: {  	_ =	shalt  }
0x58: {  	_ =	shalt  }
0x59: {  	_ =	shalt  }
0x5a: {  	_ =	shalt  }
0x5b: {  	_ =	shalt  }
0x5c: {  	_ =	shalt  }
0x5d: {  	_ =	shalt  }
0x5e: {  	_ =	shalt  }
0x5f: {  	_ =	shalt  }
0x60: {  	_ =	shalt  }
0x61: {  	_ =	shalt  }
0x62: {  	_ =	shalt  }
0x63: {  	_ =	shalt  }
0x64: {  	_ =	shalt  }
0x65: {  	_ =	shalt  }
0x66: {  	_ =	shalt  }
0x67: {  	_ =	shalt  }
0x68: {  	_ =	shalt  }
0x69: {  	_ =	shalt  }
0x6a: {  	_ =	shalt  }
0x6b: {  	_ =	shalt  }
0x6c: {  	_ =	shalt  }
0x6d: {  	_ =	shalt  }
0x6e: {  	_ =	shalt  }
0x6f: {  	_ =	shalt  }
0x70: {  	_ =	shalt  }
0x71: {  	_ =	shalt  }
0x72: {  	_ =	shalt  }
0x73: {  	_ =	shalt  }
0x74: {  	_ =	shalt  }
0x75: {  	_ =	shalt  }
0x76: {  	_ =	shalt  }
0x77: {  	_ =	shalt  }
0x78: {  	_ =	shalt  }
0x79: {  	_ =	shalt  }
0x7a: {  	_ =	shalt  }
0x7b: {  	_ =	shalt  }
0x7c: {  	_ =	shalt  }
0x7d: {  	_ =	shalt  }
0x7e: {  	_ =	shalt  }
0x7f: {  	_ =	shalt  }
0x80: {  	_ =	shalt  }
0x81: {  	_ =	shalt  }
0x82: {  	_ =	shalt  }
0x83: {  	_ =	shalt  }
0x84: {  	_ =	shalt  }
0x85: {  	_ =	shalt  }
0x86: {  	_ =	shalt  }
0x87: {  	_ =	shalt  }
.Lfunc_end0:
.L_simem_size_0:
called_computation.1_lowered:
.L_overlay_start_0:
0x88: {  	s2 =	sld [smem:$0x3FD9]  }
0x89: {  	s3 =	sld [smem:$0x3FFE];
	_ =	sdelay $0x1  }
0x8a: {  	s1 =	srdreg.scid  }
0x8b: {  	s0 =	sand.u32 $0x1, s1  }
0x8c: {  	s16 =	sshll.u32 s0, $0xA;
	s2 =	sadd.s32 s3, s2  }
0x8d: {  	s2 =	sadd.s32 s2, s16  }
0x8e: {  	[smem:$0x3FC0] =	sst s2  }
0x8f: {  	_ = 	snop  }
0x90: {  	(tm) =	ssettm $0x1  }
0x91: {  	s17 =	sld [smem:$0x3FFB];
	_ =	sdelay $0x3  }
0x92: {  	_ =	strace s17  }
0x93: {  	s2 =	sld [smem:$0x3FFC];
	_ =	sdelay $0x3  }
0x94: {  	_ =	strace s2  }
0x95: {  	s2 =	sld [smem:$0x3FFD];
	_ =	sdelay $0x3  }
0x96: {  	_ =	strace s2  }
0x97: {  	_ =	strace $0x8FFFFFFF  }
0x98: {  	s18 =	sld [smem:$0x3FDB];
	_ =	sdelay $0x1  }
0x99: {  	s19 =	simm.s32 $_scs_section_size  }
0x9a: {  	s4 =	simm.s32 $_size__tile_overlayer_lowered;
	s5 =	simm.s32 $_tile_overlayer_lowered  }
0x9b: {  	s22 =	simm.s32 $0x1BFF;
	s21 =	sshll.u32 s5, $0x1;
	s2 =	sadd.s32 s19, s18  }
0x9c: {  	s6 =	simm.s32 $0x0;
	s20 =	sshll.u32 s4, $0x1;
	s4 =	sadd.s32 s21, s2  }
0x9d: {  	[timem:s6], [sflag:s22] =	dma.local [hbm:s4], s20  }
0x9e: {  	_ =	swait.ge [sflag:s22], s20  }
0x9f: {  	s3 =	ssub.s32 $0x0, s20;
	[sflag:s22] =	ssyncset.done $0x0  }
0xa0: {  	[sflag:s22] =	ssyncadd.s32 s3;
	_ =	sdelay $0x1  }
0xa1: {  	s23 =	simm.s32 $0x1B8B  }
0xa2: {  	_ =	swait.ge [sflag:s23], $0x1  }
0xa3: {  	[sflag:s23] =	ssyncset.done $0x0  }
0xa4: {  	s25 =	simm.s32 $0x1B8E;
	s24 =	sld [smem:$0x3FFE];
	[sflag:s23] =	ssyncadd.s32 $0xFFFFFFFF  }
0xa5: {  	s26 =	simm.s32 $execute0_lowered;
	[smem:$0x3FD2] =	sst s25  }
0xa6: {  	s4 =	sshll.u32 s26, $0x1;
	_ =	strace $0x80000049;
	[dreg:$0x1] =	wrdreg $0xFFFFFFFF  }
0xa7: {  	s28 =	simm.s32 $_size_execute0_lowered;
	s2 =	sadd.s32 s2, s4;
	[dreg:$0x0] =	wrdreg $0x0  }
0xa8: {  	s4 =	sshll.u32 s28, $0x1;
	[dreg:$0x2] =	wrdreg s2  }
0xa9: {  	[dreg:$0x3] =	wrdreg s4  }
0xaa: {  	[dreg:$0x4] =	wrdreg $0xC0  }
0xab: {  	_ =	task [dreg:s6], $0x5FFFF  }
0xac: {  	[dreg:$0x1] =	wrdreg $0xFFFFFFFF  }
0xad: {  	[dreg:$0x0] =	wrdreg $0x60  }
0xae: {  	[dreg:$0x2] =	wrdreg s24  }
0xaf: {  	[dreg:$0x3] =	wrdreg $0x0  }
0xb0: {  	[dreg:$0x4] =	wrdreg $0x9  }
0xb1: {  	_ =	task.clear_ibuf [dreg:s6], $0x5FFFF;
	_ =	strace $0x90000049  }
0xb2: {  	s29 =	simm.s32 $0x9;
	_ =	strace $0x8000004B  }
0xb3: {  	_ =	swait.ge [sflag:s29], $0x1  }
0xb4: {  	[sflag:s29] =	ssyncadd.s32 $0xFFFFFFFF  }
0xb5: {  	_ =	strace $0x9000004B  }
0xb6: {  	_ =	sfence  }
0xb7: {  	s30 =	sld [smem:$0x0];
	_ =	sdelay $0x2  }
0xb8: {  	s31 =	sshll.u32 s1, $0xD;
	s1 =	sshrl.u32 s1, $0x2  }
0xb9: {  	s3 =	sand.u32 $0x4000, s31;
	s1 =	sadd.s32 s1, s30  }
0xba: {  	s0 =	sor.u32 s3, s0;
	s1 =	sshll.u32 s1, $0x11  }
0xbb: {  	s0 =	sor.u32 s1, s0  }
0xbc: {  	s0 =	sadd.s32 $0x8F2B, s0  }
0xbd: {  	[sflag:s0] =	ssyncadd.remote.s32 $0x1  }
0xbe: {  	_ =	sfence.sel $0xFFFF  }
0xbf: {  	[dreg:$0x0] =	wrdreg $0xFFFFFFFF;
	(pc) =	sbr.abs _section_cstart, $3  }
0xc0: {  	[dreg:$0x1] =	wrdreg $0xFFFFFFFF  }
0xc1: {  	_ =	task.clear_ibuf [dreg:s6], $0x2FFFF;
	_ =	strace $0x9FFFFFFF  }
0xc2: {  	(tm) =	ssettm $0x7FFFFFFF  }
0xc3: {  	_ =	shalt  }
tec
execute0_lowered:
.L_overlay_start_1:
0x0: {  	(tag) =	ssettag $0x1  }
0x1: {  	s5 =	rddreg [dreg:$0x0]  }
0x2: {  	s1 =	rddreg [dreg:$0x1]  }
0x3: {  	s0 =	rddreg [dreg:$0x2]  }
0x4: {  	s3 =	simm.s32 $0x0;
	s2 =	stileid.u32;
	s4 =	srdreg.scid  }
0x5: {  	s17 =	simm.s32 $0x18800;
	s18 =	simm.s32 $0x1;
	s19 =	simm.s32 $0x18780  }
0x6: {  	s20 =	simm.s32 $0x18C00;
	s21 =	simm.s32 $0x50;
	s22 =	simm.s32 $0x18CA0  }
0x7: {  	s23 =	simm.s32 $0x18C50;
	s24 =	simm.s32 $0x0;
	s6 =	smul.u32 $0xC380, s2  }
0x8: {  	[smem:$0x7FF] =	sst s3;
	s12 =	sadd.s32 $0x1400, s5;
	s8 =	smul.u32 $0x1870, s2  }
0x9: {  	s7 =	sand.u32 $0x1, s4;
	s28 =	sshll.u32 s2, $0x1;
	s15 =	smul.u32 $0x186A0, s2  }
0xa: {  	s11 =	sadd.s32 $0x32200, s5;
	s4 =	sadd.s32 $0x1E9A00, s5;
	s14 =	smul.u32 $0x18700, s7  }
0xb: {  	_ =	strace $0x8000004A;
	s9 =	sor.u32 s7, s28;
	s16 =	smul.u32 $0xC350, s7  }
0xc: {  	s13 =	ssub.s32 $0x2, s7;
	s10 =	sshrl.u32 s6, $0x3;
	s9 =	smul.u32 $0xC350, s9  }
0xd: {  	s8 =	sadd.s32 s8, s5;
	s29 =	sshrl.u32 s13, $0x1;
	s6 =	sadd.s32 s6, s1  }
0xe: {  	s10 =	sadd.s32 s10, s5;
	s13 =	ssub.s32 s13, s29;
	s30 =	sadd.s32 s14, s8  }
0xf: {  	s31 =	sadd.s32 s16, s15;
	s15 =	simm.s32 $0x18700;
	s16 =	simm.s32 $0x80  }
0x10: {  	s9 =	sshrl.u32 s9, $0x3;
	s5 =	sadd.s32 $0x3BA200, s10;
	s14 =	sshrl.u32 s31, $0x3  }
0x11: {  	s10 =	smax.u32 s13, $0x1;
	s13 =	simm.s32 $0xC380;
	s9 =	sadd.s32 $0x1860, s9  }
0x12: {  	s7 =	sadd.s32 s12, s9;
	s8 =	sadd.s32 s11, s9;
	s9 =	sadd.s32 $0x202200, s30  }
0x13: {  	s11 =	sadd.s32 s14, s11;
	s12 =	sadd.s32 s14, s12;
	s14 =	simm.s32 $0x2  }
.LBB2_1:
0x14: {  	[tilespmem:s13], [sflag:$0x2] =	stream.linear.gather [hbm4b:s5+s3], $0xC380, $0x38;
	[tilespmem:$0x18F20] =	vst v63  }
0x15: {  	_ =	swait.ge [sflag:s14], $0xC380  }
0x16: {  	[sflag:s14] =	ssyncset.done $0x0  }
0x17: {  	[sflag:s14] =	ssyncadd.s32 $0xFFFF3C80  }
0x18: {  	[spmem:s6] =	stream.linear.scatter [tilespmem:s13], [sflag:$0x2], $0xC380, $0x38;
	[tilespmem:$0x18F20] =	vst v63  }
0x19: {  	_ =	swait.ge [sflag:s14], $0xC380  }
0x1a: {  	[sflag:s14] =	ssyncset.done $0x0  }
0x1b: {  	[sflag:s14] =	ssyncadd.s32 $0xFFFF3C80  }
0x1c: {  	s25 =	sadd.s32 $0x0, s12;
	[bflag:$0x0] =	sbarrier.arrive $0xFFFF  }
0x1d: {  	[tilespmem:s15], [sflag:$0x2] =	stream.linear.gather [hbm4b:s25+s3], $0x80, $0x38;
	[tilespmem:$0x18F20] =	vst v63  }
0x1e: {  	_ =	swait.ge [sflag:s14], $0x80  }
0x1f: {  	[sflag:s14] =	ssyncset.done $0x0  }
0x20: {  	[sflag:s14] =	ssyncadd.s32 $0xFFFFFF80  }
0x21: {  	[tilespmem:s17], [sflag:$0x1] =	stream.indirect.gather [hbm4b:s4+s16], $0x8, s15, s16, $0xb8;
	[tilespmem:$0x18F20] =	vst v63  }
0x22: {  	_ =	swait.ge [sflag:s18], $0x400  }
0x23: {  	[sflag:s18] =	ssyncset.done $0x0  }
0x24: {  	s31 =	sadd.s32 $0x0, s11;
	[sflag:s18] =	ssyncadd.s32 $0xFFFFFC00  }
0x25: {  	[tilespmem:s19], [sflag:$0x2] =	stream.linear.gather [hbm4b:s31+s3], $0x80, $0x38;
	[tilespmem:$0x18F20] =	vst v63  }
0x26: {  	_ =	swait.ge [sflag:s14], $0x80  }
0x27: {  	[sflag:s14] =	ssyncset.done $0x0  }
0x28: {  	[sflag:s14] =	ssyncadd.s32 $0xFFFFFF80  }
0x29: {  	[spmem:s1] =	stream.indirect.scatter.add.f32 [tilespmem:s17], [sflag:$0x2], $0x8, s19, s16, $0xb8;
	[tilespmem:$0x18F20] =	vst v63  }
0x2a: {  	_ =	swait.ge [sflag:s14], $0x400  }
0x2b: {  	s26 =	simm.s32 $0x20;
	s25 =	simm.s32 $0x10;
	[sflag:s14] =	ssyncset.done $0x0  }
.LBB2_2:
0x2c: {  	s28 =	sadd.s32 s25, s12  }
0x2d: {  	[sflag:s14] =	ssyncadd.s32 $0xFFFFFC00;
	s29 =	smov.u32 s26;
	s30 =	sadd.s32 $0x10, s26  }
0x2e: {  	[tilespmem:s15], [sflag:$0x2] =	stream.linear.gather [hbm4b:s28+s3], $0x80, $0x38;
	[tilespmem:$0x18F20] =	vst v63  }
0x2f: {  	p0 =	sne.s32 s26, $0x1850;
	_ =	swait.ge [sflag:s14], $0x80  }
0x30: {  	[sflag:s14] =	ssyncset.done $0x0  }
0x31: {  	[sflag:s14] =	ssyncadd.s32 $0xFFFFFF80  }
0x32: {  	[tilespmem:s17], [sflag:$0x1] =	stream.indirect.gather [hbm4b:s4+s16], $0x8, s15, s16, $0xb8;
	[tilespmem:$0x18F20] =	vst v63  }
0x33: {  	_ =	swait.ge [sflag:s18], $0x400  }
0x34: {  	[sflag:s18] =	ssyncset.done $0x0  }
0x35: {  	s26 =	sadd.s32 s25, s11;
	s25 =	smov.u32 s29;
	[sflag:s18] =	ssyncadd.s32 $0xFFFFFC00  }
0x36: {  	[tilespmem:s19], [sflag:$0x2] =	stream.linear.gather [hbm4b:s26+s3], $0x80, $0x38;
	[tilespmem:$0x18F20] =	vst v63  }
0x37: {  	_ =	swait.ge [sflag:s14], $0x80  }
.Ltmp0:
0x38: {  	[sflag:s14] =	ssyncset.done $0x0;
	(pc) =	sbr.rel @p0 .LBB2_2-.Ltmp0, $4  }
0x39: {  	[sflag:s14] =	ssyncadd.s32 $0xFFFFFF80  }
0x3a: {  	[spmem:s1] =	stream.indirect.scatter.add.f32 [tilespmem:s17], [sflag:$0x2], $0x8, s19, s16, $0xb8;
	[tilespmem:$0x18F20] =	vst v63  }
0x3b: {  	_ =	swait.ge [sflag:s14], $0x400  }
0x3c: {  	s26 =	smov.u32 s30;
	[sflag:s14] =	ssyncset.done $0x0  }
0x3d: {  	s26 =	sadd.s32 s25, s12;
	[sflag:s14] =	ssyncadd.s32 $0xFFFFFC00  }
0x3e: {  	[tilespmem:s15], [sflag:$0x2] =	stream.linear.gather [hbm4b:s26+s3], $0x80, $0x38;
	[tilespmem:$0x18F20] =	vst v63  }
0x3f: {  	_ =	swait.ge [sflag:s14], $0x80  }
0x40: {  	[sflag:s14] =	ssyncset.done $0x0  }
0x41: {  	[sflag:s14] =	ssyncadd.s32 $0xFFFFFF80  }
0x42: {  	[tilespmem:s17], [sflag:$0x1] =	stream.indirect.gather [hbm4b:s4+s16], $0x8, s15, s16, $0xb8;
	[tilespmem:$0x18F20] =	vst v63  }
0x43: {  	_ =	swait.ge [sflag:s18], $0x400  }
0x44: {  	[sflag:s18] =	ssyncset.done $0x0  }
0x45: {  	s31 =	sadd.s32 s25, s11;
	[sflag:s18] =	ssyncadd.s32 $0xFFFFFC00  }
0x46: {  	[tilespmem:s19], [sflag:$0x2] =	stream.linear.gather [hbm4b:s31+s3], $0x80, $0x38;
	[tilespmem:$0x18F20] =	vst v63  }
0x47: {  	_ =	swait.ge [sflag:s14], $0x80  }
0x48: {  	[sflag:s14] =	ssyncset.done $0x0  }
0x49: {  	[sflag:s14] =	ssyncadd.s32 $0xFFFFFF80  }
0x4a: {  	[spmem:s1] =	stream.indirect.scatter.add.f32 [tilespmem:s17], [sflag:$0x2], $0x8, s19, s16, $0xb8;
	[tilespmem:$0x18F20] =	vst v63  }
0x4b: {  	_ =	swait.ge [sflag:s14], $0x400  }
0x4c: {  	[sflag:s14] =	ssyncset.done $0x0  }
0x4d: {  	[sflag:s14] =	ssyncadd.s32 $0xFFFFFC00  }
0x4e: {  	[tilespmem:s20], [sflag:$0x2] =	stream.linear.gather [hbm4b:s7+s3], $0x50, $0x38;
	[tilespmem:$0x18F20] =	vst v63  }
0x4f: {  	_ =	swait.ge [sflag:s14], $0x50  }
0x50: {  	[sflag:s14] =	ssyncset.done $0x0  }
0x51: {  	[sflag:s14] =	ssyncadd.s32 $0xFFFFFFB0  }
0x52: {  	[tilespmem:s22], [sflag:$0x1] =	stream.indirect.gather [hbm4b:s4+s21], $0x8, s20, s21, $0xb8;
	[tilespmem:$0x18F20] =	vst v63  }
0x53: {  	_ =	swait.ge [sflag:s18], $0x280  }
0x54: {  	[sflag:s18] =	ssyncset.done $0x0  }
0x55: {  	[sflag:s18] =	ssyncadd.s32 $0xFFFFFD80  }
0x56: {  	[tilespmem:s23], [sflag:$0x2] =	stream.linear.gather [hbm4b:s8+s3], $0x50, $0x38;
	[tilespmem:$0x18F20] =	vst v63  }
0x57: {  	_ =	swait.ge [sflag:s14], $0x50  }
0x58: {  	[sflag:s14] =	ssyncset.done $0x0  }
0x59: {  	[sflag:s14] =	ssyncadd.s32 $0xFFFFFFB0  }
0x5a: {  	[spmem:s1] =	stream.indirect.scatter.add.f32 [tilespmem:s22], [sflag:$0x2], $0x8, s23, s21, $0xb8;
	[tilespmem:$0x18F20] =	vst v63  }
0x5b: {  	_ =	swait.ge [sflag:s14], $0x280  }
0x5c: {  	[sflag:s14] =	ssyncset.done $0x0  }
0x5d: {  	[sflag:s14] =	ssyncadd.s32 $0xFFFFFD80  }
0x5e: {  	[bflag:$0x0] =	sbarrier.arrive $0xFFFF  }
0x5f: {  	[tilespmem:s13], [sflag:$0x2] =	stream.linear.gather [spmem:s6], $0xC380, $0x38;
	[tilespmem:$0x18F20] =	vst v63  }
0x60: {  	s24 =	sadd.s32 $0x1, s24;
	_ =	swait.ge [sflag:s14], $0xC380  }
0x61: {  	p0 =	sne.s32 s24, s10;
	[sflag:s14] =	ssyncset.done $0x0  }
.Ltmp1:
0x62: {  	[sflag:s14] =	ssyncadd.s32 $0xFFFF3C80;
	(pc) =	sbr.rel @p0 .LBB2_1-.Ltmp1, $4  }
0x63: {  	[hbm4b:s9+s3] =	stream.linear.scatter [tilespmem:s13], [sflag:$0x2], $0xC380, $0x38;
	[tilespmem:$0x18F20] =	vst v63  }
0x64: {  	_ =	swait.ge [sflag:s14], $0xC380  }
0x65: {  	[sflag:s14] =	ssyncset.done $0x0  }
0x66: {  	[sflag:s14] =	ssyncadd.s32 $0xFFFF3C80  }
0x67: {  	_ =	sfence.sel $0x180000  }
0x68: {  	[bflag:$0x0] =	sbarrier.arrive $0xFFFF  }
0x69: {  	p0 =	sne.s32 s2, $0x0;
	_ =	strace $0x9000004A  }
0x6a: {  	s0 =	sadd.s32 @!p0 $0x100000, s0;
	[bflag:$0x2] =	sbarrier.arrive $0xFFFF  }
0x6b: {  	[sflag:s0] =	ssyncadd.tile.s32 @!p0 $0x1;
	_ =	shalt  }
.Lfunc_end2:
_tile_overlayer_lowered:
.L_overlay_start_2:
0x6c: {  	(tag) =	ssettag $0x2  }
0x6d: {  	s0 =	rddreg [dreg:$0x0];
	s2 =	stileid.u32  }
0x6e: {  	s1 =	rddreg [dreg:$0x1];
	p0 =	sne.s32 s2, $0x0  }
0x6f: {  	s3 =	rddreg [dreg:$0x2];
	[bflag:$0x3] =	sbarrier.arrive $0xFFFF;
	s2 =	simm.s32 @!p0 $0x1C02  }
0x70: {  	[timem:s3], [sflag:s2] =	dma.local @!p0 [hbm:s0], s1  }
0x71: {  	s0 =	simm.s32 @!p0 $0x2  }
0x72: {  	_ =	swait.ge @!p0 [sflag:s0], s1  }
0x73: {  	s1 =	ssub.s32 @!p0 $0x0, s1;
	[sflag:s0] =	ssyncset.done @!p0 $0x0  }
0x74: {  	[sflag:s0] =	ssyncadd.s32 @!p0 s1  }
0x75: {  	[bflag:$0x3] =	sbarrier.arrive $0xFFFF  }
0x76: {  	_ =	shalt  }

// kernel: kernel.14.cloned.1.call-start
scs
__scs_entry_jumppad:
0x0: {  	(pc) =	sbr.rel $0x88, $3  }
0x1: {  	(tag) =	ssettag $0x0;
	lr =	simm.s32 $0x1  }
0x2: {  	[smem:$0x3F99] =	sst lr;
	_ =	strace $0xD0000000  }
0x3: {  	_ = 	snop  }
0x4: {  	_ = 	snop  }
0x5: {  	_ = 	snop  }
0x6: {  	_ = 	snop  }
0x7: {  	_ = 	snop  }
__scs_overlays_trampoline_lowered:
0x8: {  	[smem:$0x3FA8] =	sst s0  }
0x9: {  	[smem:$0x3FA9] =	sst s1  }
0xa: {  	[smem:$0x3FAA] =	sst s2  }
0xb: {  	[smem:$0x3FAB] =	sst s3  }
0xc: {  	[smem:$0x3FAC] =	sst s4  }
0xd: {  	[smem:$0x3FAD] =	sst s5  }
0xe: {  	[smem:$0x3FAE] =	sst s6  }
0xf: {  	[smem:$0x3FAF] =	sst s7  }
0x10: {  	[smem:$0x3FB0] =	sst s8  }
0x11: {  	[smem:$0x3FB1] =	sst s9;
	s0 =	simm.s32 @!p0 $0x0  }
0x12: {  	s1 =	sld [smem:$0x3F97];
	s0 =	simm.s32 @p0 $0x1  }
0x13: {  	[smem:$0x3FB2] =	sst s0;
	s0 =	simm.s32 @!p1 $0x0  }
0x14: {  	s2 =	sld [smem:$0x3F96];
	s0 =	simm.s32 @p1 $0x1  }
0x15: {  	[smem:$0x3FB3] =	sst s0;
	s0 =	simm.s32 @!p2 $0x0  }
0x16: {  	s3 =	sld [smem:$0x3FDB];
	s0 =	simm.s32 @p2 $0x1  }
0x17: {  	s4 =	simm.s32 $0x1BF5;
	[smem:$0x3FB5] =	sst s0  }
0x18: {  	s0 =	sld [smem:$0x3F98];
	_ =	swait.ge [sflag:s4], $0x0  }
0x19: {  	s7 =	sld [smem:$0x3F99]  }
0x1a: {  	s8 =	sadd.s32 $0xFFFFE003, lr  }
0x1b: {  	s9 =	sadd.s32 $0xFFFFFEF7, lr;
	s5 =	simm.s32 $0xFFFFFFFF;
	p2 =	slt.u32 s8, $0xFFFFF086  }
0x1c: {  	p1 =	slt.u32 s9, $0xF7A;
	s5 =	simm.s32 @!p2 $0x0  }
0x1d: {  	s5 =	simm.s32 @p1 $0x1;
	p0 =	seq.s32 s7, s2  }
0x1e: {  	s7 =	smul.u32 @!p0 $0xF7A, s2;
	p2 =	seq.s32 @!p0 s5, $0x0  }
0x1f: {  	s9 =	smul.u32 $0xF7A, s1;
	s8 =	simm.s32 @!p0 $0x1BF5;
	p2 =	por !p2, p0  }
0x20: {  	[sflag:s8] =	ssyncset.s32 @!p0 $0xFFFFF086;
	s6 =	sadd.s32 @!p0 s3, s7;
	s7 =	simm.s32 @!p0 $0x108  }
0x21: {  	s3 =	sadd.s32 s3, s9;
	s6 =	sadd.s32 @!p0 $0x88, s6;
	s7 =	simm.s32 @p2 $0x1082  }
0x22: {  	[simem:s7], [sflag:s8] =	dma.local @!p0 [hbm:s6], $0xF7A  }
0x23: {  	s9 =	sor.u32 $0xD0000000, s2;
	s6 =	simm.s32 $0x108;
	_ =	swait.ge @!p0 [sflag:s8], $0x0  }
0x24: {  	s3 =	sadd.s32 $0x88, s3;
	s6 =	simm.s32 @!p1 $0x1082;
	[sflag:s4] =	ssyncset.s32 $0xFFFFF086  }
0x25: {  	[simem:s6], [sflag:s4] =	dma.local [hbm:s3], $0xF7A  }
0x26: {  	[smem:$0x3F99] =	sst s1;
	(tag) =	ssettag s2;
	_ =	strace s9  }
0x27: {  	s1 =	sld [smem:$0x3FA9]  }
0x28: {  	s2 =	sld [smem:$0x3FAA]  }
0x29: {  	s4 =	sld [smem:$0x3FAC]  }
0x2a: {  	p0 =	seq.s32 s5, $0x0;
	s5 =	sld [smem:$0x3FAD]  }
0x2b: {  	s6 =	sld [smem:$0x3FAE]  }
0x2c: {  	s7 =	sld [smem:$0x3FAF]  }
0x2d: {  	s3 =	simm.s32 $0x108;
	s8 =	sld [smem:$0x3FB0]  }
0x2e: {  	s3 =	simm.s32 @!p0 $0x1082;
	s9 =	sld [smem:$0x3FB1]  }
0x2f: {  	lr =	sadd.s32 s0, s3;
	s0 =	sld [smem:$0x3FA8]  }
0x30: {  	s3 =	sld [smem:$0x3FAB]  }
0x31: {  	[smem:$0x3FB4] =	sst s10  }
0x32: {  	s10 =	sld [smem:$0x3FB2];
	_ =	sdelay $0x3  }
0x33: {  	p0 =	seq.s32 s10, $0x1;
	s10 =	sld [smem:$0x3FB4];
	_ =	sdelay $0x3  }
0x34: {  	[smem:$0x3FB4] =	sst s10  }
0x35: {  	s10 =	sld [smem:$0x3FB3];
	_ =	sdelay $0x3  }
0x36: {  	p1 =	seq.s32 s10, $0x1;
	s10 =	sld [smem:$0x3FB4];
	_ =	sdelay $0x3  }
0x37: {  	[smem:$0x3FB4] =	sst s10  }
0x38: {  	s10 =	sld [smem:$0x3FB5]  }
0x39: {  	_ = 	snop;
	(pc) =	sbr.ind lr, $3  }
0x3a: {  	_ = 	snop  }
0x3b: {  	_ = 	snop  }
0x3c: {  	p2 =	seq.s32 s10, $0x1;
	s10 =	sld [smem:$0x3FB4]  }
0x3d: {  	_ =	shalt  }
0x3e: {  	_ =	shalt  }
0x3f: {  	_ =	shalt  }
0x40: {  	_ =	shalt  }
0x41: {  	_ =	shalt  }
0x42: {  	_ =	shalt  }
0x43: {  	_ =	shalt  }
0x44: {  	_ =	shalt  }
0x45: {  	_ =	shalt  }
0x46: {  	_ =	shalt  }
0x47: {  	_ =	shalt  }
0x48: {  	_ =	shalt  }
0x49: {  	_ =	shalt  }
0x4a: {  	_ =	shalt  }
0x4b: {  	_ =	shalt  }
0x4c: {  	_ =	shalt  }
0x4d: {  	_ =	shalt  }
0x4e: {  	_ =	shalt  }
0x4f: {  	_ =	shalt  }
0x50: {  	_ =	shalt  }
0x51: {  	_ =	shalt  }
0x52: {  	_ =	shalt  }
0x53: {  	_ =	shalt  }
0x54: {  	_ =	shalt  }
0x55: {  	_ =	shalt  }
0x56: {  	_ =	shalt  }
0x57: {  	_ =	shalt  }
0x58: {  	_ =	shalt  }
0x59: {  	_ =	shalt  }
0x5a: {  	_ =	shalt  }
0x5b: {  	_ =	shalt  }
0x5c: {  	_ =	shalt  }
0x5d: {  	_ =	shalt  }
0x5e: {  	_ =	shalt  }
0x5f: {  	_ =	shalt  }
0x60: {  	_ =	shalt  }
0x61: {  	_ =	shalt  }
0x62: {  	_ =	shalt  }
0x63: {  	_ =	shalt  }
0x64: {  	_ =	shalt  }
0x65: {  	_ =	shalt  }
0x66: {  	_ =	shalt  }
0x67: {  	_ =	shalt  }
0x68: {  	_ =	shalt  }
0x69: {  	_ =	shalt  }
0x6a: {  	_ =	shalt  }
0x6b: {  	_ =	shalt  }
0x6c: {  	_ =	shalt  }
0x6d: {  	_ =	shalt  }
0x6e: {  	_ =	shalt  }
0x6f: {  	_ =	shalt  }
0x70: {  	_ =	shalt  }
0x71: {  	_ =	shalt  }
0x72: {  	_ =	shalt  }
0x73: {  	_ =	shalt  }
0x74: {  	_ =	shalt  }
0x75: {  	_ =	shalt  }
0x76: {  	_ =	shalt  }
0x77: {  	_ =	shalt  }
0x78: {  	_ =	shalt  }
0x79: {  	_ =	shalt  }
0x7a: {  	_ =	shalt  }
0x7b: {  	_ =	shalt  }
0x7c: {  	_ =	shalt  }
0x7d: {  	_ =	shalt  }
0x7e: {  	_ =	shalt  }
0x7f: {  	_ =	shalt  }
0x80: {  	_ =	shalt  }
0x81: {  	_ =	shalt  }
0x82: {  	_ =	shalt  }
0x83: {  	_ =	shalt  }
0x84: {  	_ =	shalt  }
0x85: {  	_ =	shalt  }
0x86: {  	_ =	shalt  }
0x87: {  	_ =	shalt  }
.Lfunc_end0:
.L_simem_size_0:
called_computation.2_lowered:
.L_overlay_start_0:
0x88: {  	s2 =	sld [smem:$0x3FD9]  }
0x89: {  	s3 =	sld [smem:$0x3FFE];
	_ =	sdelay $0x1  }
0x8a: {  	s1 =	srdreg.scid  }
0x8b: {  	s0 =	sand.u32 $0x1, s1  }
0x8c: {  	s16 =	sshll.u32 s0, $0xA;
	s2 =	sadd.s32 s3, s2  }
0x8d: {  	s2 =	sadd.s32 s2, s16  }
0x8e: {  	[smem:$0x3FC0] =	sst s2  }
0x8f: {  	_ = 	snop  }
0x90: {  	(tm) =	ssettm $0x1  }
0x91: {  	s17 =	sld [smem:$0x3FFB];
	_ =	sdelay $0x3  }
0x92: {  	_ =	strace s17  }
0x93: {  	s2 =	sld [smem:$0x3FFC];
	_ =	sdelay $0x3  }
0x94: {  	_ =	strace s2  }
0x95: {  	s2 =	sld [smem:$0x3FFD];
	_ =	sdelay $0x3  }
0x96: {  	_ =	strace s2  }
0x97: {  	_ =	strace $0x8FFFFFFF  }
0x98: {  	s18 =	sld [smem:$0x3FDB];
	_ =	sdelay $0x1  }
0x99: {  	s19 =	simm.s32 $_scs_section_size  }
0x9a: {  	s4 =	simm.s32 $_size__tile_overlayer_lowered;
	s5 =	simm.s32 $_tile_overlayer_lowered  }
0x9b: {  	s22 =	simm.s32 $0x1BFF;
	s21 =	sshll.u32 s5, $0x1;
	s2 =	sadd.s32 s19, s18  }
0x9c: {  	s6 =	simm.s32 $0x0;
	s20 =	sshll.u32 s4, $0x1;
	s4 =	sadd.s32 s21, s2  }
0x9d: {  	[timem:s6], [sflag:s22] =	dma.local [hbm:s4], s20  }
0x9e: {  	_ =	swait.ge [sflag:s22], s20  }
0x9f: {  	s3 =	ssub.s32 $0x0, s20;
	[sflag:s22] =	ssyncset.done $0x0  }
0xa0: {  	[sflag:s22] =	ssyncadd.s32 s3;
	_ =	sdelay $0x1  }
0xa1: {  	s23 =	simm.s32 $0x1B8B  }
0xa2: {  	_ =	swait.ge [sflag:s23], $0x1  }
0xa3: {  	[sflag:s23] =	ssyncset.done $0x0  }
0xa4: {  	s25 =	simm.s32 $0x1B8E;
	s24 =	sld [smem:$0x3FFE];
	[sflag:s23] =	ssyncadd.s32 $0xFFFFFFFF  }
0xa5: {  	s26 =	simm.s32 $execute0_lowered;
	[smem:$0x3FD2] =	sst s25  }
0xa6: {  	s4 =	sshll.u32 s26, $0x1;
	_ =	strace $0x8000004C;
	[dreg:$0x1] =	wrdreg $0xFFFFFFFF  }
0xa7: {  	s28 =	simm.s32 $_size_execute0_lowered;
	s2 =	sadd.s32 s2, s4;
	[dreg:$0x0] =	wrdreg $0x0  }
0xa8: {  	s4 =	sshll.u32 s28, $0x1;
	[dreg:$0x2] =	wrdreg s2  }
0xa9: {  	[dreg:$0x3] =	wrdreg s4  }
0xaa: {  	[dreg:$0x4] =	wrdreg $0xC0  }
0xab: {  	_ =	task [dreg:s6], $0x5FFFF  }
0xac: {  	[dreg:$0x1] =	wrdreg $0xFFFFFFFF  }
0xad: {  	[dreg:$0x0] =	wrdreg $0x60  }
0xae: {  	[dreg:$0x2] =	wrdreg s24  }
0xaf: {  	[dreg:$0x3] =	wrdreg $0x0  }
0xb0: {  	[dreg:$0x4] =	wrdreg $0x9  }
0xb1: {  	_ =	task.clear_ibuf [dreg:s6], $0x5FFFF;
	_ =	strace $0x9000004C  }
0xb2: {  	s29 =	simm.s32 $0x9;
	_ =	strace $0x8000004E  }
0xb3: {  	_ =	swait.ge [sflag:s29], $0x1  }
0xb4: {  	[sflag:s29] =	ssyncadd.s32 $0xFFFFFFFF  }
0xb5: {  	_ =	strace $0x9000004E  }
0xb6: {  	_ =	sfence  }
0xb7: {  	s30 =	sld [smem:$0x0];
	_ =	sdelay $0x2  }
0xb8: {  	s31 =	sshll.u32 s1, $0xD;
	s1 =	sshrl.u32 s1, $0x2  }
0xb9: {  	s3 =	sand.u32 $0x4000, s31;
	s1 =	sadd.s32 s1, s30  }
0xba: {  	s0 =	sor.u32 s3, s0;
	s1 =	sshll.u32 s1, $0x11  }
0xbb: {  	s0 =	sor.u32 s1, s0  }
0xbc: {  	s0 =	sadd.s32 $0x8F2B, s0  }
0xbd: {  	[sflag:s0] =	ssyncadd.remote.s32 $0x1  }
0xbe: {  	_ =	sfence.sel $0xFFFF  }
0xbf: {  	[dreg:$0x0] =	wrdreg $0xFFFFFFFF;
	(pc) =	sbr.abs _section_cstart, $3  }
0xc0: {  	[dreg:$0x1] =	wrdreg $0xFFFFFFFF  }
0xc1: {  	_ =	task.clear_ibuf [dreg:s6], $0x2FFFF;
	_ =	strace $0x9FFFFFFF  }
0xc2: {  	(tm) =	ssettm $0x7FFFFFFF  }
0xc3: {  	_ =	shalt  }
tec
execute0_lowered:
.L_overlay_start_1:
0x0: {  	(tag) =	ssettag $0x1  }
0x1: {  	s0 =	rddreg [dreg:$0x0]  }
0x2: {  	s1 =	rddreg [dreg:$0x1];
	s2 =	simm.s32 $0x0;
	s18 =	stileid.u32  }
0x3: {  	s7 =	srdreg.scid;
	s20 =	simm.s32 $0xC380;
	s21 =	simm.s32 $0x2  }
0x4: {  	s28 =	simm.s32 $0x18C00;
	s30 =	simm.s32 $0x18C40;
	s31 =	simm.s32 $0x18C20  }
0x5: {  	s29 =	simm.s32 $0x20;
	s4 =	sadd.s32 $0x1E9A00, s0;
	s5 =	sadd.s32 $0x3D2A00, s0  }
0x6: {  	[smem:$0x7FF] =	sst s2;
	s6 =	sadd.s32 $0x202200, s0;
	s10 =	smul.u32 $0xC380, s18  }
0x7: {  	s9 =	sand.u32 $0x1, s7;
	s7 =	sadd.s32 $0x21AA00, s0;
	s8 =	smul.u32 $0x1870, s18  }
0x8: {  	s3 =	sadd.s32 $0x1400, s0;
	s15 =	smul.u32 $0x186A0, s18;
	s25 =	sadd.s32 $0x24B900, s0  }
0x9: {  	s11 =	sadd.s32 $0x32200, s0;
	s19 =	smul.u32 $0x30D4, s18;
	_ =	strace $0x8000004D  }
0xa: {  	s12 =	ssub.s32 $0x2, s9;
	p0 =	seq.s32 s9, $0x1;
	[dreg:$0x4] =	wrdreg s25  }
0xb: {  	s25 =	simm.s32 $0x1;
	s13 =	sshrl.u32 s10, $0x3;
	s14 =	sshrl.u32 s12, $0x1  }
0xc: {  	s16 =	sadd.s32 s8, s0;
	s22 =	sshrl.u32 s15, $0x3;
	s10 =	sadd.s32 s10, s1  }
0xd: {  	s18 =	sadd.s32 s19, s11;
	s19 =	sadd.s32 s19, s3;
	s13 =	sadd.s32 s13, s0  }
0xe: {  	s17 =	ssub.s32 s12, s14;
	s23 =	sadd.s32 $0x30D0, s22;
	s24 =	sadd.s32 $0x233200, s16  }
.Ltmp0:
0xf: {  	s26 =	sadd.s32 $0x264000, s16;
	s0 =	sadd.s32 $0x27C700, s0;
	(pc) =	sbr.rel .LBB2_1-.Ltmp0, $4  }
0x10: {  	s22 =	simm.s32 $0x18700;
	s9 =	sadd.s32 $0x3BA200, s13;
	[dreg:$0x3] =	wrdreg s24  }
0x11: {  	s12 =	sadd.s32 s3, s23;
	s14 =	sadd.s32 s11, s23;
	[dreg:$0x5] =	wrdreg s26  }
0x12: {  	[dreg:$0x6] =	wrdreg s0;
	s17 =	smax.u32 s17, $0x1;
	s23 =	simm.s32 $0x80  }
0x13: {  	s24 =	simm.s32 $0x18800;
	s26 =	simm.s32 $0x18780;
	s0 =	simm.s32 $0x0  }
.LBB2_11:
0x14: {  	s11 =	sadd.s32 s3, s19;
	[sflag:s21] =	ssyncadd.s32 $0xFFFFFC00  }
0x15: {  	[tilespmem:s22], [sflag:$0x2] =	stream.linear.gather [hbm4b:s11+s2], $0x80, $0x38;
	[tilespmem:$0x18D40] =	vst v63  }
0x16: {  	_ =	swait.ge [sflag:s21], $0x80  }
0x17: {  	[sflag:s21] =	ssyncset.done $0x0  }
0x18: {  	[sflag:s21] =	ssyncadd.s32 $0xFFFFFF80  }
0x19: {  	[tilespmem:s24], [sflag:$0x1] =	stream.indirect.gather [hbm4b:s7+s23], $0x8, s22, s23, $0xb8;
	[tilespmem:$0x18D40] =	vst v63  }
0x1a: {  	_ =	swait.ge [sflag:s25], $0x400  }
0x1b: {  	[sflag:s25] =	ssyncset.done $0x0  }
0x1c: {  	s16 =	sadd.s32 s3, s18;
	[sflag:s25] =	ssyncadd.s32 $0xFFFFFC00  }
0x1d: {  	[tilespmem:s26], [sflag:$0x2] =	stream.linear.gather [hbm4b:s16+s2], $0x80, $0x38;
	[tilespmem:$0x18D40] =	vst v63  }
0x1e: {  	_ =	swait.ge [sflag:s21], $0x80  }
0x1f: {  	[sflag:s21] =	ssyncset.done $0x0  }
0x20: {  	[sflag:s21] =	ssyncadd.s32 $0xFFFFFF80  }
0x21: {  	[spmem:s1] =	stream.indirect.scatter.add.f32 [tilespmem:s24], [sflag:$0x2], $0x8, s26, s23, $0xb8;
	[tilespmem:$0x18D40] =	vst v63  }
0x22: {  	_ =	swait.ge [sflag:s21], $0x400  }
0x23: {  	[sflag:s21] =	ssyncset.done $0x0  }
0x24: {  	s11 =	smov.u32 s7;
	s3 =	rddreg [dreg:$0x6];
	[sflag:s21] =	ssyncadd.s32 $0xFFFFFC00  }
.LBB2_12:
0x25: {  	[tilespmem:s28], [sflag:$0x2] =	stream.linear.gather [hbm4b:s12+s2], $0x20, $0x38;
	[tilespmem:$0x18D40] =	vst v63  }
0x26: {  	_ =	swait.ge [sflag:s21], $0x20  }
0x27: {  	[sflag:s21] =	ssyncset.done $0x0  }
0x28: {  	[sflag:s21] =	ssyncadd.s32 $0xFFFFFFE0  }
0x29: {  	[tilespmem:s30], [sflag:$0x1] =	stream.indirect.gather [hbm4b:s11+s29], $0x8, s28, s29, $0xb8;
	[tilespmem:$0x18D40] =	vst v63  }
0x2a: {  	_ =	swait.ge [sflag:s25], $0x100  }
0x2b: {  	[sflag:s25] =	ssyncset.done $0x0  }
0x2c: {  	[sflag:s25] =	ssyncadd.s32 $0xFFFFFF00  }
0x2d: {  	[tilespmem:s31], [sflag:$0x2] =	stream.linear.gather [hbm4b:s14+s2], $0x20, $0x38;
	[tilespmem:$0x18D40] =	vst v63  }
0x2e: {  	_ =	swait.ge [sflag:s21], $0x20  }
0x2f: {  	[sflag:s21] =	ssyncset.done $0x0  }
0x30: {  	[sflag:s21] =	ssyncadd.s32 $0xFFFFFFE0  }
0x31: {  	[spmem:s1] =	stream.indirect.scatter.add.f32 [tilespmem:s30], [sflag:$0x2], $0x8, s31, s29, $0xb8;
	[tilespmem:$0x18D40] =	vst v63  }
0x32: {  	_ =	swait.ge [sflag:s21], $0x100  }
0x33: {  	[sflag:s21] =	ssyncset.done $0x0  }
0x34: {  	[sflag:s21] =	ssyncadd.s32 $0xFFFFFF00  }
0x35: {  	[bflag:$0x0] =	sbarrier.arrive $0xFFFF  }
0x36: {  	[tilespmem:s20], [sflag:$0x2] =	stream.linear.gather [spmem:s10], $0xC380, $0x38;
	[tilespmem:$0x18D40] =	vst v63  }
0x37: {  	s0 =	sadd.s32 $0x1, s0;
	_ =	swait.ge [sflag:s21], $0xC380  }
0x38: {  	p1 =	sne.s32 s0, s17;
	[sflag:s21] =	ssyncset.done $0x0  }
.Ltmp1:
0x39: {  	s3 =	sadd.s32 s8, s3;
	[sflag:s21] =	ssyncadd.s32 $0xFFFF3C80;
	(pc) =	sbr.rel @!p1 .LBB2_13-.Ltmp1, $4  }
0x3a: {  	[hbm4b:s3+s2] =	stream.linear.scatter [tilespmem:s20], [sflag:$0x2], $0xC380, $0x38;
	[tilespmem:$0x18D40] =	vst v63  }
0x3b: {  	_ =	swait.ge [sflag:s21], $0xC380  }
0x3c: {  	[sflag:s21] =	ssyncset.done $0x0  }
0x3d: {  	[sflag:s21] =	ssyncadd.s32 $0xFFFF3C80  }
.LBB2_1:
0x3e: {  	[tilespmem:s20], [sflag:$0x2] =	stream.linear.gather [hbm4b:s9+s2], $0xC380, $0x38;
	[tilespmem:$0x18D40] =	vst v63  }
0x3f: {  	_ =	swait.ge [sflag:s21], $0xC380  }
0x40: {  	[sflag:s21] =	ssyncset.done $0x0  }
0x41: {  	[sflag:s21] =	ssyncadd.s32 $0xFFFF3C80  }
0x42: {  	[spmem:s10] =	stream.linear.scatter [tilespmem:s20], [sflag:$0x2], $0xC380, $0x38;
	[tilespmem:$0x18D40] =	vst v63  }
.Ltmp2:
0x43: {  	_ =	swait.ge [sflag:s21], $0xC380;
	(pc) =	sbr.rel @!p0 .LBB2_2-.Ltmp2, $4  }
0x44: {  	[sflag:s21] =	ssyncset.done $0x0  }
0x45: {  	[sflag:s21] =	ssyncadd.s32 $0xFFFF3C80  }
0x46: {  	[bflag:$0x0] =	sbarrier.arrive $0xFFFF  }
0x47: {  	s3 =	sadd.s32 $0x0, s19  }
0x48: {  	[tilespmem:s22], [sflag:$0x2] =	stream.linear.gather [hbm4b:s3+s2], $0x80, $0x38;
	[tilespmem:$0x18D40] =	vst v63  }
0x49: {  	_ =	swait.ge [sflag:s21], $0x80  }
0x4a: {  	[sflag:s21] =	ssyncset.done $0x0  }
0x4b: {  	[sflag:s21] =	ssyncadd.s32 $0xFFFFFF80  }
0x4c: {  	[tilespmem:s24], [sflag:$0x1] =	stream.indirect.gather [hbm4b:s6+s23], $0x8, s22, s23, $0xb8;
	[tilespmem:$0x18D40] =	vst v63  }
0x4d: {  	_ =	swait.ge [sflag:s25], $0x400  }
0x4e: {  	[sflag:s25] =	ssyncset.done $0x0  }
0x4f: {  	s16 =	sadd.s32 $0x0, s18;
	[sflag:s25] =	ssyncadd.s32 $0xFFFFFC00  }
0x50: {  	[tilespmem:s26], [sflag:$0x2] =	stream.linear.gather [hbm4b:s16+s2], $0x80, $0x38;
	[tilespmem:$0x18D40] =	vst v63  }
0x51: {  	_ =	swait.ge [sflag:s21], $0x80  }
0x52: {  	[sflag:s21] =	ssyncset.done $0x0  }
0x53: {  	[sflag:s21] =	ssyncadd.s32 $0xFFFFFF80  }
0x54: {  	[spmem:s1] =	stream.indirect.scatter.add.f32 [tilespmem:s24], [sflag:$0x2], $0x8, s26, s23, $0xb8;
	[tilespmem:$0x18D40] =	vst v63  }
0x55: {  	_ =	swait.ge [sflag:s21], $0x400  }
0x56: {  	s3 =	simm.s32 $0x10;
	s11 =	simm.s32 $0x20;
	[sflag:s21] =	ssyncset.done $0x0  }
.LBB2_8:
0x57: {  	s13 =	sadd.s32 s3, s19  }
0x58: {  	[sflag:s21] =	ssyncadd.s32 $0xFFFFFC00;
	s15 =	smov.u32 s11;
	s16 =	sadd.s32 $0x10, s11  }
0x59: {  	[tilespmem:s22], [sflag:$0x2] =	stream.linear.gather [hbm4b:s13+s2], $0x80, $0x38;
	[tilespmem:$0x18D40] =	vst v63  }
0x5a: {  	p1 =	sne.s32 s11, $0x30C0;
	_ =	swait.ge [sflag:s21], $0x80  }
0x5b: {  	[sflag:s21] =	ssyncset.done $0x0  }
0x5c: {  	[sflag:s21] =	ssyncadd.s32 $0xFFFFFF80  }
0x5d: {  	[tilespmem:s24], [sflag:$0x1] =	stream.indirect.gather [hbm4b:s6+s23], $0x8, s22, s23, $0xb8;
	[tilespmem:$0x18D40] =	vst v63  }
0x5e: {  	_ =	swait.ge [sflag:s25], $0x400  }
0x5f: {  	[sflag:s25] =	ssyncset.done $0x0  }
0x60: {  	s11 =	sadd.s32 s3, s18;
	s3 =	smov.u32 s15;
	[sflag:s25] =	ssyncadd.s32 $0xFFFFFC00  }
0x61: {  	[tilespmem:s26], [sflag:$0x2] =	stream.linear.gather [hbm4b:s11+s2], $0x80, $0x38;
	[tilespmem:$0x18D40] =	vst v63  }
0x62: {  	_ =	swait.ge [sflag:s21], $0x80  }
.Ltmp3:
0x63: {  	[sflag:s21] =	ssyncset.done $0x0;
	(pc) =	sbr.rel @p1 .LBB2_8-.Ltmp3, $4  }
0x64: {  	[sflag:s21] =	ssyncadd.s32 $0xFFFFFF80  }
0x65: {  	[spmem:s1] =	stream.indirect.scatter.add.f32 [tilespmem:s24], [sflag:$0x2], $0x8, s26, s23, $0xb8;
	[tilespmem:$0x18D40] =	vst v63  }
0x66: {  	_ =	swait.ge [sflag:s21], $0x400  }
0x67: {  	s11 =	smov.u32 s16;
	[sflag:s21] =	ssyncset.done $0x0  }
0x68: {  	s11 =	sadd.s32 s3, s19;
	[sflag:s21] =	ssyncadd.s32 $0xFFFFFC00  }
0x69: {  	[tilespmem:s22], [sflag:$0x2] =	stream.linear.gather [hbm4b:s11+s2], $0x80, $0x38;
	[tilespmem:$0x18D40] =	vst v63  }
0x6a: {  	_ =	swait.ge [sflag:s21], $0x80  }
0x6b: {  	[sflag:s21] =	ssyncset.done $0x0  }
0x6c: {  	[sflag:s21] =	ssyncadd.s32 $0xFFFFFF80  }
0x6d: {  	[tilespmem:s24], [sflag:$0x1] =	stream.indirect.gather [hbm4b:s6+s23], $0x8, s22, s23, $0xb8;
	[tilespmem:$0x18D40] =	vst v63  }
0x6e: {  	_ =	swait.ge [sflag:s25], $0x400  }
0x6f: {  	[sflag:s25] =	ssyncset.done $0x0  }
0x70: {  	s15 =	sadd.s32 s3, s18;
	[sflag:s25] =	ssyncadd.s32 $0xFFFFFC00  }
0x71: {  	[tilespmem:s26], [sflag:$0x2] =	stream.linear.gather [hbm4b:s15+s2], $0x80, $0x38;
	[tilespmem:$0x18D40] =	vst v63  }
0x72: {  	_ =	swait.ge [sflag:s21], $0x80  }
0x73: {  	[sflag:s21] =	ssyncset.done $0x0  }
0x74: {  	[sflag:s21] =	ssyncadd.s32 $0xFFFFFF80  }
0x75: {  	[spmem:s1] =	stream.indirect.scatter.add.f32 [tilespmem:s24], [sflag:$0x2], $0x8, s26, s23, $0xb8;
	[tilespmem:$0x18D40] =	vst v63  }
0x76: {  	_ =	swait.ge [sflag:s21], $0x400  }
0x77: {  	[sflag:s21] =	ssyncset.done $0x0  }
0x78: {  	s16 =	simm.s32 $0x0;
	[sflag:s21] =	ssyncadd.s32 $0xFFFFFC00  }
0x79: {  	[tilespmem:s28], [sflag:$0x2] =	stream.linear.gather [hbm4b:s12+s16], $0x20, $0x38;
	[tilespmem:$0x18D40] =	vst v63  }
0x7a: {  	_ =	swait.ge [sflag:s21], $0x20  }
0x7b: {  	[sflag:s21] =	ssyncset.done $0x0  }
0x7c: {  	[sflag:s21] =	ssyncadd.s32 $0xFFFFFFE0  }
0x7d: {  	[tilespmem:s30], [sflag:$0x1] =	stream.indirect.gather [hbm4b:s6+s29], $0x8, s28, s29, $0xb8;
	[tilespmem:$0x18D40] =	vst v63  }
0x7e: {  	_ =	swait.ge [sflag:s25], $0x100  }
0x7f: {  	[sflag:s25] =	ssyncset.done $0x0  }
0x80: {  	[sflag:s25] =	ssyncadd.s32 $0xFFFFFF00  }
0x81: {  	[tilespmem:s31], [sflag:$0x2] =	stream.linear.gather [hbm4b:s14+s16], $0x20, $0x38;
	[tilespmem:$0x18D40] =	vst v63  }
0x82: {  	_ =	swait.ge [sflag:s21], $0x20  }
0x83: {  	[sflag:s21] =	ssyncset.done $0x0  }
0x84: {  	[sflag:s21] =	ssyncadd.s32 $0xFFFFFFE0  }
0x85: {  	[spmem:s1] =	stream.indirect.scatter.add.f32 [tilespmem:s30], [sflag:$0x2], $0x8, s31, s29, $0xb8;
	[tilespmem:$0x18D40] =	vst v63  }
0x86: {  	_ =	swait.ge [sflag:s21], $0x100  }
0x87: {  	[sflag:s21] =	ssyncset.done $0x0  }
0x88: {  	[sflag:s21] =	ssyncadd.s32 $0xFFFFFF00  }
0x89: {  	[bflag:$0x0] =	sbarrier.arrive $0xFFFF  }
0x8a: {  	[tilespmem:s20], [sflag:$0x2] =	stream.linear.gather [spmem:s10], $0xC380, $0x38;
	[tilespmem:$0x18D40] =	vst v63  }
0x8b: {  	_ =	swait.ge [sflag:s21], $0xC380  }
0x8c: {  	[sflag:s21] =	ssyncset.done $0x0  }
0x8d: {  	s13 =	rddreg [dreg:$0x5];
	[sflag:s21] =	ssyncadd.s32 $0xFFFF3C80  }
0x8e: {  	[hbm4b:s13+s16] =	stream.linear.scatter [tilespmem:s20], [sflag:$0x2], $0xC380, $0x38;
	[tilespmem:$0x18D40] =	vst v63  }
0x8f: {  	_ =	swait.ge [sflag:s21], $0xC380  }
0x90: {  	[sflag:s21] =	ssyncset.done $0x0  }
0x91: {  	[sflag:s21] =	ssyncadd.s32 $0xFFFF3C80  }
0x92: {  	[tilespmem:s20], [sflag:$0x2] =	stream.linear.gather [hbm4b:s9+s16], $0xC380, $0x38;
	[tilespmem:$0x18D40] =	vst v63  }
0x93: {  	_ =	swait.ge [sflag:s21], $0xC380  }
0x94: {  	[sflag:s21] =	ssyncset.done $0x0  }
0x95: {  	[sflag:s21] =	ssyncadd.s32 $0xFFFF3C80  }
0x96: {  	[spmem:s10] =	stream.linear.scatter [tilespmem:s20], [sflag:$0x2], $0xC380, $0x38;
	[tilespmem:$0x18D40] =	vst v63  }
0x97: {  	_ =	swait.ge [sflag:s21], $0xC380  }
0x98: {  	[sflag:s21] =	ssyncset.done $0x0  }
0x99: {  	[sflag:s21] =	ssyncadd.s32 $0xFFFF3C80  }
0x9a: {  	s15 =	sadd.s32 $0x0, s19;
	[bflag:$0x0] =	sbarrier.arrive $0xFFFF  }
0x9b: {  	[tilespmem:s22], [sflag:$0x2] =	stream.linear.gather [hbm4b:s15+s2], $0x80, $0x38;
	[tilespmem:$0x18D40] =	vst v63  }
0x9c: {  	_ =	swait.ge [sflag:s21], $0x80  }
0x9d: {  	[sflag:s21] =	ssyncset.done $0x0  }
0x9e: {  	[sflag:s21] =	ssyncadd.s32 $0xFFFFFF80  }
0x9f: {  	[tilespmem:s24], [sflag:$0x1] =	stream.indirect.gather [hbm4b:s7+s23], $0x8, s22, s23, $0xb8;
	[tilespmem:$0x18D40] =	vst v63  }
0xa0: {  	_ =	swait.ge [sflag:s25], $0x400  }
0xa1: {  	[sflag:s25] =	ssyncset.done $0x0  }
0xa2: {  	s16 =	sadd.s32 $0x0, s18;
	[sflag:s25] =	ssyncadd.s32 $0xFFFFFC00  }
0xa3: {  	[tilespmem:s26], [sflag:$0x2] =	stream.linear.gather [hbm4b:s16+s2], $0x80, $0x38;
	[tilespmem:$0x18D40] =	vst v63  }
0xa4: {  	_ =	swait.ge [sflag:s21], $0x80  }
0xa5: {  	[sflag:s21] =	ssyncset.done $0x0  }
0xa6: {  	[sflag:s21] =	ssyncadd.s32 $0xFFFFFF80  }
0xa7: {  	[spmem:s1] =	stream.indirect.scatter.add.f32 [tilespmem:s24], [sflag:$0x2], $0x8, s26, s23, $0xb8;
	[tilespmem:$0x18D40] =	vst v63  }
0xa8: {  	_ =	swait.ge [sflag:s21], $0x400  }
0xa9: {  	s3 =	simm.s32 $0x10;
	s11 =	simm.s32 $0x20;
	[sflag:s21] =	ssyncset.done $0x0  }
.LBB2_10:
0xaa: {  	s13 =	sadd.s32 s3, s19  }
0xab: {  	[sflag:s21] =	ssyncadd.s32 $0xFFFFFC00;
	s15 =	smov.u32 s11;
	s16 =	sadd.s32 $0x10, s11  }
0xac: {  	[tilespmem:s22], [sflag:$0x2] =	stream.linear.gather [hbm4b:s13+s2], $0x80, $0x38;
	[tilespmem:$0x18D40] =	vst v63  }
0xad: {  	p1 =	sne.s32 s11, $0x30C0;
	_ =	swait.ge [sflag:s21], $0x80  }
0xae: {  	[sflag:s21] =	ssyncset.done $0x0  }
0xaf: {  	[sflag:s21] =	ssyncadd.s32 $0xFFFFFF80  }
0xb0: {  	[tilespmem:s24], [sflag:$0x1] =	stream.indirect.gather [hbm4b:s7+s23], $0x8, s22, s23, $0xb8;
	[tilespmem:$0x18D40] =	vst v63  }
0xb1: {  	_ =	swait.ge [sflag:s25], $0x400  }
0xb2: {  	[sflag:s25] =	ssyncset.done $0x0  }
0xb3: {  	s11 =	sadd.s32 s3, s18;
	s3 =	smov.u32 s15;
	[sflag:s25] =	ssyncadd.s32 $0xFFFFFC00  }
0xb4: {  	[tilespmem:s26], [sflag:$0x2] =	stream.linear.gather [hbm4b:s11+s2], $0x80, $0x38;
	[tilespmem:$0x18D40] =	vst v63  }
0xb5: {  	_ =	swait.ge [sflag:s21], $0x80  }
.Ltmp4:
0xb6: {  	[sflag:s21] =	ssyncset.done $0x0;
	(pc) =	sbr.rel @p1 .LBB2_10-.Ltmp4, $4  }
0xb7: {  	[sflag:s21] =	ssyncadd.s32 $0xFFFFFF80  }
0xb8: {  	[spmem:s1] =	stream.indirect.scatter.add.f32 [tilespmem:s24], [sflag:$0x2], $0x8, s26, s23, $0xb8;
	[tilespmem:$0x18D40] =	vst v63  }
0xb9: {  	_ =	swait.ge [sflag:s21], $0x400  }
0xba: {  	s11 =	smov.u32 s16;
	[sflag:s21] =	ssyncset.done $0x0  }
.Ltmp5:
0xbb: {  	_ = 	snop;
	(pc) =	sbr.rel .LBB2_11-.Ltmp5, $1  }
0xbc: {  	_ =	sdelay $0x3  }
.LBB2_2:
0xbd: {  	[tilespmem:s22], [sflag:$0x2] =	stream.linear.gather [hbm4b:s3+s2], $0x80, $0x38;
	[tilespmem:$0x18D40] =	vst v63  }
0xbe: {  	_ =	swait.ge [sflag:s21], $0x80  }
0xbf: {  	[sflag:s21] =	ssyncset.done $0x0  }
0xc0: {  	[sflag:s21] =	ssyncadd.s32 $0xFFFFFF80  }
0xc1: {  	[tilespmem:s24], [sflag:$0x1] =	stream.indirect.gather [hbm4b:s4+s23], $0x8, s22, s23, $0xb8;
	[tilespmem:$0x18D40] =	vst v63  }
0xc2: {  	_ =	swait.ge [sflag:s25], $0x400  }
0xc3: {  	[sflag:s25] =	ssyncset.done $0x0  }
0xc4: {  	s16 =	sadd.s32 $0x0, s18;
	[sflag:s25] =	ssyncadd.s32 $0xFFFFFC00  }
0xc5: {  	[tilespmem:s26], [sflag:$0x2] =	stream.linear.gather [hbm4b:s16+s2], $0x80, $0x38;
	[tilespmem:$0x18D40] =	vst v63  }
0xc6: {  	_ =	swait.ge [sflag:s21], $0x80  }
0xc7: {  	[sflag:s21] =	ssyncset.done $0x0  }
0xc8: {  	[sflag:s21] =	ssyncadd.s32 $0xFFFFFF80  }
0xc9: {  	[spmem:s1] =	stream.indirect.scatter.add.f32 [tilespmem:s24], [sflag:$0x2], $0x8, s26, s23, $0xb8;
	[tilespmem:$0x18D40] =	vst v63  }
0xca: {  	_ =	swait.ge [sflag:s21], $0x400  }
0xcb: {  	s3 =	simm.s32 $0x10;
	s11 =	simm.s32 $0x20;
	[sflag:s21] =	ssyncset.done $0x0  }
.LBB2_3:
0xcc: {  	s15 =	sadd.s32 s3, s19  }
0xcd: {  	[sflag:s21] =	ssyncadd.s32 $0xFFFFFC00;
	s13 =	smov.u32 s11;
	s16 =	sadd.s32 $0x10, s11  }
0xce: {  	[tilespmem:s22], [sflag:$0x2] =	stream.linear.gather [hbm4b:s15+s2], $0x80, $0x38;
	[tilespmem:$0x18D40] =	vst v63  }
0xcf: {  	p1 =	sne.s32 s11, $0x30C0;
	_ =	swait.ge [sflag:s21], $0x80  }
0xd0: {  	[sflag:s21] =	ssyncset.done $0x0  }
0xd1: {  	[sflag:s21] =	ssyncadd.s32 $0xFFFFFF80  }
0xd2: {  	[tilespmem:s24], [sflag:$0x1] =	stream.indirect.gather [hbm4b:s4+s23], $0x8, s22, s23, $0xb8;
	[tilespmem:$0x18D40] =	vst v63  }
0xd3: {  	_ =	swait.ge [sflag:s25], $0x400  }
0xd4: {  	[sflag:s25] =	ssyncset.done $0x0  }
0xd5: {  	s11 =	sadd.s32 s3, s18;
	s3 =	smov.u32 s13;
	[sflag:s25] =	ssyncadd.s32 $0xFFFFFC00  }
0xd6: {  	[tilespmem:s26], [sflag:$0x2] =	stream.linear.gather [hbm4b:s11+s2], $0x80, $0x38;
	[tilespmem:$0x18D40] =	vst v63  }
0xd7: {  	_ =	swait.ge [sflag:s21], $0x80  }
.Ltmp6:
0xd8: {  	[sflag:s21] =	ssyncset.done $0x0;
	(pc) =	sbr.rel @p1 .LBB2_3-.Ltmp6, $4  }
0xd9: {  	[sflag:s21] =	ssyncadd.s32 $0xFFFFFF80  }
0xda: {  	[spmem:s1] =	stream.indirect.scatter.add.f32 [tilespmem:s24], [sflag:$0x2], $0x8, s26, s23, $0xb8;
	[tilespmem:$0x18D40] =	vst v63  }
0xdb: {  	_ =	swait.ge [sflag:s21], $0x400  }
0xdc: {  	s11 =	smov.u32 s16;
	[sflag:s21] =	ssyncset.done $0x0  }
0xdd: {  	s11 =	sadd.s32 s3, s19;
	[sflag:s21] =	ssyncadd.s32 $0xFFFFFC00  }
0xde: {  	[tilespmem:s22], [sflag:$0x2] =	stream.linear.gather [hbm4b:s11+s2], $0x80, $0x38;
	[tilespmem:$0x18D40] =	vst v63  }
0xdf: {  	_ =	swait.ge [sflag:s21], $0x80  }
0xe0: {  	[sflag:s21] =	ssyncset.done $0x0  }
0xe1: {  	[sflag:s21] =	ssyncadd.s32 $0xFFFFFF80  }
0xe2: {  	[tilespmem:s24], [sflag:$0x1] =	stream.indirect.gather [hbm4b:s4+s23], $0x8, s22, s23, $0xb8;
	[tilespmem:$0x18D40] =	vst v63  }
0xe3: {  	_ =	swait.ge [sflag:s25], $0x400  }
0xe4: {  	[sflag:s25] =	ssyncset.done $0x0  }
0xe5: {  	s15 =	sadd.s32 s3, s18;
	[sflag:s25] =	ssyncadd.s32 $0xFFFFFC00  }
0xe6: {  	[tilespmem:s26], [sflag:$0x2] =	stream.linear.gather [hbm4b:s15+s2], $0x80, $0x38;
	[tilespmem:$0x18D40] =	vst v63  }
0xe7: {  	_ =	swait.ge [sflag:s21], $0x80  }
0xe8: {  	[sflag:s21] =	ssyncset.done $0x0  }
0xe9: {  	[sflag:s21] =	ssyncadd.s32 $0xFFFFFF80  }
0xea: {  	[spmem:s1] =	stream.indirect.scatter.add.f32 [tilespmem:s24], [sflag:$0x2], $0x8, s26, s23, $0xb8;
	[tilespmem:$0x18D40] =	vst v63  }
0xeb: {  	_ =	swait.ge [sflag:s21], $0x400  }
0xec: {  	[sflag:s21] =	ssyncset.done $0x0  }
0xed: {  	s16 =	simm.s32 $0x0;
	[sflag:s21] =	ssyncadd.s32 $0xFFFFFC00  }
0xee: {  	[tilespmem:s28], [sflag:$0x2] =	stream.linear.gather [hbm4b:s12+s16], $0x20, $0x38;
	[tilespmem:$0x18D40] =	vst v63  }
0xef: {  	_ =	swait.ge [sflag:s21], $0x20  }
0xf0: {  	[sflag:s21] =	ssyncset.done $0x0  }
0xf1: {  	[sflag:s21] =	ssyncadd.s32 $0xFFFFFFE0  }
0xf2: {  	[tilespmem:s30], [sflag:$0x1] =	stream.indirect.gather [hbm4b:s4+s29], $0x8, s28, s29, $0xb8;
	[tilespmem:$0x18D40] =	vst v63  }
0xf3: {  	_ =	swait.ge [sflag:s25], $0x100  }
0xf4: {  	[sflag:s25] =	ssyncset.done $0x0  }
0xf5: {  	[sflag:s25] =	ssyncadd.s32 $0xFFFFFF00  }
0xf6: {  	[tilespmem:s31], [sflag:$0x2] =	stream.linear.gather [hbm4b:s14+s16], $0x20, $0x38;
	[tilespmem:$0x18D40] =	vst v63  }
0xf7: {  	_ =	swait.ge [sflag:s21], $0x20  }
0xf8: {  	[sflag:s21] =	ssyncset.done $0x0  }
0xf9: {  	[sflag:s21] =	ssyncadd.s32 $0xFFFFFFE0  }
0xfa: {  	[spmem:s1] =	stream.indirect.scatter.add.f32 [tilespmem:s30], [sflag:$0x2], $0x8, s31, s29, $0xb8;
	[tilespmem:$0x18D40] =	vst v63  }
0xfb: {  	_ =	swait.ge [sflag:s21], $0x100  }
0xfc: {  	[sflag:s21] =	ssyncset.done $0x0  }
0xfd: {  	[sflag:s21] =	ssyncadd.s32 $0xFFFFFF00  }
0xfe: {  	[bflag:$0x0] =	sbarrier.arrive $0xFFFF  }
0xff: {  	[tilespmem:s20], [sflag:$0x2] =	stream.linear.gather [spmem:s10], $0xC380, $0x38;
	[tilespmem:$0x18D40] =	vst v63  }
0x100: {  	_ =	swait.ge [sflag:s21], $0xC380  }
0x101: {  	[sflag:s21] =	ssyncset.done $0x0  }
0x102: {  	s13 =	rddreg [dreg:$0x3];
	[sflag:s21] =	ssyncadd.s32 $0xFFFF3C80  }
0x103: {  	[hbm4b:s13+s16] =	stream.linear.scatter [tilespmem:s20], [sflag:$0x2], $0xC380, $0x38;
	[tilespmem:$0x18D40] =	vst v63  }
0x104: {  	_ =	swait.ge [sflag:s21], $0xC380  }
0x105: {  	[sflag:s21] =	ssyncset.done $0x0  }
0x106: {  	[sflag:s21] =	ssyncadd.s32 $0xFFFF3C80  }
0x107: {  	[tilespmem:s20], [sflag:$0x2] =	stream.linear.gather [hbm4b:s9+s16], $0xC380, $0x38;
	[tilespmem:$0x18D40] =	vst v63  }
0x108: {  	_ =	swait.ge [sflag:s21], $0xC380  }
0x109: {  	[sflag:s21] =	ssyncset.done $0x0  }
0x10a: {  	[sflag:s21] =	ssyncadd.s32 $0xFFFF3C80  }
0x10b: {  	[spmem:s10] =	stream.linear.scatter [tilespmem:s20], [sflag:$0x2], $0xC380, $0x38;
	[tilespmem:$0x18D40] =	vst v63  }
0x10c: {  	_ =	swait.ge [sflag:s21], $0xC380  }
0x10d: {  	[sflag:s21] =	ssyncset.done $0x0  }
0x10e: {  	[sflag:s21] =	ssyncadd.s32 $0xFFFF3C80  }
0x10f: {  	s15 =	sadd.s32 $0x0, s19;
	[bflag:$0x0] =	sbarrier.arrive $0xFFFF  }
0x110: {  	[tilespmem:s22], [sflag:$0x2] =	stream.linear.gather [hbm4b:s15+s2], $0x80, $0x38;
	[tilespmem:$0x18D40] =	vst v63  }
0x111: {  	_ =	swait.ge [sflag:s21], $0x80  }
0x112: {  	[sflag:s21] =	ssyncset.done $0x0  }
0x113: {  	[sflag:s21] =	ssyncadd.s32 $0xFFFFFF80  }
0x114: {  	[tilespmem:s24], [sflag:$0x1] =	stream.indirect.gather [hbm4b:s5+s23], $0x8, s22, s23, $0xb8;
	[tilespmem:$0x18D40] =	vst v63  }
0x115: {  	_ =	swait.ge [sflag:s25], $0x400  }
0x116: {  	[sflag:s25] =	ssyncset.done $0x0  }
0x117: {  	s16 =	sadd.s32 $0x0, s18;
	[sflag:s25] =	ssyncadd.s32 $0xFFFFFC00  }
0x118: {  	[tilespmem:s26], [sflag:$0x2] =	stream.linear.gather [hbm4b:s16+s2], $0x80, $0x38;
	[tilespmem:$0x18D40] =	vst v63  }
0x119: {  	_ =	swait.ge [sflag:s21], $0x80  }
0x11a: {  	[sflag:s21] =	ssyncset.done $0x0  }
0x11b: {  	[sflag:s21] =	ssyncadd.s32 $0xFFFFFF80  }
0x11c: {  	[spmem:s1] =	stream.indirect.scatter.add.f32 [tilespmem:s24], [sflag:$0x2], $0x8, s26, s23, $0xb8;
	[tilespmem:$0x18D40] =	vst v63  }
0x11d: {  	_ =	swait.ge [sflag:s21], $0x400  }
0x11e: {  	s3 =	simm.s32 $0x10;
	s11 =	simm.s32 $0x20;
	[sflag:s21] =	ssyncset.done $0x0  }
.LBB2_5:
0x11f: {  	s13 =	sadd.s32 s3, s19  }
0x120: {  	[sflag:s21] =	ssyncadd.s32 $0xFFFFFC00;
	s15 =	smov.u32 s11;
	s16 =	sadd.s32 $0x10, s11  }
0x121: {  	[tilespmem:s22], [sflag:$0x2] =	stream.linear.gather [hbm4b:s13+s2], $0x80, $0x38;
	[tilespmem:$0x18D40] =	vst v63  }
0x122: {  	p1 =	seq.s32 s11, $0x30C0;
	_ =	swait.ge [sflag:s21], $0x80  }
0x123: {  	[sflag:s21] =	ssyncset.done $0x0  }
0x124: {  	[sflag:s21] =	ssyncadd.s32 $0xFFFFFF80  }
0x125: {  	[tilespmem:s24], [sflag:$0x1] =	stream.indirect.gather [hbm4b:s5+s23], $0x8, s22, s23, $0xb8;
	[tilespmem:$0x18D40] =	vst v63  }
0x126: {  	_ =	swait.ge [sflag:s25], $0x400  }
0x127: {  	[sflag:s25] =	ssyncset.done $0x0  }
0x128: {  	s11 =	sadd.s32 s3, s18;
	s3 =	smov.u32 s15;
	[sflag:s25] =	ssyncadd.s32 $0xFFFFFC00  }
0x129: {  	[tilespmem:s26], [sflag:$0x2] =	stream.linear.gather [hbm4b:s11+s2], $0x80, $0x38;
	[tilespmem:$0x18D40] =	vst v63  }
0x12a: {  	_ =	swait.ge [sflag:s21], $0x80  }
.Ltmp7:
0x12b: {  	[sflag:s21] =	ssyncset.done $0x0;
	(pc) =	sbr.rel @!p1 .LBB2_5-.Ltmp7, $4  }
0x12c: {  	[sflag:s21] =	ssyncadd.s32 $0xFFFFFF80  }
0x12d: {  	[spmem:s1] =	stream.indirect.scatter.add.f32 [tilespmem:s24], [sflag:$0x2], $0x8, s26, s23, $0xb8;
	[tilespmem:$0x18D40] =	vst v63  }
0x12e: {  	_ =	swait.ge [sflag:s21], $0x400  }
0x12f: {  	s11 =	smov.u32 s16;
	[sflag:s21] =	ssyncset.done $0x0  }
0x130: {  	s11 =	sadd.s32 s3, s19;
	[sflag:s21] =	ssyncadd.s32 $0xFFFFFC00  }
0x131: {  	[tilespmem:s22], [sflag:$0x2] =	stream.linear.gather [hbm4b:s11+s2], $0x80, $0x38;
	[tilespmem:$0x18D40] =	vst v63  }
0x132: {  	_ =	swait.ge [sflag:s21], $0x80  }
0x133: {  	[sflag:s21] =	ssyncset.done $0x0  }
0x134: {  	[sflag:s21] =	ssyncadd.s32 $0xFFFFFF80  }
0x135: {  	[tilespmem:s24], [sflag:$0x1] =	stream.indirect.gather [hbm4b:s5+s23], $0x8, s22, s23, $0xb8;
	[tilespmem:$0x18D40] =	vst v63  }
0x136: {  	_ =	swait.ge [sflag:s25], $0x400  }
0x137: {  	[sflag:s25] =	ssyncset.done $0x0  }
0x138: {  	s16 =	sadd.s32 s3, s18;
	[sflag:s25] =	ssyncadd.s32 $0xFFFFFC00  }
0x139: {  	[tilespmem:s26], [sflag:$0x2] =	stream.linear.gather [hbm4b:s16+s2], $0x80, $0x38;
	[tilespmem:$0x18D40] =	vst v63  }
0x13a: {  	_ =	swait.ge [sflag:s21], $0x80  }
0x13b: {  	[sflag:s21] =	ssyncset.done $0x0  }
.Ltmp8:
0x13c: {  	[sflag:s21] =	ssyncadd.s32 $0xFFFFFF80;
	(pc) =	sbr.rel .LBB2_12-.Ltmp8, $4  }
0x13d: {  	[spmem:s1] =	stream.indirect.scatter.add.f32 [tilespmem:s24], [sflag:$0x2], $0x8, s26, s23, $0xb8;
	[tilespmem:$0x18D40] =	vst v63  }
0x13e: {  	_ =	swait.ge [sflag:s21], $0x400  }
0x13f: {  	[sflag:s21] =	ssyncset.done $0x0  }
0x140: {  	s11 =	smov.u32 s5;
	s3 =	rddreg [dreg:$0x4];
	[sflag:s21] =	ssyncadd.s32 $0xFFFFFC00  }
.LBB2_13:
0x141: {  	_ =	sfence.sel $0x180000  }
0x142: {  	[bflag:$0x0] =	sbarrier.arrive $0xFFFF  }
0x143: {  	_ =	strace $0x9000004D  }
0x144: {  	s0 =	stileid.u32;
	[bflag:$0x2] =	sbarrier.arrive $0xFFFF  }
0x145: {  	p0 =	sne.s32 s0, $0x0;
	s0 =	rddreg [dreg:$0x2]  }
0x146: {  	s0 =	sadd.s32 @!p0 $0x100000, s0  }
0x147: {  	[sflag:s0] =	ssyncadd.tile.s32 @!p0 $0x1;
	_ =	shalt  }
.Lfunc_end2:
_tile_overlayer_lowered:
.L_overlay_start_2:
0x148: {  	(tag) =	ssettag $0x2  }
0x149: {  	s0 =	rddreg [dreg:$0x0];
	s2 =	stileid.u32  }
0x14a: {  	s1 =	rddreg [dreg:$0x1];
	p0 =	sne.s32 s2, $0x0  }
0x14b: {  	s3 =	rddreg [dreg:$0x2];
	[bflag:$0x3] =	sbarrier.arrive $0xFFFF;
	s2 =	simm.s32 @!p0 $0x1C02  }
0x14c: {  	[timem:s3], [sflag:s2] =	dma.local @!p0 [hbm:s0], s1  }
0x14d: {  	s0 =	simm.s32 @!p0 $0x2  }
0x14e: {  	_ =	swait.ge @!p0 [sflag:s0], s1  }
0x14f: {  	s1 =	ssub.s32 @!p0 $0x0, s1;
	[sflag:s0] =	ssyncset.done @!p0 $0x0  }
0x150: {  	[sflag:s0] =	ssyncadd.s32 @!p0 s1  }
0x151: {  	[bflag:$0x3] =	sbarrier.arrive $0xFFFF  }
0x152: {  	_ =	shalt  }

// kernel: kernel.8.cloned.1.call-start
scs
__scs_entry_jumppad:
0x0: {  	(pc) =	sbr.rel $0x88, $3  }
0x1: {  	(tag) =	ssettag $0x0;
	lr =	simm.s32 $0x1  }
0x2: {  	[smem:$0x3F99] =	sst lr;
	_ =	strace $0xD0000000  }
0x3: {  	_ = 	snop  }
0x4: {  	_ = 	snop  }
0x5: {  	_ = 	snop  }
0x6: {  	_ = 	snop  }
0x7: {  	_ = 	snop  }
__scs_overlays_trampoline_lowered:
0x8: {  	[smem:$0x3FA8] =	sst s0  }
0x9: {  	[smem:$0x3FA9] =	sst s1  }
0xa: {  	[smem:$0x3FAA] =	sst s2  }
0xb: {  	[smem:$0x3FAB] =	sst s3  }
0xc: {  	[smem:$0x3FAC] =	sst s4  }
0xd: {  	[smem:$0x3FAD] =	sst s5  }
0xe: {  	[smem:$0x3FAE] =	sst s6  }
0xf: {  	[smem:$0x3FAF] =	sst s7  }
0x10: {  	[smem:$0x3FB0] =	sst s8  }
0x11: {  	[smem:$0x3FB1] =	sst s9;
	s0 =	simm.s32 @!p0 $0x0  }
0x12: {  	s1 =	sld [smem:$0x3F97];
	s0 =	simm.s32 @p0 $0x1  }
0x13: {  	[smem:$0x3FB2] =	sst s0;
	s0 =	simm.s32 @!p1 $0x0  }
0x14: {  	s2 =	sld [smem:$0x3F96];
	s0 =	simm.s32 @p1 $0x1  }
0x15: {  	[smem:$0x3FB3] =	sst s0;
	s0 =	simm.s32 @!p2 $0x0  }
0x16: {  	s3 =	sld [smem:$0x3FDB];
	s0 =	simm.s32 @p2 $0x1  }
0x17: {  	s4 =	simm.s32 $0x1BF5;
	[smem:$0x3FB5] =	sst s0  }
0x18: {  	s0 =	sld [smem:$0x3F98];
	_ =	swait.ge [sflag:s4], $0x0  }
0x19: {  	s7 =	sld [smem:$0x3F99]  }
0x1a: {  	s8 =	sadd.s32 $0xFFFFE003, lr  }
0x1b: {  	s9 =	sadd.s32 $0xFFFFFEF7, lr;
	s5 =	simm.s32 $0xFFFFFFFF;
	p2 =	slt.u32 s8, $0xFFFFF086  }
0x1c: {  	p1 =	slt.u32 s9, $0xF7A;
	s5 =	simm.s32 @!p2 $0x0  }
0x1d: {  	s5 =	simm.s32 @p1 $0x1;
	p0 =	seq.s32 s7, s2  }
0x1e: {  	s7 =	smul.u32 @!p0 $0xF7A, s2;
	p2 =	seq.s32 @!p0 s5, $0x0  }
0x1f: {  	s9 =	smul.u32 $0xF7A, s1;
	s8 =	simm.s32 @!p0 $0x1BF5;
	p2 =	por !p2, p0  }
0x20: {  	[sflag:s8] =	ssyncset.s32 @!p0 $0xFFFFF086;
	s6 =	sadd.s32 @!p0 s3, s7;
	s7 =	simm.s32 @!p0 $0x108  }
0x21: {  	s3 =	sadd.s32 s3, s9;
	s6 =	sadd.s32 @!p0 $0x88, s6;
	s7 =	simm.s32 @p2 $0x1082  }
0x22: {  	[simem:s7], [sflag:s8] =	dma.local @!p0 [hbm:s6], $0xF7A  }
0x23: {  	s9 =	sor.u32 $0xD0000000, s2;
	s6 =	simm.s32 $0x108;
	_ =	swait.ge @!p0 [sflag:s8], $0x0  }
0x24: {  	s3 =	sadd.s32 $0x88, s3;
	s6 =	simm.s32 @!p1 $0x1082;
	[sflag:s4] =	ssyncset.s32 $0xFFFFF086  }
0x25: {  	[simem:s6], [sflag:s4] =	dma.local [hbm:s3], $0xF7A  }
0x26: {  	[smem:$0x3F99] =	sst s1;
	(tag) =	ssettag s2;
	_ =	strace s9  }
0x27: {  	s1 =	sld [smem:$0x3FA9]  }
0x28: {  	s2 =	sld [smem:$0x3FAA]  }
0x29: {  	s4 =	sld [smem:$0x3FAC]  }
0x2a: {  	p0 =	seq.s32 s5, $0x0;
	s5 =	sld [smem:$0x3FAD]  }
0x2b: {  	s6 =	sld [smem:$0x3FAE]  }
0x2c: {  	s7 =	sld [smem:$0x3FAF]  }
0x2d: {  	s3 =	simm.s32 $0x108;
	s8 =	sld [smem:$0x3FB0]  }
0x2e: {  	s3 =	simm.s32 @!p0 $0x1082;
	s9 =	sld [smem:$0x3FB1]  }
0x2f: {  	lr =	sadd.s32 s0, s3;
	s0 =	sld [smem:$0x3FA8]  }
0x30: {  	s3 =	sld [smem:$0x3FAB]  }
0x31: {  	[smem:$0x3FB4] =	sst s10  }
0x32: {  	s10 =	sld [smem:$0x3FB2];
	_ =	sdelay $0x3  }
0x33: {  	p0 =	seq.s32 s10, $0x1;
	s10 =	sld [smem:$0x3FB4];
	_ =	sdelay $0x3  }
0x34: {  	[smem:$0x3FB4] =	sst s10  }
0x35: {  	s10 =	sld [smem:$0x3FB3];
	_ =	sdelay $0x3  }
0x36: {  	p1 =	seq.s32 s10, $0x1;
	s10 =	sld [smem:$0x3FB4];
	_ =	sdelay $0x3  }
0x37: {  	[smem:$0x3FB4] =	sst s10  }
0x38: {  	s10 =	sld [smem:$0x3FB5]  }
0x39: {  	_ = 	snop;
	(pc) =	sbr.ind lr, $3  }
0x3a: {  	_ = 	snop  }
0x3b: {  	_ = 	snop  }
0x3c: {  	p2 =	seq.s32 s10, $0x1;
	s10 =	sld [smem:$0x3FB4]  }
0x3d: {  	_ =	shalt  }
0x3e: {  	_ =	shalt  }
0x3f: {  	_ =	shalt  }
0x40: {  	_ =	shalt  }
0x41: {  	_ =	shalt  }
0x42: {  	_ =	shalt  }
0x43: {  	_ =	shalt  }
0x44: {  	_ =	shalt  }
0x45: {  	_ =	shalt  }
0x46: {  	_ =	shalt  }
0x47: {  	_ =	shalt  }
0x48: {  	_ =	shalt  }
0x49: {  	_ =	shalt  }
0x4a: {  	_ =	shalt  }
0x4b: {  	_ =	shalt  }
0x4c: {  	_ =	shalt  }
0x4d: {  	_ =	shalt  }
0x4e: {  	_ =	shalt  }
0x4f: {  	_ =	shalt  }
0x50: {  	_ =	shalt  }
0x51: {  	_ =	shalt  }
0x52: {  	_ =	shalt  }
0x53: {  	_ =	shalt  }
0x54: {  	_ =	shalt  }
0x55: {  	_ =	shalt  }
0x56: {  	_ =	shalt  }
0x57: {  	_ =	shalt  }
0x58: {  	_ =	shalt  }
0x59: {  	_ =	shalt  }
0x5a: {  	_ =	shalt  }
0x5b: {  	_ =	shalt  }
0x5c: {  	_ =	shalt  }
0x5d: {  	_ =	shalt  }
0x5e: {  	_ =	shalt  }
0x5f: {  	_ =	shalt  }
0x60: {  	_ =	shalt  }
0x61: {  	_ =	shalt  }
0x62: {  	_ =	shalt  }
0x63: {  	_ =	shalt  }
0x64: {  	_ =	shalt  }
0x65: {  	_ =	shalt  }
0x66: {  	_ =	shalt  }
0x67: {  	_ =	shalt  }
0x68: {  	_ =	shalt  }
0x69: {  	_ =	shalt  }
0x6a: {  	_ =	shalt  }
0x6b: {  	_ =	shalt  }
0x6c: {  	_ =	shalt  }
0x6d: {  	_ =	shalt  }
0x6e: {  	_ =	shalt  }
0x6f: {  	_ =	shalt  }
0x70: {  	_ =	shalt  }
0x71: {  	_ =	shalt  }
0x72: {  	_ =	shalt  }
0x73: {  	_ =	shalt  }
0x74: {  	_ =	shalt  }
0x75: {  	_ =	shalt  }
0x76: {  	_ =	shalt  }
0x77: {  	_ =	shalt  }
0x78: {  	_ =	shalt  }
0x79: {  	_ =	shalt  }
0x7a: {  	_ =	shalt  }
0x7b: {  	_ =	shalt  }
0x7c: {  	_ =	shalt  }
0x7d: {  	_ =	shalt  }
0x7e: {  	_ =	shalt  }
0x7f: {  	_ =	shalt  }
0x80: {  	_ =	shalt  }
0x81: {  	_ =	shalt  }
0x82: {  	_ =	shalt  }
0x83: {  	_ =	shalt  }
0x84: {  	_ =	shalt  }
0x85: {  	_ =	shalt  }
0x86: {  	_ =	shalt  }
0x87: {  	_ =	shalt  }
.Lfunc_end0:
.L_simem_size_0:
called_computation_lowered:
.L_overlay_start_0:
0x88: {  	s2 =	sld [smem:$0x3FD9]  }
0x89: {  	s3 =	sld [smem:$0x3FFE];
	_ =	sdelay $0x1  }
0x8a: {  	s1 =	srdreg.scid  }
0x8b: {  	s0 =	sand.u32 $0x1, s1  }
0x8c: {  	s16 =	sshll.u32 s0, $0xA;
	s2 =	sadd.s32 s3, s2  }
0x8d: {  	s2 =	sadd.s32 s2, s16  }
0x8e: {  	[smem:$0x3FC0] =	sst s2  }
0x8f: {  	_ = 	snop  }
0x90: {  	(tm) =	ssettm $0x1  }
0x91: {  	s17 =	sld [smem:$0x3FFB];
	_ =	sdelay $0x3  }
0x92: {  	_ =	strace s17  }
0x93: {  	s2 =	sld [smem:$0x3FFC];
	_ =	sdelay $0x3  }
0x94: {  	_ =	strace s2  }
0x95: {  	s2 =	sld [smem:$0x3FFD];
	_ =	sdelay $0x3  }
0x96: {  	_ =	strace s2  }
0x97: {  	_ =	strace $0x8FFFFFFF  }
0x98: {  	s18 =	sld [smem:$0x3FDB];
	_ =	sdelay $0x1  }
0x99: {  	s19 =	simm.s32 $_scs_section_size  }
0x9a: {  	s4 =	simm.s32 $_size__tile_overlayer_lowered;
	s5 =	simm.s32 $_tile_overlayer_lowered  }
0x9b: {  	s22 =	simm.s32 $0x1BFF;
	s21 =	sshll.u32 s5, $0x1;
	s2 =	sadd.s32 s19, s18  }
0x9c: {  	s6 =	simm.s32 $0x0;
	s20 =	sshll.u32 s4, $0x1;
	s4 =	sadd.s32 s21, s2  }
0x9d: {  	[timem:s6], [sflag:s22] =	dma.local [hbm:s4], s20  }
0x9e: {  	_ =	swait.ge [sflag:s22], s20  }
0x9f: {  	s3 =	ssub.s32 $0x0, s20;
	[sflag:s22] =	ssyncset.done $0x0  }
0xa0: {  	[sflag:s22] =	ssyncadd.s32 s3;
	_ =	sdelay $0x1  }
0xa1: {  	s23 =	simm.s32 $0x1B8B  }
0xa2: {  	_ =	swait.ge [sflag:s23], $0x1  }
0xa3: {  	[sflag:s23] =	ssyncset.done $0x0  }
0xa4: {  	s25 =	simm.s32 $0x1B8E;
	s24 =	sld [smem:$0x3FFE];
	[sflag:s23] =	ssyncadd.s32 $0xFFFFFFFF  }
0xa5: {  	s26 =	simm.s32 $execute0_lowered;
	[smem:$0x3FD2] =	sst s25  }
0xa6: {  	s4 =	sshll.u32 s26, $0x1;
	_ =	strace $0x80000046;
	[dreg:$0x1] =	wrdreg $0xFFFFFFFF  }
0xa7: {  	s28 =	simm.s32 $_size_execute0_lowered;
	s2 =	sadd.s32 s2, s4;
	[dreg:$0x0] =	wrdreg $0x0  }
0xa8: {  	s4 =	sshll.u32 s28, $0x1;
	[dreg:$0x2] =	wrdreg s2  }
0xa9: {  	[dreg:$0x3] =	wrdreg s4  }
0xaa: {  	[dreg:$0x4] =	wrdreg $0xC0  }
0xab: {  	_ =	task [dreg:s6], $0x5FFFF  }
0xac: {  	[dreg:$0x1] =	wrdreg $0xFFFFFFFF  }
0xad: {  	[dreg:$0x0] =	wrdreg $0x60  }
0xae: {  	[dreg:$0x2] =	wrdreg s24  }
0xaf: {  	[dreg:$0x3] =	wrdreg $0x0  }
0xb0: {  	[dreg:$0x4] =	wrdreg $0x9  }
0xb1: {  	_ =	task.clear_ibuf [dreg:s6], $0x5FFFF;
	_ =	strace $0x90000046  }
0xb2: {  	s29 =	simm.s32 $0x9;
	_ =	strace $0x80000048  }
0xb3: {  	_ =	swait.ge [sflag:s29], $0x1  }
0xb4: {  	[sflag:s29] =	ssyncadd.s32 $0xFFFFFFFF  }
0xb5: {  	_ =	strace $0x90000048  }
0xb6: {  	_ =	sfence  }
0xb7: {  	s30 =	sld [smem:$0x0];
	_ =	sdelay $0x2  }
0xb8: {  	s31 =	sshll.u32 s1, $0xD;
	s1 =	sshrl.u32 s1, $0x2  }
0xb9: {  	s3 =	sand.u32 $0x4000, s31;
	s1 =	sadd.s32 s1, s30  }
0xba: {  	s0 =	sor.u32 s3, s0;
	s1 =	sshll.u32 s1, $0x11  }
0xbb: {  	s0 =	sor.u32 s1, s0  }
0xbc: {  	s0 =	sadd.s32 $0x8F2B, s0  }
0xbd: {  	[sflag:s0] =	ssyncadd.remote.s32 $0x1  }
0xbe: {  	_ =	sfence.sel $0xFFFF  }
0xbf: {  	[dreg:$0x0] =	wrdreg $0xFFFFFFFF;
	(pc) =	sbr.abs _section_cstart, $3  }
0xc0: {  	[dreg:$0x1] =	wrdreg $0xFFFFFFFF  }
0xc1: {  	_ =	task.clear_ibuf [dreg:s6], $0x2FFFF;
	_ =	strace $0x9FFFFFFF  }
0xc2: {  	(tm) =	ssettm $0x7FFFFFFF  }
0xc3: {  	_ =	shalt  }
tec
execute0_lowered:
.L_overlay_start_1:
0x0: {  	(tag) =	ssettag $0x1  }
0x1: {  	s5 =	rddreg [dreg:$0x0]  }
0x2: {  	s2 =	rddreg [dreg:$0x1]  }
0x3: {  	s0 =	rddreg [dreg:$0x2]  }
0x4: {  	s3 =	simm.s32 $0x0;
	s1 =	stileid.u32;
	s4 =	srdreg.scid  }
0x5: {  	s15 =	simm.s32 $0x18D80;
	s16 =	simm.s32 $0x80;
	s17 =	simm.s32 $0x18E00  }
0x6: {  	s18 =	simm.s32 $0x50;
	s19 =	simm.s32 $0x0;
	s6 =	smul.u32 $0xC380, s1  }
0x7: {  	[smem:$0x7FF] =	sst s3;
	s10 =	sadd.s32 $0x32200, s5;
	s9 =	smul.u32 $0x1870, s1  }
0x8: {  	s7 =	sand.u32 $0x1, s4;
	s24 =	sshll.u32 s1, $0x1;
	s14 =	smul.u32 $0x186A0, s1  }
0x9: {  	_ =	strace $0x80000047;
	s4 =	sor.u32 s7, s24;
	s25 =	smul.u32 $0xC350, s7  }
0xa: {  	s11 =	ssub.s32 $0x2, s7;
	s28 =	smul.u32 $0x18700, s7;
	s8 =	sshrl.u32 s6, $0x3  }
0xb: {  	s12 =	smul.u32 $0xC350, s4;
	s4 =	sadd.s32 $0x202800, s5;
	s13 =	sshrl.u32 s11, $0x1  }
0xc: {  	s9 =	sadd.s32 s9, s5;
	s6 =	sadd.s32 s6, s2;
	s8 =	sadd.s32 s8, s5  }
0xd: {  	s11 =	ssub.s32 s11, s13;
	s30 =	sadd.s32 s25, s14;
	s9 =	sadd.s32 s28, s9  }
0xe: {  	s13 =	simm.s32 $0x18700;
	s14 =	simm.s32 $0x18B00;
	s5 =	sadd.s32 $0x1EA000, s8  }
0xf: {  	s26 =	sshrl.u32 s12, $0x3;
	s31 =	sshrl.u32 s30, $0x3;
	s8 =	sadd.s32 $0x202A00, s9  }
0x10: {  	s9 =	smax.u32 s11, $0x1;
	s11 =	simm.s32 $0xC380;
	s29 =	sadd.s32 s10, s26  }
0x11: {  	s12 =	simm.s32 $0x1;
	s10 =	sadd.s32 s31, s10;
	s7 =	sadd.s32 $0x1860, s29  }
.LBB2_1:
0x12: {  	[tilespmem:s11], [sflag:$0x1] =	stream.linear.gather [hbm4b:s5+s3], $0xC380, $0x38;
	[tilespmem:$0x18E50] =	vst v63  }
0x13: {  	_ =	swait.ge [sflag:s12], $0xC380  }
0x14: {  	[sflag:s12] =	ssyncset.done $0x0  }
0x15: {  	[sflag:s12] =	ssyncadd.s32 $0xFFFF3C80  }
0x16: {  	[spmem:s6] =	stream.linear.scatter [tilespmem:s11], [sflag:$0x1], $0xC380, $0x38;
	[tilespmem:$0x18E50] =	vst v63  }
0x17: {  	_ =	swait.ge [sflag:s12], $0xC380  }
0x18: {  	[sflag:s12] =	ssyncset.done $0x0  }
0x19: {  	[sflag:s12] =	ssyncadd.s32 $0xFFFF3C80  }
0x1a: {  	[tilespmem:s13], [sflag:$0x1] =	stream.linear.gather [hbm4b:s4+s3], $0x400, $0x38;
	[tilespmem:$0x18E50] =	vst v63  }
0x1b: {  	_ =	swait.ge [sflag:s12], $0x400  }
0x1c: {  	[sflag:s12] =	ssyncset.done $0x0  }
0x1d: {  	[sflag:s12] =	ssyncadd.s32 $0xFFFFFC00  }
0x1e: {  	[tilespmem:s14], [sflag:$0x1] =	stream.linear.gather [hbm4b:s4+s3], $0x280, $0x38;
	[tilespmem:$0x18E50] =	vst v63  }
0x1f: {  	_ =	swait.ge [sflag:s12], $0x280  }
0x20: {  	[sflag:s12] =	ssyncset.done $0x0  }
0x21: {  	[sflag:s12] =	ssyncadd.s32 $0xFFFFFD80  }
0x22: {  	s20 =	sadd.s32 $0x0, s10;
	[bflag:$0x0] =	sbarrier.arrive $0xFFFF  }
0x23: {  	[tilespmem:s15], [sflag:$0x1] =	stream.linear.gather [hbm4b:s20+s3], $0x80, $0x38;
	[tilespmem:$0x18E50] =	vst v63  }
0x24: {  	_ =	swait.ge [sflag:s12], $0x80  }
0x25: {  	[sflag:s12] =	ssyncset.done $0x0  }
0x26: {  	[sflag:s12] =	ssyncadd.s32 $0xFFFFFF80  }
0x27: {  	[spmem:s2] =	stream.indirect.scatter.add.f32 [tilespmem:s13], [sflag:$0x1], $0x8, s15, s16, $0xb8;
	[tilespmem:$0x18E50] =	vst v63  }
0x28: {  	_ =	swait.ge [sflag:s12], $0x400  }
0x29: {  	s21 =	simm.s32 $0x20;
	s20 =	simm.s32 $0x10;
	[sflag:s12] =	ssyncset.done $0x0  }
.LBB2_2:
0x2a: {  	s22 =	sadd.s32 s20, s10  }
0x2b: {  	[sflag:s12] =	ssyncadd.s32 $0xFFFFFC00;
	s20 =	smov.u32 s21;
	s23 =	sadd.s32 $0x10, s21  }
0x2c: {  	[tilespmem:s15], [sflag:$0x1] =	stream.linear.gather [hbm4b:s22+s3], $0x80, $0x38;
	[tilespmem:$0x18E50] =	vst v63  }
0x2d: {  	p0 =	sne.s32 s21, $0x1850;
	_ =	swait.ge [sflag:s12], $0x80  }
.Ltmp0:
0x2e: {  	[sflag:s12] =	ssyncset.done $0x0;
	(pc) =	sbr.rel @p0 .LBB2_2-.Ltmp0, $4  }
0x2f: {  	[sflag:s12] =	ssyncadd.s32 $0xFFFFFF80  }
0x30: {  	[spmem:s2] =	stream.indirect.scatter.add.f32 [tilespmem:s13], [sflag:$0x1], $0x8, s15, s16, $0xb8;
	[tilespmem:$0x18E50] =	vst v63  }
0x31: {  	_ =	swait.ge [sflag:s12], $0x400  }
0x32: {  	s21 =	smov.u32 s23;
	[sflag:s12] =	ssyncset.done $0x0  }
0x33: {  	s20 =	sadd.s32 s20, s10;
	[sflag:s12] =	ssyncadd.s32 $0xFFFFFC00  }
0x34: {  	[tilespmem:s15], [sflag:$0x1] =	stream.linear.gather [hbm4b:s20+s3], $0x80, $0x38;
	[tilespmem:$0x18E50] =	vst v63  }
0x35: {  	_ =	swait.ge [sflag:s12], $0x80  }
0x36: {  	[sflag:s12] =	ssyncset.done $0x0  }
0x37: {  	[sflag:s12] =	ssyncadd.s32 $0xFFFFFF80  }
0x38: {  	[spmem:s2] =	stream.indirect.scatter.add.f32 [tilespmem:s13], [sflag:$0x1], $0x8, s15, s16, $0xb8;
	[tilespmem:$0x18E50] =	vst v63  }
0x39: {  	_ =	swait.ge [sflag:s12], $0x400  }
0x3a: {  	[sflag:s12] =	ssyncset.done $0x0  }
0x3b: {  	[sflag:s12] =	ssyncadd.s32 $0xFFFFFC00  }
0x3c: {  	[tilespmem:s17], [sflag:$0x1] =	stream.linear.gather [hbm4b:s7+s3], $0x50, $0x38;
	[tilespmem:$0x18E50] =	vst v63  }
0x3d: {  	_ =	swait.ge [sflag:s12], $0x50  }
0x3e: {  	[sflag:s12] =	ssyncset.done $0x0  }
0x3f: {  	[sflag:s12] =	ssyncadd.s32 $0xFFFFFFB0  }
0x40: {  	[spmem:s2] =	stream.indirect.scatter.add.f32 [tilespmem:s14], [sflag:$0x1], $0x8, s17, s18, $0xb8;
	[tilespmem:$0x18E50] =	vst v63  }
0x41: {  	_ =	swait.ge [sflag:s12], $0x280  }
0x42: {  	[sflag:s12] =	ssyncset.done $0x0  }
0x43: {  	[sflag:s12] =	ssyncadd.s32 $0xFFFFFD80  }
0x44: {  	[bflag:$0x0] =	sbarrier.arrive $0xFFFF  }
0x45: {  	[tilespmem:s11], [sflag:$0x1] =	stream.linear.gather [spmem:s6], $0xC380, $0x38;
	[tilespmem:$0x18E50] =	vst v63  }
0x46: {  	s19 =	sadd.s32 $0x1, s19;
	_ =	swait.ge [sflag:s12], $0xC380  }
0x47: {  	p0 =	sne.s32 s19, s9;
	[sflag:s12] =	ssyncset.done $0x0  }
.Ltmp1:
0x48: {  	[sflag:s12] =	ssyncadd.s32 $0xFFFF3C80;
	(pc) =	sbr.rel @p0 .LBB2_1-.Ltmp1, $4  }
0x49: {  	[hbm4b:s8+s3] =	stream.linear.scatter [tilespmem:s11], [sflag:$0x1], $0xC380, $0x38;
	[tilespmem:$0x18E50] =	vst v63  }
0x4a: {  	_ =	swait.ge [sflag:s12], $0xC380  }
0x4b: {  	[sflag:s12] =	ssyncset.done $0x0  }
0x4c: {  	[sflag:s12] =	ssyncadd.s32 $0xFFFF3C80  }
0x4d: {  	_ =	sfence.sel $0x180000  }
0x4e: {  	[bflag:$0x0] =	sbarrier.arrive $0xFFFF  }
0x4f: {  	p0 =	sne.s32 s1, $0x0;
	_ =	strace $0x90000047  }
0x50: {  	s0 =	sadd.s32 @!p0 $0x100000, s0;
	[bflag:$0x2] =	sbarrier.arrive $0xFFFF  }
0x51: {  	[sflag:s0] =	ssyncadd.tile.s32 @!p0 $0x1;
	_ =	shalt  }
.Lfunc_end2:
_tile_overlayer_lowered:
.L_overlay_start_2:
0x52: {  	(tag) =	ssettag $0x2  }
0x53: {  	s0 =	rddreg [dreg:$0x0];
	s2 =	stileid.u32  }
0x54: {  	s1 =	rddreg [dreg:$0x1];
	p0 =	sne.s32 s2, $0x0  }
0x55: {  	s3 =	rddreg [dreg:$0x2];
	[bflag:$0x3] =	sbarrier.arrive $0xFFFF;
	s2 =	simm.s32 @!p0 $0x1C01  }
0x56: {  	[timem:s3], [sflag:s2] =	dma.local @!p0 [hbm:s0], s1  }
0x57: {  	s0 =	simm.s32 @!p0 $0x1  }
0x58: {  	_ =	swait.ge @!p0 [sflag:s0], s1  }
0x59: {  	s1 =	ssub.s32 @!p0 $0x0, s1;
	[sflag:s0] =	ssyncset.done @!p0 $0x0  }
0x5a: {  	[sflag:s0] =	ssyncadd.s32 @!p0 s1  }
0x5b: {  	[bflag:$0x3] =	sbarrier.arrive $0xFFFF  }
0x5c: {  	_ =	shalt  }

</sc_bundles>
